<compile_context>
chip_gen: v7x
topology: tpu7x:2x2x1
jax: 0.10.2.dev20260603
libtpu: 0.0.44.dev20260713+nightly
codegen_flags: <defaults>
</compile_context>

<pallas_src>
import math
import functools

import jax
import jax.numpy as jnp
from jax import lax
from jax.experimental import pallas as pl
from jax.experimental.pallas import tpu as pltpu
from jax.experimental.pallas import tpu_sc as plsc

R, N = 128, 32768
K = math.floor(0.1 * N)
NVEC = N // 16
CAP = 4096
NW = 32
ROWS_PER_W = R // NW
SENT_HI = 0x7FFFFFFF


def _lane0(v):
    return lax.squeeze(lax.slice(v, (0,), (1,)), (0,))


def _lane15(v):
    return lax.squeeze(lax.slice(v, (15,), (16,)), (0,))


def _sc_body(x_hbm, out_hbm, P0, P1, h1a, h1b, h2a, h2b,
             BA0, BB0, TA0, TB0, IA0, IB0,
             BA1, BB1, TA1, TB1, IA1, IB1):
    wid = lax.axis_index("s") * 2 + lax.axis_index("c")
    lane = lax.iota(jnp.int32, 16)
    zeros16 = jnp.zeros((16,), jnp.int32)

    czero, _ = plsc.scan_count(zeros16)
    c0 = jnp.min(czero)
    e0 = jnp.int32(1) - c0

    ones16 = jnp.ones((16,), jnp.int32)

    def hist_bump(href, d):
        plsc.addupdate_scatter(href, [d], ones16)

    def rank_bump(href, d, cnt, lastm):
        base = plsc.load_gather(href, [d])
        plsc.store_scatter(href, [d], base + cnt + e0, mask=lastm)
        return base

    def clear2(ha, hb, nv):
        def body(i, _):
            ha[pl.ds(i * 16, 16)] = zeros16
            hb[pl.ds(i * 16, 16)] = zeros16
            return 0
        lax.fori_loop(0, nv, body, 0)

    def radix_pass2(shift, s0, d0, is0, id0, nb0, s1, d1, is1, id1, nb1):
        clear2(h2a, h2b, 64)
        nb = jnp.maximum(nb0, nb1)

        def hist(i, _):
            vi = zeros16 + i
            m0 = vi < nb0
            m1 = vi < nb1
            u0 = s0[pl.ds(i * 16, 16)]
            u1 = s1[pl.ds(i * 16, 16)]
            g0 = (u0 >> shift) & 1023
            g1 = (u1 >> shift) & 1023
            plsc.addupdate_scatter(h2a, [g0], ones16, mask=m0)
            plsc.addupdate_scatter(h2b, [g1], ones16, mask=m1)
            return 0
        lax.fori_loop(0, nb, hist, 0)

        def csum(i, carry):
            ca, cb = carry
            va = h2a[pl.ds(i * 16, 16)]
            vb = h2b[pl.ds(i * 16, 16)]
            sa = plsc.cumsum(va)
            sb = plsc.cumsum(vb)
            h2a[pl.ds(i * 16, 16)] = sa - va + ca
            h2b[pl.ds(i * 16, 16)] = sb - vb + cb
            return (ca + _lane15(sa), cb + _lane15(sb))
        lax.fori_loop(0, 64, csum, (jnp.int32(0), jnp.int32(0)))

        def scat(i, _):
            vi = zeros16 + i
            m0 = vi < nb0
            m1 = vi < nb1
            u0 = s0[pl.ds(i * 16, 16)]
            u1 = s1[pl.ds(i * 16, 16)]
            g0 = (u0 >> shift) & 1023
            g1 = (u1 >> shift) & 1023
            c0v, l0v = plsc.scan_count(g0, m0)
            c1v, l1v = plsc.scan_count(g1, m1)
            b0 = rank_bump(h2a, g0, c0v, l0v)
            b1 = rank_bump(h2b, g1, c1v, l1v)
            o0 = b0 + c0v - c0
            o1 = b1 + c1v - c0
            plsc.store_scatter(d0, [o0], u0, mask=m0)
            plsc.store_scatter(d1, [o1], u1, mask=m1)
            if is0 is not None:
                plsc.store_scatter(id0, [o0], is0[pl.ds(i * 16, 16)], mask=m0)
                plsc.store_scatter(id1, [o1], is1[pl.ds(i * 16, 16)], mask=m1)
            return 0
        lax.fori_loop(0, nb, scat, 0)

    def pair_body(pp, _):
        row0 = wid * ROWS_PER_W + pp * 2
        row1 = row0 + 1
        pltpu.sync_copy(x_hbm.at[row0], P0)
        pltpu.sync_copy(x_hbm.at[row1], P1)

        clear2(h1a, h1b, 256)

        def mh(i, carry):
            acc0, acc1 = carry
            a0 = jnp.abs(P0[pl.ds(i * 16, 16)])
            a1 = jnp.abs(P1[pl.ds(i * 16, 16)])
            g0 = plsc.bitcast(a0, jnp.int32) >> 19
            g1 = plsc.bitcast(a1, jnp.int32) >> 19
            hist_bump(h1a, g0)
            hist_bump(h1b, g1)
            return (jnp.maximum(acc0, a0), jnp.maximum(acc1, a1))
        z16f = jnp.zeros((16,), jnp.float32)
        acc0, acc1 = lax.fori_loop(0, NVEC, mh, (z16f, z16f))
        m0 = jnp.max(acc0)
        m1 = jnp.max(acc1)
        r0 = jnp.float32(1.0) / (jnp.zeros((16,), jnp.float32) + m0)
        r1 = jnp.float32(1.0) / (jnp.zeros((16,), jnp.float32) + m1)

        def cs1(i, carry):
            ca, t1a, t2a, cb, t1b, t2b = carry
            va = h1a[pl.ds(i * 16, 16)]
            vb = h1b[pl.ds(i * 16, 16)]
            sa = plsc.cumsum(va)
            sb = plsc.cumsum(vb)
            exa = sa - va + ca
            exb = sb - vb + cb
            t1a = t1a + _lane0(plsc.all_reduce_population_count(exa < K))
            t2a = t2a + _lane0(plsc.all_reduce_population_count(exa <= N - K))
            t1b = t1b + _lane0(plsc.all_reduce_population_count(exb < K))
            t2b = t2b + _lane0(plsc.all_reduce_population_count(exb <= N - K))
            return (ca + _lane15(sa), t1a, t2a, cb + _lane15(sb), t1b, t2b)
        z = jnp.int32(0)
        _, t1_0, t2_0, _, t1_1, t2_1 = lax.fori_loop(
            0, 256, cs1, (z, z, z, z, z, z))
        H0 = t2_0 - 1
        H1 = t2_1 - 1

        def cp(i, carry):
            pb0, pt0, pb1, pt1 = carry
            sl = pl.ds(i * 16, 16)
            a0 = jnp.abs(P0[sl])
            a1 = jnp.abs(P1[sl])
            g0 = plsc.bitcast(a0, jnp.int32) >> 19
            g1 = plsc.bitcast(a1, jnp.int32) >> 19
            p0 = a0 * r0
            p1 = a1 * r1
            P0[sl] = p0
            P1[sl] = p1
            u0 = plsc.bitcast(p0, jnp.int32)
            u1 = plsc.bitcast(p1, jnp.int32)
            mB0 = g0 < t1_0
            mT0 = g0 >= H0
            mB1 = g1 < t1_1
            mT1 = g1 >= H1
            ix = lane + i * 16
            plsc.store_compressed(BA0.at[pl.ds(pb0, 16)], u0, mask=mB0)
            plsc.store_compressed(TA0.at[pl.ds(pt0, 16)], u0, mask=mT0)
            plsc.store_compressed(IA0.at[pl.ds(pt0, 16)], ix, mask=mT0)
            plsc.store_compressed(BA1.at[pl.ds(pb1, 16)], u1, mask=mB1)
            plsc.store_compressed(TA1.at[pl.ds(pt1, 16)], u1, mask=mT1)
            plsc.store_compressed(IA1.at[pl.ds(pt1, 16)], ix, mask=mT1)
            pb0 = pb0 + _lane0(plsc.all_reduce_population_count(mB0))
            pt0 = pt0 + _lane0(plsc.all_reduce_population_count(mT0))
            pb1 = pb1 + _lane0(plsc.all_reduce_population_count(mB1))
            pt1 = pt1 + _lane0(plsc.all_reduce_population_count(mT1))
            return (pb0, pt0, pb1, pt1)
        pb0, pt0, pb1, pt1 = lax.fori_loop(0, NVEC, cp, (z, z, z, z))

        sent = jnp.full((16,), SENT_HI, jnp.int32)
        BA0[pl.ds(pb0, 16)] = sent
        BA1[pl.ds(pb1, 16)] = sent
        TA0[pl.ds(pt0, 16)] = zeros16
        TA1[pl.ds(pt1, 16)] = zeros16
        IA0[pl.ds(pt0, 16)] = zeros16
        IA1[pl.ds(pt1, 16)] = zeros16
        nbB0 = (pb0 + 15) >> 4
        nbB1 = (pb1 + 15) >> 4
        nbT0 = (pt0 + 15) >> 4
        nbT1 = (pt1 + 15) >> 4
        STp0 = nbT0 * 16
        STp1 = nbT1 * 16

        radix_pass2(10, BA0, BB0, None, None, nbB0, BA1, BB1, None, None, nbB1)
        radix_pass2(20, BB0, BA0, None, None, nbB0, BB1, BA1, None, None, nbB1)

        radix_pass2(0, TA0, TB0, IA0, IB0, nbT0, TA1, TB1, IA1, IB1, nbT1)
        radix_pass2(10, TB0, TA0, IB0, IA0, nbT0, TB1, TA1, IB1, IA1, nbT1)
        radix_pass2(20, TA0, TB0, IA0, IB0, nbT0, TA1, TB1, IA1, IB1, nbT1)

        def rep(i, _):
            t = jnp.minimum(lane + i * 16, K - 1)
            j0 = STp0 - K + t
            j1 = STp1 - K + t
            vu0 = plsc.load_gather(TB0, [j0])
            ti0 = plsc.load_gather(IB0, [j0])
            bu0 = plsc.load_gather(BA0, [K - 1 - t])
            vu1 = plsc.load_gather(TB1, [j1])
            ti1 = plsc.load_gather(IB1, [j1])
            bu1 = plsc.load_gather(BA1, [K - 1 - t])
            v0 = plsc.bitcast(vu0, jnp.float32)
            b0 = plsc.bitcast(bu0, jnp.float32)
            v1 = plsc.bitcast(vu1, jnp.float32)
            b1 = plsc.bitcast(bu1, jnp.float32)
            plsc.store_scatter(P0, [ti0], v0 - (v0 - b0))
            plsc.store_scatter(P1, [ti1], v1 - (v1 - b1))
            return 0
        lax.fori_loop(0, (K + 15) // 16, rep, 0)

        pltpu.sync_copy(P0, out_hbm.at[row0])
        pltpu.sync_copy(P1, out_hbm.at[row1])
        return 0

    lax.fori_loop(0, ROWS_PER_W // 2, pair_body, 0)


@functools.partial(jax.jit, static_argnums=())
def _sc_topk_replace(x):
    row_scratch = []
    for _ in range(2):
        row_scratch += [pltpu.VMEM((CAP,), jnp.int32) for _ in range(6)]
    kfn = pl.kernel(
        _sc_body,
        out_type=jax.ShapeDtypeStruct((R, N), jnp.float32),
        mesh=plsc.VectorSubcoreMesh(core_axis_name="c", subcore_axis_name="s"),
        compiler_params=pltpu.CompilerParams(needs_layout_passes=False),
        scratch_types=[
            pltpu.VMEM((N,), jnp.float32),
            pltpu.VMEM((N,), jnp.float32),
            pltpu.VMEM((4096,), jnp.int32),
            pltpu.VMEM((4096,), jnp.int32),
            pltpu.VMEM((1024,), jnp.int32),
            pltpu.VMEM((1024,), jnp.int32),
        ] + row_scratch,
    )
    return kfn(x)


def _rotl(v, d):
    u = jnp.uint32(d)
    return (v << u) | (v >> jnp.uint32(32 - d))


def _ugen_body(u_ref, *, block_cols):
    i = pl.program_id(0)
    rows_blk, cols_blk = R, block_cols
    row = lax.broadcasted_iota(jnp.uint32, (rows_blk, cols_blk), 0)
    col = lax.broadcasted_iota(jnp.uint32, (rows_blk, cols_blk), 1)
    n = row * jnp.uint32(N) + col + jnp.uint32(block_cols) * i.astype(jnp.uint32)
    ks0 = jnp.uint32(0)
    ks1 = jnp.uint32(42)
    ks2 = jnp.uint32(42 ^ 0x1BD11BDA)
    x0 = jnp.full_like(n, ks0)
    x1 = n + ks1

    def rounds(x0, x1, rots):
        for r in rots:
            x0 = x0 + x1
            x1 = _rotl(x1, r)
            x1 = x0 ^ x1
        return x0, x1

    ra = (13, 15, 26, 6)
    rb = (17, 29, 16, 24)
    x0, x1 = rounds(x0, x1, ra)
    x0 += ks1
    x1 += ks2 + jnp.uint32(1)
    x0, x1 = rounds(x0, x1, rb)
    x0 += ks2
    x1 += ks0 + jnp.uint32(2)
    x0, x1 = rounds(x0, x1, ra)
    x0 += ks0
    x1 += ks1 + jnp.uint32(3)
    x0, x1 = rounds(x0, x1, rb)
    x0 += ks1
    x1 += ks2 + jnp.uint32(4)
    x0, x1 = rounds(x0, x1, ra)
    x0 += ks2
    x1 += ks0 + jnp.uint32(5)
    bits = x0 ^ x1

    fb = (bits >> jnp.uint32(9)) | jnp.uint32(0x3F800000)
    u_ref[...] = lax.bitcast_convert_type(fb, jnp.float32) - jnp.float32(1.0)


def _gen_uniform():
    block_cols = 4096
    return pl.pallas_call(
        functools.partial(_ugen_body, block_cols=block_cols),
        grid=(N // block_cols,),
        in_specs=[],
        out_specs=pl.BlockSpec((R, block_cols), lambda i: (0, i)),
        out_shape=jax.ShapeDtypeStruct((R, N), jnp.float32),
    )()


def _sel_body(x_ref, p_ref, u_ref, o_ref):
    x = x_ref[...]
    keep = u_ref[...] < (jnp.float32(1.0) - p_ref[...])
    o_ref[...] = jnp.where(keep, x, jnp.float32(0.0))


def _apply_mask(x, prob, u):
    block_cols = 8192
    return pl.pallas_call(
        _sel_body,
        grid=(N // block_cols,),
        in_specs=[
            pl.BlockSpec((R, block_cols), lambda i: (0, i)),
            pl.BlockSpec((R, block_cols), lambda i: (0, i)),
            pl.BlockSpec((R, block_cols), lambda i: (0, i)),
        ],
        out_specs=pl.BlockSpec((R, block_cols), lambda i: (0, i)),
        out_shape=jax.ShapeDtypeStruct((R, N), jnp.float32),
    )(x, prob, u)


def kernel(x):
    u = _gen_uniform()
    new_prob = _sc_topk_replace(x)
    return _apply_mask(x, new_prob, u)

# --- scband reference (transcript-rebuilt; emitter-appended) ---
"""Pipeline reference for scband-ctrlb-dropout-62929860821585 (READ-ONLY COPY).

The authoritative reference and input builder live on the scoring server;
editing this copy changes nothing except your own understanding.
"""

import jax, jax.numpy as jnp
import numpy as np
import math


def setup_inputs(seed: int = 0) -> dict:
    key = jax.random.key(seed)
    x = jax.random.normal(key, (128, 32768), dtype=jnp.float32)
    return {"x": x}


def reference(x):
    # Faithful translation of CtrlbDropout.forward in training mode.
    g = x ** 2
    orderedS = jnp.abs(g) ** 0.5
    prob = orderedS / jnp.max(orderedS, axis=1, keepdims=True)
    k = math.floor(0.1 * prob.shape[1])
    # top-k (largest) and bottom-k (smallest) per row
    top_half, top_idx = jax.lax.top_k(prob, k)
    neg_vals, btm_idx = jax.lax.top_k(-prob, k)
    top_g = jnp.take_along_axis(prob, top_idx, axis=1)
    btm_g = jnp.take_along_axis(prob, btm_idx, axis=1)
    scalling = top_g - (top_g - btm_g)
    rows = jnp.arange(prob.shape[0])[:, None]
    prob = prob.at[rows, top_idx].set(scalling)
    prob = jnp.clip(prob, 0.0, 1.0)
    # torch.bernoulli(1 - prob): keep element with probability (1 - prob)
    mask_key = jax.random.key(42)
    drop = jax.random.bernoulli(mask_key, 1.0 - prob).astype(x.dtype)
    # mask is computed under torch.no_grad() -> constant w.r.t. autodiff
    drop = jax.lax.stop_gradient(drop)
    return x * drop

if __name__ == "__main__":
    import jax
    _d = setup_inputs()
    print(jax.jit(kernel)(*tuple(_d.values())))

</pallas_src>

<mosaic_0001>
#map = affine_map<(d0, d1) -> (0, 0)>
module attributes {stable_mosaic.version = 14 : i64} {
  func.func @_sc_body(%arg0: i32, %arg1: i32, %arg2: memref<128x32768xf32, #tpu.memory_space<hbm>>, %arg3: memref<128x32768xf32, #tpu.memory_space<hbm>>, %arg4: memref<32768xf32, #tpu.memory_space<vmem>>, %arg5: memref<32768xf32, #tpu.memory_space<vmem>>, %arg6: memref<4096xi32, #tpu.memory_space<vmem>>, %arg7: memref<4096xi32, #tpu.memory_space<vmem>>, %arg8: memref<1024xi32, #tpu.memory_space<vmem>>, %arg9: memref<1024xi32, #tpu.memory_space<vmem>>, %arg10: memref<4096xi32, #tpu.memory_space<vmem>>, %arg11: memref<4096xi32, #tpu.memory_space<vmem>>, %arg12: memref<4096xi32, #tpu.memory_space<vmem>>, %arg13: memref<4096xi32, #tpu.memory_space<vmem>>, %arg14: memref<4096xi32, #tpu.memory_space<vmem>>, %arg15: memref<4096xi32, #tpu.memory_space<vmem>>, %arg16: memref<4096xi32, #tpu.memory_space<vmem>>, %arg17: memref<4096xi32, #tpu.memory_space<vmem>>, %arg18: memref<4096xi32, #tpu.memory_space<vmem>>, %arg19: memref<4096xi32, #tpu.memory_space<vmem>>, %arg20: memref<4096xi32, #tpu.memory_space<vmem>>, %arg21: memref<4096xi32, #tpu.memory_space<vmem>>) attributes {dimension_semantics = [#tpu.dimension_semantics<core_parallel>, #tpu.dimension_semantics<subcore_parallel>], iteration_bounds = array<i64: 2, 16>, scalar_prefetch = 0 : i64, scratch_operands = 18 : i64, tpu.core_type = #tpu.core_type<sc_vector_subcore>, window_params = [{transform_indices = #map}, {transform_indices = #map}]} {
    %mul3A = arith.constant 2 : i32
    %mul3A_0 = arith.muli %arg1, %mul3A : i32
    %add3A = arith.addi %mul3A_0, %arg0 : i32
    %iota3A = tpu.iota {dimensions = array<i32: 0>} : vector<16xi32>
    %broadcast_in_dim3A = arith.constant 0 : i32
    %broadcast_in_dim3A_1 = vector.broadcast %broadcast_in_dim3A : i32 to vector<16xi32>
    %broadcast_in_dim3A_2 = arith.constant true
    %broadcast_in_dim3A_3 = vector.broadcast %broadcast_in_dim3A_2 : i1 to vector<16xi1>
    %unique3A, %unique3A_4 = tpu.scan_count mask(%broadcast_in_dim3A_3 : vector<16xi1>) value(%broadcast_in_dim3A_1 : vector<16xi32>) : vector<16xi1>, vector<16xi32>
    %reduce_min3A = arith.constant true
    %reduce_min3A_5 = vector.broadcast %reduce_min3A : i1 to vector<16xi1>
    %reduce_min3A_6 = arith.constant -2147483648 : i32
    %reduce_min3A_7 = vector.broadcast %reduce_min3A_6 : i32 to vector<16xi32>
    %reduce_min3A_8 = arith.xori %unique3A_4, %reduce_min3A_7 : vector<16xi32>
    %reduce_min3A_9 = tpu.scan <min>, %reduce_min3A_8 masked %reduce_min3A_5 : vector<16xi32>, vector<16xi1> -> vector<16xi32>
    %reduce_min3A_10 = arith.xori %reduce_min3A_9, %reduce_min3A_7 : vector<16xi32>
    %reduce_min3A_11 = vector.extract %reduce_min3A_10[15] : i32 from vector<16xi32>
    %sub3A = arith.constant 1 : i32
    %sub3A_12 = arith.subi %sub3A, %reduce_min3A_11 : i32
    %broadcast_in_dim3A_13 = arith.constant 1 : i32
    %broadcast_in_dim3A_14 = vector.broadcast %broadcast_in_dim3A_13 : i32 to vector<16xi32>
    %scan3A = arith.constant 0 : i32
    %scan3A_15 = arith.constant 0 : i32
    %scan3A_16 = arith.constant 2 : i32
    %scan3A_17 = arith.addi %scan3A_15, %scan3A_16 : i32
    %scan3A_18 = arith.constant 1 : i32
    %scan3A_19 = scf.for %scan3A_21 = %scan3A_15 to %scan3A_17 step %scan3A_18 iter_args(%scan3A_22 = %scan3A) -> (i32)  : i32 {
      %mul3A_23 = arith.constant 4 : i32
      %mul3A_24 = arith.muli %add3A, %mul3A_23 : i32
      %mul3A_25 = arith.constant 2 : i32
      %mul3A_26 = arith.muli %scan3A_21, %mul3A_25 : i32
      %add3A_27 = arith.addi %mul3A_24, %mul3A_26 : i32
      %add3A_28 = arith.constant 1 : i32
      %add3A_29 = arith.addi %add3A_27, %add3A_28 : i32
      "tpu.region"() ({
        %run_scoped3A = tpu.sem_alloc : memref<!tpu.dma_semaphore, #tpu.memory_space<semaphore_mem>>
        %dma_start3A = arith.constant 0 : i32
        %dma_start3A_329 = tpu.memref_slice %arg2[%add3A_27, %dma_start3A] : memref<128x32768xf32, #tpu.memory_space<hbm>> -> memref<1x32768xf32, #tpu.memory_space<hbm>>
        %dma_start3A_330 = tpu.memref_squeeze %dma_start3A_329 : memref<1x32768xf32, #tpu.memory_space<hbm>> -> memref<32768xf32, #tpu.memory_space<hbm>>
        %dma_start3A_331 = arith.constant 0 : i32
        %dma_start3A_332 = tpu.memref_slice %arg2[%add3A_27, %dma_start3A_331] : memref<128x32768xf32, #tpu.memory_space<hbm>> -> memref<1x32768xf32, #tpu.memory_space<hbm>>
        %dma_start3A_333 = tpu.memref_squeeze %dma_start3A_332 : memref<1x32768xf32, #tpu.memory_space<hbm>> -> memref<32768xf32, #tpu.memory_space<hbm>>
        tpu.enqueue_dma source(%dma_start3A_333 : memref<32768xf32, #tpu.memory_space<hbm>>) target(%arg4 : memref<32768xf32, #tpu.memory_space<vmem>>) target_semaphore(%run_scoped3A : memref<!tpu.dma_semaphore, #tpu.memory_space<semaphore_mem>>)
        %dma_wait3A = arith.constant 0 : i32
        %dma_wait3A_334 = tpu.memref_slice %arg2[%add3A_27, %dma_wait3A] : memref<128x32768xf32, #tpu.memory_space<hbm>> -> memref<1x32768xf32, #tpu.memory_space<hbm>>
        %dma_wait3A_335 = tpu.memref_squeeze %dma_wait3A_334 : memref<1x32768xf32, #tpu.memory_space<hbm>> -> memref<32768xf32, #tpu.memory_space<hbm>>
        %dma_wait3A_336 = arith.constant 0 : i32
        %dma_wait3A_337 = tpu.memref_slice %arg2[%add3A_27, %dma_wait3A_336] : memref<128x32768xf32, #tpu.memory_space<hbm>> -> memref<1x32768xf32, #tpu.memory_space<hbm>>
        %dma_wait3A_338 = tpu.memref_squeeze %dma_wait3A_337 : memref<1x32768xf32, #tpu.memory_space<hbm>> -> memref<32768xf32, #tpu.memory_space<hbm>>
        tpu.wait_dma2 semaphore(%run_scoped3A : memref<!tpu.dma_semaphore, #tpu.memory_space<semaphore_mem>>) src(%dma_wait3A_338 : memref<32768xf32, #tpu.memory_space<hbm>>) dst(%arg4 : memref<32768xf32, #tpu.memory_space<vmem>>)
        tpu.yield
      }) : () -> ()
      "tpu.region"() ({
        %run_scoped3A = tpu.sem_alloc : memref<!tpu.dma_semaphore, #tpu.memory_space<semaphore_mem>>
        %dma_start3A = arith.constant 0 : i32
        %dma_start3A_329 = tpu.memref_slice %arg2[%add3A_29, %dma_start3A] : memref<128x32768xf32, #tpu.memory_space<hbm>> -> memref<1x32768xf32, #tpu.memory_space<hbm>>
        %dma_start3A_330 = tpu.memref_squeeze %dma_start3A_329 : memref<1x32768xf32, #tpu.memory_space<hbm>> -> memref<32768xf32, #tpu.memory_space<hbm>>
        %dma_start3A_331 = arith.constant 0 : i32
        %dma_start3A_332 = tpu.memref_slice %arg2[%add3A_29, %dma_start3A_331] : memref<128x32768xf32, #tpu.memory_space<hbm>> -> memref<1x32768xf32, #tpu.memory_space<hbm>>
        %dma_start3A_333 = tpu.memref_squeeze %dma_start3A_332 : memref<1x32768xf32, #tpu.memory_space<hbm>> -> memref<32768xf32, #tpu.memory_space<hbm>>
        tpu.enqueue_dma source(%dma_start3A_333 : memref<32768xf32, #tpu.memory_space<hbm>>) target(%arg5 : memref<32768xf32, #tpu.memory_space<vmem>>) target_semaphore(%run_scoped3A : memref<!tpu.dma_semaphore, #tpu.memory_space<semaphore_mem>>)
        %dma_wait3A = arith.constant 0 : i32
        %dma_wait3A_334 = tpu.memref_slice %arg2[%add3A_29, %dma_wait3A] : memref<128x32768xf32, #tpu.memory_space<hbm>> -> memref<1x32768xf32, #tpu.memory_space<hbm>>
        %dma_wait3A_335 = tpu.memref_squeeze %dma_wait3A_334 : memref<1x32768xf32, #tpu.memory_space<hbm>> -> memref<32768xf32, #tpu.memory_space<hbm>>
        %dma_wait3A_336 = arith.constant 0 : i32
        %dma_wait3A_337 = tpu.memref_slice %arg2[%add3A_29, %dma_wait3A_336] : memref<128x32768xf32, #tpu.memory_space<hbm>> -> memref<1x32768xf32, #tpu.memory_space<hbm>>
        %dma_wait3A_338 = tpu.memref_squeeze %dma_wait3A_337 : memref<1x32768xf32, #tpu.memory_space<hbm>> -> memref<32768xf32, #tpu.memory_space<hbm>>
        tpu.wait_dma2 semaphore(%run_scoped3A : memref<!tpu.dma_semaphore, #tpu.memory_space<semaphore_mem>>) src(%dma_wait3A_338 : memref<32768xf32, #tpu.memory_space<hbm>>) dst(%arg5 : memref<32768xf32, #tpu.memory_space<vmem>>)
        tpu.yield
      }) : () -> ()
      %scan3A_30 = arith.constant 0 : i32
      %scan3A_31 = arith.constant 0 : i32
      %scan3A_32 = arith.constant 256 : i32
      %scan3A_33 = arith.addi %scan3A_31, %scan3A_32 : i32
      %scan3A_34 = arith.constant 1 : i32
      %scan3A_35 = scf.for %scan3A_329 = %scan3A_31 to %scan3A_33 step %scan3A_34 iter_args(%scan3A_330 = %scan3A_30) -> (i32)  : i32 {
        %mul3A_331 = arith.constant 16 : i32
        %mul3A_332 = arith.muli %scan3A_329, %mul3A_331 : i32
        %swap3A_333 = arith.index_cast %mul3A_332 : i32 to index
        %swap3A_334 = tpu.vector_load %arg6[%swap3A_333] {strides = array<i32>} : memref<4096xi32, #tpu.memory_space<vmem>>, vector<16xi32>,
        tpu.vector_store %arg6[%swap3A_333], %broadcast_in_dim3A_1 {strides = array<i32>} : memref<4096xi32, #tpu.memory_space<vmem>>, vector<16xi32>,
        %mul3A_335 = arith.constant 16 : i32
        %mul3A_336 = arith.muli %scan3A_329, %mul3A_335 : i32
        %swap3A_337 = arith.index_cast %mul3A_336 : i32 to index
        %swap3A_338 = tpu.vector_load %arg7[%swap3A_337] {strides = array<i32>} : memref<4096xi32, #tpu.memory_space<vmem>>, vector<16xi32>,
        tpu.vector_store %arg7[%swap3A_337], %broadcast_in_dim3A_1 {strides = array<i32>} : memref<4096xi32, #tpu.memory_space<vmem>>, vector<16xi32>,
        %scan3A_339 = arith.constant 0 : i32
        scf.yield %scan3A_339 : i32
      }
      %scan3A_36 = arith.constant 256 : i32
      %broadcast_in_dim3A_37 = arith.constant 0.000000e+00 : f32
      %broadcast_in_dim3A_38 = vector.broadcast %broadcast_in_dim3A_37 : f32 to vector<16xf32>
      %scan3A_39 = arith.constant 0 : i32
      %scan3A_40 = arith.constant 2048 : i32
      %scan3A_41 = arith.addi %scan3A_39, %scan3A_40 : i32
      %scan3A_42 = arith.constant 1 : i32
      %scan3A_43:2 = scf.for %scan3A_329 = %scan3A_39 to %scan3A_41 step %scan3A_42 iter_args(%scan3A_330 = %broadcast_in_dim3A_38, %scan3A_331 = %broadcast_in_dim3A_38) -> (vector<16xf32>, vector<16xf32>)  : i32 {
        %mul3A_332 = arith.constant 16 : i32
        %mul3A_333 = arith.muli %scan3A_329, %mul3A_332 : i32
        %get3A = arith.index_cast %mul3A_333 : i32 to index
        %get3A_334 = tpu.vector_load %arg4[%get3A] {strides = array<i32>} : memref<32768xf32, #tpu.memory_space<vmem>>, vector<16xf32>,
        %abs3A = math.absf %get3A_334 : vector<16xf32>
        %mul3A_335 = arith.constant 16 : i32
        %mul3A_336 = arith.muli %scan3A_329, %mul3A_335 : i32
        %get3A_337 = arith.index_cast %mul3A_336 : i32 to index
        %get3A_338 = tpu.vector_load %arg5[%get3A_337] {strides = array<i32>} : memref<32768xf32, #tpu.memory_space<vmem>>, vector<16xf32>,
        %abs3A_339 = math.absf %get3A_338 : vector<16xf32>
        %bitcast3A = vector.bitcast %abs3A : vector<16xf32> to vector<16xi32>
        %shift_right_arithmetic3A_340 = arith.constant 19 : i32
        %shift_right_arithmetic3A_341 = vector.broadcast %shift_right_arithmetic3A_340 : i32 to vector<16xi32>
        %shift_right_arithmetic3A_342 = arith.shrsi %bitcast3A, %shift_right_arithmetic3A_341 : vector<16xi32>
        %bitcast3A_343 = vector.bitcast %abs3A_339 : vector<16xf32> to vector<16xi32>
        %shift_right_arithmetic3A_344 = arith.constant 19 : i32
        %shift_right_arithmetic3A_345 = vector.broadcast %shift_right_arithmetic3A_344 : i32 to vector<16xi32>
        %shift_right_arithmetic3A_346 = arith.shrsi %bitcast3A_343, %shift_right_arithmetic3A_345 : vector<16xi32>
        tpu.vector_store_idx %arg6[%shift_right_arithmetic3A_342], %broadcast_in_dim3A_14 {add = true} : memref<4096xi32, #tpu.memory_space<vmem>>[vector<16xi32>], vector<16xi32>,
        tpu.vector_store_idx %arg7[%shift_right_arithmetic3A_346], %broadcast_in_dim3A_14 {add = true} : memref<4096xi32, #tpu.memory_space<vmem>>[vector<16xi32>], vector<16xi32>,
        %max3A_347 = arith.maximumf %scan3A_330, %abs3A : vector<16xf32>
        %max3A_348 = arith.maximumf %scan3A_331, %abs3A_339 : vector<16xf32>
        scf.yield %max3A_347, %max3A_348 : vector<16xf32>, vector<16xf32>
      }
      %scan3A_44 = arith.constant 2048 : i32
      %reduce_max3A = arith.constant true
      %reduce_max3A_45 = vector.broadcast %reduce_max3A : i1 to vector<16xi1>
      %reduce_max3A_46 = tpu.scan <max>, %scan3A_43#0 masked %reduce_max3A_45 : vector<16xf32>, vector<16xi1> -> vector<16xf32>
      %reduce_max3A_47 = vector.extract %reduce_max3A_46[15] : f32 from vector<16xf32>
      %reduce_max3A_48 = arith.constant true
      %reduce_max3A_49 = vector.broadcast %reduce_max3A_48 : i1 to vector<16xi1>
      %reduce_max3A_50 = tpu.scan <max>, %scan3A_43#1 masked %reduce_max3A_49 : vector<16xf32>, vector<16xi1> -> vector<16xf32>
      %reduce_max3A_51 = vector.extract %reduce_max3A_50[15] : f32 from vector<16xf32>
      %broadcast_in_dim3A_52 = arith.constant 0.000000e+00 : f32
      %broadcast_in_dim3A_53 = vector.broadcast %broadcast_in_dim3A_52 : f32 to vector<16xf32>
      %add3A_54 = vector.broadcast %reduce_max3A_47 : f32 to vector<16xf32>
      %add3A_55 = arith.addf %broadcast_in_dim3A_53, %add3A_54 : vector<16xf32>
      %div3A = arith.constant 1.000000e+00 : f32
      %div3A_56 = vector.broadcast %div3A : f32 to vector<16xf32>
      %div3A_57 = arith.divf %div3A_56, %add3A_55 : vector<16xf32>
      %broadcast_in_dim3A_58 = arith.constant 0.000000e+00 : f32
      %broadcast_in_dim3A_59 = vector.broadcast %broadcast_in_dim3A_58 : f32 to vector<16xf32>
      %add3A_60 = vector.broadcast %reduce_max3A_51 : f32 to vector<16xf32>
      %add3A_61 = arith.addf %broadcast_in_dim3A_59, %add3A_60 : vector<16xf32>
      %div3A_62 = arith.constant 1.000000e+00 : f32
      %div3A_63 = vector.broadcast %div3A_62 : f32 to vector<16xf32>
      %div3A_64 = arith.divf %div3A_63, %add3A_61 : vector<16xf32>
      %scan3A_65 = arith.constant 0 : i32
      %scan3A_66 = arith.constant 0 : i32
      %scan3A_67 = arith.constant 0 : i32
      %scan3A_68 = arith.constant 0 : i32
      %scan3A_69 = arith.constant 0 : i32
      %scan3A_70 = arith.constant 0 : i32
      %scan3A_71 = arith.constant 0 : i32
      %scan3A_72 = arith.constant 256 : i32
      %scan3A_73 = arith.addi %scan3A_71, %scan3A_72 : i32
      %scan3A_74 = arith.constant 1 : i32
      %scan3A_75:6 = scf.for %scan3A_329 = %scan3A_71 to %scan3A_73 step %scan3A_74 iter_args(%scan3A_330 = %scan3A_65, %scan3A_331 = %scan3A_66, %scan3A_332 = %scan3A_67, %scan3A_333 = %scan3A_68, %scan3A_334 = %scan3A_69, %scan3A_335 = %scan3A_70) -> (i32, i32, i32, i32, i32, i32)  : i32 {
        %mul3A_336 = arith.constant 16 : i32
        %mul3A_337 = arith.muli %scan3A_329, %mul3A_336 : i32
        %get3A = arith.index_cast %mul3A_337 : i32 to index
        %get3A_338 = tpu.vector_load %arg6[%get3A] {strides = array<i32>} : memref<4096xi32, #tpu.memory_space<vmem>>, vector<16xi32>,
        %mul3A_339 = arith.constant 16 : i32
        %mul3A_340 = arith.muli %scan3A_329, %mul3A_339 : i32
        %get3A_341 = arith.index_cast %mul3A_340 : i32 to index
        %get3A_342 = tpu.vector_load %arg7[%get3A_341] {strides = array<i32>} : memref<4096xi32, #tpu.memory_space<vmem>>, vector<16xi32>,
        %broadcast_in_dim3A_343 = arith.constant true
        %broadcast_in_dim3A_344 = vector.broadcast %broadcast_in_dim3A_343 : i1 to vector<16xi1>
        %masked_cumsum3A = tpu.scan <sum>, %get3A_338 masked %broadcast_in_dim3A_344 : vector<16xi32>, vector<16xi1> -> vector<16xi32>
        %broadcast_in_dim3A_345 = arith.constant true
        %broadcast_in_dim3A_346 = vector.broadcast %broadcast_in_dim3A_345 : i1 to vector<16xi1>
        %masked_cumsum3A_347 = tpu.scan <sum>, %get3A_342 masked %broadcast_in_dim3A_346 : vector<16xi32>, vector<16xi1> -> vector<16xi32>
        %sub3A_348 = arith.subi %masked_cumsum3A, %get3A_338 : vector<16xi32>
        %add3A_349 = vector.broadcast %scan3A_330 : i32 to vector<16xi32>
        %add3A_350 = arith.addi %sub3A_348, %add3A_349 : vector<16xi32>
        %sub3A_351 = arith.subi %masked_cumsum3A_347, %get3A_342 : vector<16xi32>
        %add3A_352 = vector.broadcast %scan3A_333 : i32 to vector<16xi32>
        %add3A_353 = arith.addi %sub3A_351, %add3A_352 : vector<16xi32>
        %lt3A = arith.constant 3276 : i32
        %lt3A_354 = vector.broadcast %lt3A : i32 to vector<16xi32>
        %lt3A_355 = arith.cmpi slt, %add3A_350, %lt3A_354 : vector<16xi32>
        %all_reduce_population_count3A = tpu.all_reduce %lt3A_355 {dim = 0 : i64, kind = #tpu.reduction_kind<sum>} : vector<16xi1> -> vector<16xi32>
        %slice3A = vector.extract_strided_slice %all_reduce_population_count3A {offsets = [0], sizes = [1], strides = [1]} : vector<16xi32> to vector<1xi32>
        %squeeze3A = vector.extract %slice3A[0] : i32 from vector<1xi32>
        %add3A_356 = arith.addi %scan3A_331, %squeeze3A : i32
        %le3A = arith.constant 29492 : i32
        %le3A_357 = vector.broadcast %le3A : i32 to vector<16xi32>
        %le3A_358 = arith.cmpi sle, %add3A_350, %le3A_357 : vector<16xi32>
        %all_reduce_population_count3A_359 = tpu.all_reduce %le3A_358 {dim = 0 : i64, kind = #tpu.reduction_kind<sum>} : vector<16xi1> -> vector<16xi32>
        %slice3A_360 = vector.extract_strided_slice %all_reduce_population_count3A_359 {offsets = [0], sizes = [1], strides = [1]} : vector<16xi32> to vector<1xi32>
        %squeeze3A_361 = vector.extract %slice3A_360[0] : i32 from vector<1xi32>
        %add3A_362 = arith.addi %scan3A_332, %squeeze3A_361 : i32
        %lt3A_363 = arith.constant 3276 : i32
        %lt3A_364 = vector.broadcast %lt3A_363 : i32 to vector<16xi32>
        %lt3A_365 = arith.cmpi slt, %add3A_353, %lt3A_364 : vector<16xi32>
        %all_reduce_population_count3A_366 = tpu.all_reduce %lt3A_365 {dim = 0 : i64, kind = #tpu.reduction_kind<sum>} : vector<16xi1> -> vector<16xi32>
        %slice3A_367 = vector.extract_strided_slice %all_reduce_population_count3A_366 {offsets = [0], sizes = [1], strides = [1]} : vector<16xi32> to vector<1xi32>
        %squeeze3A_368 = vector.extract %slice3A_367[0] : i32 from vector<1xi32>
        %add3A_369 = arith.addi %scan3A_334, %squeeze3A_368 : i32
        %le3A_370 = arith.constant 29492 : i32
        %le3A_371 = vector.broadcast %le3A_370 : i32 to vector<16xi32>
        %le3A_372 = arith.cmpi sle, %add3A_353, %le3A_371 : vector<16xi32>
        %all_reduce_population_count3A_373 = tpu.all_reduce %le3A_372 {dim = 0 : i64, kind = #tpu.reduction_kind<sum>} : vector<16xi1> -> vector<16xi32>
        %slice3A_374 = vector.extract_strided_slice %all_reduce_population_count3A_373 {offsets = [0], sizes = [1], strides = [1]} : vector<16xi32> to vector<1xi32>
        %squeeze3A_375 = vector.extract %slice3A_374[0] : i32 from vector<1xi32>
        %add3A_376 = arith.addi %scan3A_335, %squeeze3A_375 : i32
        %slice3A_377 = vector.extract_strided_slice %masked_cumsum3A {offsets = [15], sizes = [1], strides = [1]} : vector<16xi32> to vector<1xi32>
        %squeeze3A_378 = vector.extract %slice3A_377[0] : i32 from vector<1xi32>
        %add3A_379 = arith.addi %scan3A_330, %squeeze3A_378 : i32
        %slice3A_380 = vector.extract_strided_slice %masked_cumsum3A_347 {offsets = [15], sizes = [1], strides = [1]} : vector<16xi32> to vector<1xi32>
        %squeeze3A_381 = vector.extract %slice3A_380[0] : i32 from vector<1xi32>
        %add3A_382 = arith.addi %scan3A_333, %squeeze3A_381 : i32
        scf.yield %add3A_379, %add3A_356, %add3A_362, %add3A_382, %add3A_369, %add3A_376 : i32, i32, i32, i32, i32, i32
      }
      %scan3A_76 = arith.constant 256 : i32
      %sub3A_77 = arith.constant 1 : i32
      %sub3A_78 = arith.subi %scan3A_75#2, %sub3A_77 : i32
      %sub3A_79 = arith.constant 1 : i32
      %sub3A_80 = arith.subi %scan3A_75#5, %sub3A_79 : i32
      %scan3A_81 = arith.constant 0 : i32
      %scan3A_82 = arith.constant 0 : i32
      %scan3A_83 = arith.constant 0 : i32
      %scan3A_84 = arith.constant 0 : i32
      %scan3A_85 = arith.constant 0 : i32
      %scan3A_86 = arith.constant 2048 : i32
      %scan3A_87 = arith.addi %scan3A_85, %scan3A_86 : i32
      %scan3A_88 = arith.constant 1 : i32
      %scan3A_89:4 = scf.for %scan3A_329 = %scan3A_85 to %scan3A_87 step %scan3A_88 iter_args(%scan3A_330 = %scan3A_81, %scan3A_331 = %scan3A_82, %scan3A_332 = %scan3A_83, %scan3A_333 = %scan3A_84) -> (i32, i32, i32, i32)  : i32 {
        %mul3A_334 = arith.constant 16 : i32
        %mul3A_335 = arith.muli %scan3A_329, %mul3A_334 : i32
        %get3A = arith.index_cast %mul3A_335 : i32 to index
        %get3A_336 = tpu.vector_load %arg4[%get3A] {strides = array<i32>} : memref<32768xf32, #tpu.memory_space<vmem>>, vector<16xf32>,
        %abs3A = math.absf %get3A_336 : vector<16xf32>
        %get3A_337 = arith.index_cast %mul3A_335 : i32 to index
        %get3A_338 = tpu.vector_load %arg5[%get3A_337] {strides = array<i32>} : memref<32768xf32, #tpu.memory_space<vmem>>, vector<16xf32>,
        %abs3A_339 = math.absf %get3A_338 : vector<16xf32>
        %bitcast3A = vector.bitcast %abs3A : vector<16xf32> to vector<16xi32>
        %shift_right_arithmetic3A_340 = arith.constant 19 : i32
        %shift_right_arithmetic3A_341 = vector.broadcast %shift_right_arithmetic3A_340 : i32 to vector<16xi32>
        %shift_right_arithmetic3A_342 = arith.shrsi %bitcast3A, %shift_right_arithmetic3A_341 : vector<16xi32>
        %bitcast3A_343 = vector.bitcast %abs3A_339 : vector<16xf32> to vector<16xi32>
        %shift_right_arithmetic3A_344 = arith.constant 19 : i32
        %shift_right_arithmetic3A_345 = vector.broadcast %shift_right_arithmetic3A_344 : i32 to vector<16xi32>
        %shift_right_arithmetic3A_346 = arith.shrsi %bitcast3A_343, %shift_right_arithmetic3A_345 : vector<16xi32>
        %mul3A_347 = arith.mulf %abs3A, %div3A_57 : vector<16xf32>
        %mul3A_348 = arith.mulf %abs3A_339, %div3A_64 : vector<16xf32>
        %swap3A_349 = arith.index_cast %mul3A_335 : i32 to index
        %swap3A_350 = tpu.vector_load %arg4[%swap3A_349] {strides = array<i32>} : memref<32768xf32, #tpu.memory_space<vmem>>, vector<16xf32>,
        tpu.vector_store %arg4[%swap3A_349], %mul3A_347 {strides = array<i32>} : memref<32768xf32, #tpu.memory_space<vmem>>, vector<16xf32>,
        %swap3A_351 = arith.index_cast %mul3A_335 : i32 to index
        %swap3A_352 = tpu.vector_load %arg5[%swap3A_351] {strides = array<i32>} : memref<32768xf32, #tpu.memory_space<vmem>>, vector<16xf32>,
        tpu.vector_store %arg5[%swap3A_351], %mul3A_348 {strides = array<i32>} : memref<32768xf32, #tpu.memory_space<vmem>>, vector<16xf32>,
        %bitcast3A_353 = vector.bitcast %mul3A_347 : vector<16xf32> to vector<16xi32>
        %bitcast3A_354 = vector.bitcast %mul3A_348 : vector<16xf32> to vector<16xi32>
        %lt3A = vector.broadcast %scan3A_75#1 : i32 to vector<16xi32>
        %lt3A_355 = arith.cmpi slt, %shift_right_arithmetic3A_342, %lt3A : vector<16xi32>
        %ge3A = vector.broadcast %sub3A_78 : i32 to vector<16xi32>
        %ge3A_356 = arith.cmpi sge, %shift_right_arithmetic3A_342, %ge3A : vector<16xi32>
        %lt3A_357 = vector.broadcast %scan3A_75#4 : i32 to vector<16xi32>
        %lt3A_358 = arith.cmpi slt, %shift_right_arithmetic3A_346, %lt3A_357 : vector<16xi32>
        %ge3A_359 = vector.broadcast %sub3A_80 : i32 to vector<16xi32>
        %ge3A_360 = arith.cmpi sge, %shift_right_arithmetic3A_346, %ge3A_359 : vector<16xi32>
        %mul3A_361 = arith.constant 16 : i32
        %mul3A_362 = arith.muli %scan3A_329, %mul3A_361 : i32
        %add3A_363 = vector.broadcast %mul3A_362 : i32 to vector<16xi32>
        %add3A_364 = arith.addi %iota3A, %add3A_363 : vector<16xi32>
        %swap3A_365 = arith.index_cast %scan3A_330 : i32 to index
        %swap3A_366 = tpu.vector_load %arg10[%swap3A_365] masked %lt3A_355 {strides = array<i32>} : memref<4096xi32, #tpu.memory_space<vmem>>, vector<16xi32>, vector<16xi1>
        tpu.vector_store %arg10[%swap3A_365], %bitcast3A_353 masked %lt3A_355 {strides = array<i32>} : memref<4096xi32, #tpu.memory_space<vmem>>, vector<16xi32>, vector<16xi1>
        %swap3A_367 = arith.index_cast %scan3A_331 : i32 to index
        %swap3A_368 = tpu.vector_load %arg12[%swap3A_367] masked %ge3A_356 {strides = array<i32>} : memref<4096xi32, #tpu.memory_space<vmem>>, vector<16xi32>, vector<16xi1>
        tpu.vector_store %arg12[%swap3A_367], %bitcast3A_353 masked %ge3A_356 {strides = array<i32>} : memref<4096xi32, #tpu.memory_space<vmem>>, vector<16xi32>, vector<16xi1>
        %swap3A_369 = arith.index_cast %scan3A_331 : i32 to index
        %swap3A_370 = tpu.vector_load %arg14[%swap3A_369] masked %ge3A_356 {strides = array<i32>} : memref<4096xi32, #tpu.memory_space<vmem>>, vector<16xi32>, vector<16xi1>
        tpu.vector_store %arg14[%swap3A_369], %add3A_364 masked %ge3A_356 {strides = array<i32>} : memref<4096xi32, #tpu.memory_space<vmem>>, vector<16xi32>, vector<16xi1>
        %swap3A_371 = arith.index_cast %scan3A_332 : i32 to index
        %swap3A_372 = tpu.vector_load %arg16[%swap3A_371] masked %lt3A_358 {strides = array<i32>} : memref<4096xi32, #tpu.memory_space<vmem>>, vector<16xi32>, vector<16xi1>
        tpu.vector_store %arg16[%swap3A_371], %bitcast3A_354 masked %lt3A_358 {strides = array<i32>} : memref<4096xi32, #tpu.memory_space<vmem>>, vector<16xi32>, vector<16xi1>
        %swap3A_373 = arith.index_cast %scan3A_333 : i32 to index
        %swap3A_374 = tpu.vector_load %arg18[%swap3A_373] masked %ge3A_360 {strides = array<i32>} : memref<4096xi32, #tpu.memory_space<vmem>>, vector<16xi32>, vector<16xi1>
        tpu.vector_store %arg18[%swap3A_373], %bitcast3A_354 masked %ge3A_360 {strides = array<i32>} : memref<4096xi32, #tpu.memory_space<vmem>>, vector<16xi32>, vector<16xi1>
        %swap3A_375 = arith.index_cast %scan3A_333 : i32 to index
        %swap3A_376 = tpu.vector_load %arg20[%swap3A_375] masked %ge3A_360 {strides = array<i32>} : memref<4096xi32, #tpu.memory_space<vmem>>, vector<16xi32>, vector<16xi1>
        tpu.vector_store %arg20[%swap3A_375], %add3A_364 masked %ge3A_360 {strides = array<i32>} : memref<4096xi32, #tpu.memory_space<vmem>>, vector<16xi32>, vector<16xi1>
        %all_reduce_population_count3A = tpu.all_reduce %lt3A_355 {dim = 0 : i64, kind = #tpu.reduction_kind<sum>} : vector<16xi1> -> vector<16xi32>
        %slice3A = vector.extract_strided_slice %all_reduce_population_count3A {offsets = [0], sizes = [1], strides = [1]} : vector<16xi32> to vector<1xi32>
        %squeeze3A = vector.extract %slice3A[0] : i32 from vector<1xi32>
        %add3A_377 = arith.addi %scan3A_330, %squeeze3A : i32
        %all_reduce_population_count3A_378 = tpu.all_reduce %ge3A_356 {dim = 0 : i64, kind = #tpu.reduction_kind<sum>} : vector<16xi1> -> vector<16xi32>
        %slice3A_379 = vector.extract_strided_slice %all_reduce_population_count3A_378 {offsets = [0], sizes = [1], strides = [1]} : vector<16xi32> to vector<1xi32>
        %squeeze3A_380 = vector.extract %slice3A_379[0] : i32 from vector<1xi32>
        %add3A_381 = arith.addi %scan3A_331, %squeeze3A_380 : i32
        %all_reduce_population_count3A_382 = tpu.all_reduce %lt3A_358 {dim = 0 : i64, kind = #tpu.reduction_kind<sum>} : vector<16xi1> -> vector<16xi32>
        %slice3A_383 = vector.extract_strided_slice %all_reduce_population_count3A_382 {offsets = [0], sizes = [1], strides = [1]} : vector<16xi32> to vector<1xi32>
        %squeeze3A_384 = vector.extract %slice3A_383[0] : i32 from vector<1xi32>
        %add3A_385 = arith.addi %scan3A_332, %squeeze3A_384 : i32
        %all_reduce_population_count3A_386 = tpu.all_reduce %ge3A_360 {dim = 0 : i64, kind = #tpu.reduction_kind<sum>} : vector<16xi1> -> vector<16xi32>
        %slice3A_387 = vector.extract_strided_slice %all_reduce_population_count3A_386 {offsets = [0], sizes = [1], strides = [1]} : vector<16xi32> to vector<1xi32>
        %squeeze3A_388 = vector.extract %slice3A_387[0] : i32 from vector<1xi32>
        %add3A_389 = arith.addi %scan3A_333, %squeeze3A_388 : i32
        scf.yield %add3A_377, %add3A_381, %add3A_385, %add3A_389 : i32, i32, i32, i32
      }
      %scan3A_90 = arith.constant 2048 : i32
      %broadcast_in_dim3A_91 = arith.constant 2147483647 : i32
      %broadcast_in_dim3A_92 = vector.broadcast %broadcast_in_dim3A_91 : i32 to vector<16xi32>
      %swap3A = arith.index_cast %scan3A_89#0 : i32 to index
      %swap3A_93 = tpu.vector_load %arg10[%swap3A] {strides = array<i32>} : memref<4096xi32, #tpu.memory_space<vmem>>, vector<16xi32>,
      tpu.vector_store %arg10[%swap3A], %broadcast_in_dim3A_92 {strides = array<i32>} : memref<4096xi32, #tpu.memory_space<vmem>>, vector<16xi32>,
      %swap3A_94 = arith.index_cast %scan3A_89#2 : i32 to index
      %swap3A_95 = tpu.vector_load %arg16[%swap3A_94] {strides = array<i32>} : memref<4096xi32, #tpu.memory_space<vmem>>, vector<16xi32>,
      tpu.vector_store %arg16[%swap3A_94], %broadcast_in_dim3A_92 {strides = array<i32>} : memref<4096xi32, #tpu.memory_space<vmem>>, vector<16xi32>,
      %swap3A_96 = arith.index_cast %scan3A_89#1 : i32 to index
      %swap3A_97 = tpu.vector_load %arg12[%swap3A_96] {strides = array<i32>} : memref<4096xi32, #tpu.memory_space<vmem>>, vector<16xi32>,
      tpu.vector_store %arg12[%swap3A_96], %broadcast_in_dim3A_1 {strides = array<i32>} : memref<4096xi32, #tpu.memory_space<vmem>>, vector<16xi32>,
      %swap3A_98 = arith.index_cast %scan3A_89#3 : i32 to index
      %swap3A_99 = tpu.vector_load %arg18[%swap3A_98] {strides = array<i32>} : memref<4096xi32, #tpu.memory_space<vmem>>, vector<16xi32>,
      tpu.vector_store %arg18[%swap3A_98], %broadcast_in_dim3A_1 {strides = array<i32>} : memref<4096xi32, #tpu.memory_space<vmem>>, vector<16xi32>,
      %swap3A_100 = arith.index_cast %scan3A_89#1 : i32 to index
      %swap3A_101 = tpu.vector_load %arg14[%swap3A_100] {strides = array<i32>} : memref<4096xi32, #tpu.memory_space<vmem>>, vector<16xi32>,
      tpu.vector_store %arg14[%swap3A_100], %broadcast_in_dim3A_1 {strides = array<i32>} : memref<4096xi32, #tpu.memory_space<vmem>>, vector<16xi32>,
      %swap3A_102 = arith.index_cast %scan3A_89#3 : i32 to index
      %swap3A_103 = tpu.vector_load %arg20[%swap3A_102] {strides = array<i32>} : memref<4096xi32, #tpu.memory_space<vmem>>, vector<16xi32>,
      tpu.vector_store %arg20[%swap3A_102], %broadcast_in_dim3A_1 {strides = array<i32>} : memref<4096xi32, #tpu.memory_space<vmem>>, vector<16xi32>,
      %add3A_104 = arith.constant 15 : i32
      %add3A_105 = arith.addi %scan3A_89#0, %add3A_104 : i32
      %shift_right_arithmetic3A = arith.constant 4 : i32
      %shift_right_arithmetic3A_106 = arith.shrsi %add3A_105, %shift_right_arithmetic3A : i32
      %add3A_107 = arith.constant 15 : i32
      %add3A_108 = arith.addi %scan3A_89#2, %add3A_107 : i32
      %shift_right_arithmetic3A_109 = arith.constant 4 : i32
      %shift_right_arithmetic3A_110 = arith.shrsi %add3A_108, %shift_right_arithmetic3A_109 : i32
      %add3A_111 = arith.constant 15 : i32
      %add3A_112 = arith.addi %scan3A_89#1, %add3A_111 : i32
      %shift_right_arithmetic3A_113 = arith.constant 4 : i32
      %shift_right_arithmetic3A_114 = arith.shrsi %add3A_112, %shift_right_arithmetic3A_113 : i32
      %add3A_115 = arith.constant 15 : i32
      %add3A_116 = arith.addi %scan3A_89#3, %add3A_115 : i32
      %shift_right_arithmetic3A_117 = arith.constant 4 : i32
      %shift_right_arithmetic3A_118 = arith.shrsi %add3A_116, %shift_right_arithmetic3A_117 : i32
      %mul3A_119 = arith.constant 16 : i32
      %mul3A_120 = arith.muli %shift_right_arithmetic3A_114, %mul3A_119 : i32
      %mul3A_121 = arith.constant 16 : i32
      %mul3A_122 = arith.muli %shift_right_arithmetic3A_118, %mul3A_121 : i32
      %scan3A_123 = arith.constant 0 : i32
      %scan3A_124 = arith.constant 0 : i32
      %scan3A_125 = arith.constant 64 : i32
      %scan3A_126 = arith.addi %scan3A_124, %scan3A_125 : i32
      %scan3A_127 = arith.constant 1 : i32
      %scan3A_128 = scf.for %scan3A_329 = %scan3A_124 to %scan3A_126 step %scan3A_127 iter_args(%scan3A_330 = %scan3A_123) -> (i32)  : i32 {
        %mul3A_331 = arith.constant 16 : i32
        %mul3A_332 = arith.muli %scan3A_329, %mul3A_331 : i32
        %swap3A_333 = arith.index_cast %mul3A_332 : i32 to index
        %swap3A_334 = tpu.vector_load %arg8[%swap3A_333] {strides = array<i32>} : memref<1024xi32, #tpu.memory_space<vmem>>, vector<16xi32>,
        tpu.vector_store %arg8[%swap3A_333], %broadcast_in_dim3A_1 {strides = array<i32>} : memref<1024xi32, #tpu.memory_space<vmem>>, vector<16xi32>,
        %mul3A_335 = arith.constant 16 : i32
        %mul3A_336 = arith.muli %scan3A_329, %mul3A_335 : i32
        %swap3A_337 = arith.index_cast %mul3A_336 : i32 to index
        %swap3A_338 = tpu.vector_load %arg9[%swap3A_337] {strides = array<i32>} : memref<1024xi32, #tpu.memory_space<vmem>>, vector<16xi32>,
        tpu.vector_store %arg9[%swap3A_337], %broadcast_in_dim3A_1 {strides = array<i32>} : memref<1024xi32, #tpu.memory_space<vmem>>, vector<16xi32>,
        %scan3A_339 = arith.constant 0 : i32
        scf.yield %scan3A_339 : i32
      }
      %scan3A_129 = arith.constant 64 : i32
      %max3A = arith.maxsi %shift_right_arithmetic3A_106, %shift_right_arithmetic3A_110 : i32
      %while3A = arith.constant 0 : i32
      %while3A_130 = arith.constant 0 : i32
      %while3A_131 = arith.subi %max3A, %while3A : i32
      %while3A_132 = arith.addi %while3A, %while3A_131 : i32
      %while3A_133 = arith.constant 1 : i32
      %while3A_134 = arith.divsi %while3A_131, %while3A_133 : i32
      %while3A_135 = arith.muli %while3A_134, %while3A_133 : i32
      %while3A_136 = arith.addi %while3A, %while3A_135 : i32
      %while3A_137 = arith.constant 1 : i32
      %while3A_138 = scf.for %while3A_329 = %while3A to %while3A_136 step %while3A_137 iter_args(%while3A_330 = %while3A_130) -> (i32)  : i32 {
        %add3A_331 = vector.broadcast %while3A_329 : i32 to vector<16xi32>
        %add3A_332 = arith.addi %broadcast_in_dim3A_1, %add3A_331 : vector<16xi32>
        %lt3A = vector.broadcast %shift_right_arithmetic3A_106 : i32 to vector<16xi32>
        %lt3A_333 = arith.cmpi slt, %add3A_332, %lt3A : vector<16xi32>
        %lt3A_334 = vector.broadcast %shift_right_arithmetic3A_110 : i32 to vector<16xi32>
        %lt3A_335 = arith.cmpi slt, %add3A_332, %lt3A_334 : vector<16xi32>
        %mul3A_336 = arith.constant 16 : i32
        %mul3A_337 = arith.muli %while3A_329, %mul3A_336 : i32
        %get3A = arith.index_cast %mul3A_337 : i32 to index
        %get3A_338 = tpu.vector_load %arg10[%get3A] {strides = array<i32>} : memref<4096xi32, #tpu.memory_space<vmem>>, vector<16xi32>,
        %mul3A_339 = arith.constant 16 : i32
        %mul3A_340 = arith.muli %while3A_329, %mul3A_339 : i32
        %get3A_341 = arith.index_cast %mul3A_340 : i32 to index
        %get3A_342 = tpu.vector_load %arg16[%get3A_341] {strides = array<i32>} : memref<4096xi32, #tpu.memory_space<vmem>>, vector<16xi32>,
        %shift_right_arithmetic3A_343 = arith.constant 10 : i32
        %shift_right_arithmetic3A_344 = vector.broadcast %shift_right_arithmetic3A_343 : i32 to vector<16xi32>
        %shift_right_arithmetic3A_345 = arith.shrsi %get3A_338, %shift_right_arithmetic3A_344 : vector<16xi32>
        %and3A = arith.constant 1023 : i32
        %and3A_346 = vector.broadcast %and3A : i32 to vector<16xi32>
        %and3A_347 = arith.andi %shift_right_arithmetic3A_345, %and3A_346 : vector<16xi32>
        %shift_right_arithmetic3A_348 = arith.constant 10 : i32
        %shift_right_arithmetic3A_349 = vector.broadcast %shift_right_arithmetic3A_348 : i32 to vector<16xi32>
        %shift_right_arithmetic3A_350 = arith.shrsi %get3A_342, %shift_right_arithmetic3A_349 : vector<16xi32>
        %and3A_351 = arith.constant 1023 : i32
        %and3A_352 = vector.broadcast %and3A_351 : i32 to vector<16xi32>
        %and3A_353 = arith.andi %shift_right_arithmetic3A_350, %and3A_352 : vector<16xi32>
        tpu.vector_store_idx %arg8[%and3A_347], %broadcast_in_dim3A_14 masked %lt3A_333 {add = true} : memref<1024xi32, #tpu.memory_space<vmem>>[vector<16xi32>], vector<16xi32>, vector<16xi1>
        tpu.vector_store_idx %arg9[%and3A_353], %broadcast_in_dim3A_14 masked %lt3A_335 {add = true} : memref<1024xi32, #tpu.memory_space<vmem>>[vector<16xi32>], vector<16xi32>, vector<16xi1>
        %while3A_354 = arith.constant 0 : i32
        scf.yield %while3A_354 : i32
      }
      %while3A_139 = arith.constant 1 : i32
      %while3A_140 = scf.for %while3A_329 = %while3A_136 to %while3A_132 step %while3A_139 iter_args(%while3A_330 = %while3A_138) -> (i32)  : i32 {
        %add3A_331 = vector.broadcast %while3A_329 : i32 to vector<16xi32>
        %add3A_332 = arith.addi %broadcast_in_dim3A_1, %add3A_331 : vector<16xi32>
        %lt3A = vector.broadcast %shift_right_arithmetic3A_106 : i32 to vector<16xi32>
        %lt3A_333 = arith.cmpi slt, %add3A_332, %lt3A : vector<16xi32>
        %lt3A_334 = vector.broadcast %shift_right_arithmetic3A_110 : i32 to vector<16xi32>
        %lt3A_335 = arith.cmpi slt, %add3A_332, %lt3A_334 : vector<16xi32>
        %mul3A_336 = arith.constant 16 : i32
        %mul3A_337 = arith.muli %while3A_329, %mul3A_336 : i32
        %get3A = arith.index_cast %mul3A_337 : i32 to index
        %get3A_338 = tpu.vector_load %arg10[%get3A] {strides = array<i32>} : memref<4096xi32, #tpu.memory_space<vmem>>, vector<16xi32>,
        %mul3A_339 = arith.constant 16 : i32
        %mul3A_340 = arith.muli %while3A_329, %mul3A_339 : i32
        %get3A_341 = arith.index_cast %mul3A_340 : i32 to index
        %get3A_342 = tpu.vector_load %arg16[%get3A_341] {strides = array<i32>} : memref<4096xi32, #tpu.memory_space<vmem>>, vector<16xi32>,
        %shift_right_arithmetic3A_343 = arith.constant 10 : i32
        %shift_right_arithmetic3A_344 = vector.broadcast %shift_right_arithmetic3A_343 : i32 to vector<16xi32>
        %shift_right_arithmetic3A_345 = arith.shrsi %get3A_338, %shift_right_arithmetic3A_344 : vector<16xi32>
        %and3A = arith.constant 1023 : i32
        %and3A_346 = vector.broadcast %and3A : i32 to vector<16xi32>
        %and3A_347 = arith.andi %shift_right_arithmetic3A_345, %and3A_346 : vector<16xi32>
        %shift_right_arithmetic3A_348 = arith.constant 10 : i32
        %shift_right_arithmetic3A_349 = vector.broadcast %shift_right_arithmetic3A_348 : i32 to vector<16xi32>
        %shift_right_arithmetic3A_350 = arith.shrsi %get3A_342, %shift_right_arithmetic3A_349 : vector<16xi32>
        %and3A_351 = arith.constant 1023 : i32
        %and3A_352 = vector.broadcast %and3A_351 : i32 to vector<16xi32>
        %and3A_353 = arith.andi %shift_right_arithmetic3A_350, %and3A_352 : vector<16xi32>
        tpu.vector_store_idx %arg8[%and3A_347], %broadcast_in_dim3A_14 masked %lt3A_333 {add = true} : memref<1024xi32, #tpu.memory_space<vmem>>[vector<16xi32>], vector<16xi32>, vector<16xi1>
        tpu.vector_store_idx %arg9[%and3A_353], %broadcast_in_dim3A_14 masked %lt3A_335 {add = true} : memref<1024xi32, #tpu.memory_space<vmem>>[vector<16xi32>], vector<16xi32>, vector<16xi1>
        %while3A_354 = arith.constant 0 : i32
        scf.yield %while3A_354 : i32
      }
      %scan3A_141 = arith.constant 0 : i32
      %scan3A_142 = arith.constant 0 : i32
      %scan3A_143 = arith.constant 0 : i32
      %scan3A_144 = arith.constant 64 : i32
      %scan3A_145 = arith.addi %scan3A_143, %scan3A_144 : i32
      %scan3A_146 = arith.constant 1 : i32
      %scan3A_147:2 = scf.for %scan3A_329 = %scan3A_143 to %scan3A_145 step %scan3A_146 iter_args(%scan3A_330 = %scan3A_141, %scan3A_331 = %scan3A_142) -> (i32, i32)  : i32 {
        %mul3A_332 = arith.constant 16 : i32
        %mul3A_333 = arith.muli %scan3A_329, %mul3A_332 : i32
        %get3A = arith.index_cast %mul3A_333 : i32 to index
        %get3A_334 = tpu.vector_load %arg8[%get3A] {strides = array<i32>} : memref<1024xi32, #tpu.memory_space<vmem>>, vector<16xi32>,
        %mul3A_335 = arith.constant 16 : i32
        %mul3A_336 = arith.muli %scan3A_329, %mul3A_335 : i32
        %get3A_337 = arith.index_cast %mul3A_336 : i32 to index
        %get3A_338 = tpu.vector_load %arg9[%get3A_337] {strides = array<i32>} : memref<1024xi32, #tpu.memory_space<vmem>>, vector<16xi32>,
        %broadcast_in_dim3A_339 = arith.constant true
        %broadcast_in_dim3A_340 = vector.broadcast %broadcast_in_dim3A_339 : i1 to vector<16xi1>
        %masked_cumsum3A = tpu.scan <sum>, %get3A_334 masked %broadcast_in_dim3A_340 : vector<16xi32>, vector<16xi1> -> vector<16xi32>
        %broadcast_in_dim3A_341 = arith.constant true
        %broadcast_in_dim3A_342 = vector.broadcast %broadcast_in_dim3A_341 : i1 to vector<16xi1>
        %masked_cumsum3A_343 = tpu.scan <sum>, %get3A_338 masked %broadcast_in_dim3A_342 : vector<16xi32>, vector<16xi1> -> vector<16xi32>
        %sub3A_344 = arith.subi %masked_cumsum3A, %get3A_334 : vector<16xi32>
        %add3A_345 = vector.broadcast %scan3A_330 : i32 to vector<16xi32>
        %add3A_346 = arith.addi %sub3A_344, %add3A_345 : vector<16xi32>
        %mul3A_347 = arith.constant 16 : i32
        %mul3A_348 = arith.muli %scan3A_329, %mul3A_347 : i32
        %swap3A_349 = arith.index_cast %mul3A_348 : i32 to index
        %swap3A_350 = tpu.vector_load %arg8[%swap3A_349] {strides = array<i32>} : memref<1024xi32, #tpu.memory_space<vmem>>, vector<16xi32>,
        tpu.vector_store %arg8[%swap3A_349], %add3A_346 {strides = array<i32>} : memref<1024xi32, #tpu.memory_space<vmem>>, vector<16xi32>,
        %sub3A_351 = arith.subi %masked_cumsum3A_343, %get3A_338 : vector<16xi32>
        %add3A_352 = vector.broadcast %scan3A_331 : i32 to vector<16xi32>
        %add3A_353 = arith.addi %sub3A_351, %add3A_352 : vector<16xi32>
        %mul3A_354 = arith.constant 16 : i32
        %mul3A_355 = arith.muli %scan3A_329, %mul3A_354 : i32
        %swap3A_356 = arith.index_cast %mul3A_355 : i32 to index
        %swap3A_357 = tpu.vector_load %arg9[%swap3A_356] {strides = array<i32>} : memref<1024xi32, #tpu.memory_space<vmem>>, vector<16xi32>,
        tpu.vector_store %arg9[%swap3A_356], %add3A_353 {strides = array<i32>} : memref<1024xi32, #tpu.memory_space<vmem>>, vector<16xi32>,
        %slice3A = vector.extract_strided_slice %masked_cumsum3A {offsets = [15], sizes = [1], strides = [1]} : vector<16xi32> to vector<1xi32>
        %squeeze3A = vector.extract %slice3A[0] : i32 from vector<1xi32>
        %add3A_358 = arith.addi %scan3A_330, %squeeze3A : i32
        %slice3A_359 = vector.extract_strided_slice %masked_cumsum3A_343 {offsets = [15], sizes = [1], strides = [1]} : vector<16xi32> to vector<1xi32>
        %squeeze3A_360 = vector.extract %slice3A_359[0] : i32 from vector<1xi32>
        %add3A_361 = arith.addi %scan3A_331, %squeeze3A_360 : i32
        scf.yield %add3A_358, %add3A_361 : i32, i32
      }
      %scan3A_148 = arith.constant 64 : i32
      %while3A_149 = arith.constant 0 : i32
      %while3A_150 = arith.constant 0 : i32
      %while3A_151 = arith.subi %max3A, %while3A_149 : i32
      %while3A_152 = arith.addi %while3A_149, %while3A_151 : i32
      %while3A_153 = arith.constant 1 : i32
      %while3A_154 = arith.divsi %while3A_151, %while3A_153 : i32
      %while3A_155 = arith.muli %while3A_154, %while3A_153 : i32
      %while3A_156 = arith.addi %while3A_149, %while3A_155 : i32
      %while3A_157 = arith.constant 1 : i32
      %while3A_158 = scf.for %while3A_329 = %while3A_149 to %while3A_156 step %while3A_157 iter_args(%while3A_330 = %while3A_150) -> (i32)  : i32 {
        %add3A_331 = vector.broadcast %while3A_329 : i32 to vector<16xi32>
        %add3A_332 = arith.addi %broadcast_in_dim3A_1, %add3A_331 : vector<16xi32>
        %lt3A = vector.broadcast %shift_right_arithmetic3A_106 : i32 to vector<16xi32>
        %lt3A_333 = arith.cmpi slt, %add3A_332, %lt3A : vector<16xi32>
        %lt3A_334 = vector.broadcast %shift_right_arithmetic3A_110 : i32 to vector<16xi32>
        %lt3A_335 = arith.cmpi slt, %add3A_332, %lt3A_334 : vector<16xi32>
        %mul3A_336 = arith.constant 16 : i32
        %mul3A_337 = arith.muli %while3A_329, %mul3A_336 : i32
        %get3A = arith.index_cast %mul3A_337 : i32 to index
        %get3A_338 = tpu.vector_load %arg10[%get3A] {strides = array<i32>} : memref<4096xi32, #tpu.memory_space<vmem>>, vector<16xi32>,
        %mul3A_339 = arith.constant 16 : i32
        %mul3A_340 = arith.muli %while3A_329, %mul3A_339 : i32
        %get3A_341 = arith.index_cast %mul3A_340 : i32 to index
        %get3A_342 = tpu.vector_load %arg16[%get3A_341] {strides = array<i32>} : memref<4096xi32, #tpu.memory_space<vmem>>, vector<16xi32>,
        %shift_right_arithmetic3A_343 = arith.constant 10 : i32
        %shift_right_arithmetic3A_344 = vector.broadcast %shift_right_arithmetic3A_343 : i32 to vector<16xi32>
        %shift_right_arithmetic3A_345 = arith.shrsi %get3A_338, %shift_right_arithmetic3A_344 : vector<16xi32>
        %and3A = arith.constant 1023 : i32
        %and3A_346 = vector.broadcast %and3A : i32 to vector<16xi32>
        %and3A_347 = arith.andi %shift_right_arithmetic3A_345, %and3A_346 : vector<16xi32>
        %shift_right_arithmetic3A_348 = arith.constant 10 : i32
        %shift_right_arithmetic3A_349 = vector.broadcast %shift_right_arithmetic3A_348 : i32 to vector<16xi32>
        %shift_right_arithmetic3A_350 = arith.shrsi %get3A_342, %shift_right_arithmetic3A_349 : vector<16xi32>
        %and3A_351 = arith.constant 1023 : i32
        %and3A_352 = vector.broadcast %and3A_351 : i32 to vector<16xi32>
        %and3A_353 = arith.andi %shift_right_arithmetic3A_350, %and3A_352 : vector<16xi32>
        %unique3A_354, %unique3A_355 = tpu.scan_count mask(%lt3A_333 : vector<16xi1>) value(%and3A_347 : vector<16xi32>) : vector<16xi1>, vector<16xi32>
        %unique3A_356, %unique3A_357 = tpu.scan_count mask(%lt3A_335 : vector<16xi1>) value(%and3A_353 : vector<16xi32>) : vector<16xi1>, vector<16xi32>
        %gather3A = tpu.vector_load_idx %arg8[%and3A_347] : memref<1024xi32, #tpu.memory_space<vmem>>[vector<16xi32>], vector<16xi32>,
        %add3A_358 = arith.addi %gather3A, %unique3A_355 : vector<16xi32>
        %add3A_359 = vector.broadcast %sub3A_12 : i32 to vector<16xi32>
        %add3A_360 = arith.addi %add3A_358, %add3A_359 : vector<16xi32>
        tpu.vector_store_idx %arg8[%and3A_347], %add3A_360 masked %unique3A_354 : memref<1024xi32, #tpu.memory_space<vmem>>[vector<16xi32>], vector<16xi32>, vector<16xi1>
        %gather3A_361 = tpu.vector_load_idx %arg9[%and3A_353] : memref<1024xi32, #tpu.memory_space<vmem>>[vector<16xi32>], vector<16xi32>,
        %add3A_362 = arith.addi %gather3A_361, %unique3A_357 : vector<16xi32>
        %add3A_363 = vector.broadcast %sub3A_12 : i32 to vector<16xi32>
        %add3A_364 = arith.addi %add3A_362, %add3A_363 : vector<16xi32>
        tpu.vector_store_idx %arg9[%and3A_353], %add3A_364 masked %unique3A_356 : memref<1024xi32, #tpu.memory_space<vmem>>[vector<16xi32>], vector<16xi32>, vector<16xi1>
        %add3A_365 = arith.addi %gather3A, %unique3A_355 : vector<16xi32>
        %sub3A_366 = vector.broadcast %reduce_min3A_11 : i32 to vector<16xi32>
        %sub3A_367 = arith.subi %add3A_365, %sub3A_366 : vector<16xi32>
        %add3A_368 = arith.addi %gather3A_361, %unique3A_357 : vector<16xi32>
        %sub3A_369 = vector.broadcast %reduce_min3A_11 : i32 to vector<16xi32>
        %sub3A_370 = arith.subi %add3A_368, %sub3A_369 : vector<16xi32>
        tpu.vector_store_idx %arg11[%sub3A_367], %get3A_338 masked %lt3A_333 : memref<4096xi32, #tpu.memory_space<vmem>>[vector<16xi32>], vector<16xi32>, vector<16xi1>
        tpu.vector_store_idx %arg17[%sub3A_370], %get3A_342 masked %lt3A_335 : memref<4096xi32, #tpu.memory_space<vmem>>[vector<16xi32>], vector<16xi32>, vector<16xi1>
        %while3A_371 = arith.constant 0 : i32
        scf.yield %while3A_371 : i32
      }
      %while3A_159 = arith.constant 1 : i32
      %while3A_160 = scf.for %while3A_329 = %while3A_156 to %while3A_152 step %while3A_159 iter_args(%while3A_330 = %while3A_158) -> (i32)  : i32 {
        %add3A_331 = vector.broadcast %while3A_329 : i32 to vector<16xi32>
        %add3A_332 = arith.addi %broadcast_in_dim3A_1, %add3A_331 : vector<16xi32>
        %lt3A = vector.broadcast %shift_right_arithmetic3A_106 : i32 to vector<16xi32>
        %lt3A_333 = arith.cmpi slt, %add3A_332, %lt3A : vector<16xi32>
        %lt3A_334 = vector.broadcast %shift_right_arithmetic3A_110 : i32 to vector<16xi32>
        %lt3A_335 = arith.cmpi slt, %add3A_332, %lt3A_334 : vector<16xi32>
        %mul3A_336 = arith.constant 16 : i32
        %mul3A_337 = arith.muli %while3A_329, %mul3A_336 : i32
        %get3A = arith.index_cast %mul3A_337 : i32 to index
        %get3A_338 = tpu.vector_load %arg10[%get3A] {strides = array<i32>} : memref<4096xi32, #tpu.memory_space<vmem>>, vector<16xi32>,
        %mul3A_339 = arith.constant 16 : i32
        %mul3A_340 = arith.muli %while3A_329, %mul3A_339 : i32
        %get3A_341 = arith.index_cast %mul3A_340 : i32 to index
        %get3A_342 = tpu.vector_load %arg16[%get3A_341] {strides = array<i32>} : memref<4096xi32, #tpu.memory_space<vmem>>, vector<16xi32>,
        %shift_right_arithmetic3A_343 = arith.constant 10 : i32
        %shift_right_arithmetic3A_344 = vector.broadcast %shift_right_arithmetic3A_343 : i32 to vector<16xi32>
        %shift_right_arithmetic3A_345 = arith.shrsi %get3A_338, %shift_right_arithmetic3A_344 : vector<16xi32>
        %and3A = arith.constant 1023 : i32
        %and3A_346 = vector.broadcast %and3A : i32 to vector<16xi32>
        %and3A_347 = arith.andi %shift_right_arithmetic3A_345, %and3A_346 : vector<16xi32>
        %shift_right_arithmetic3A_348 = arith.constant 10 : i32
        %shift_right_arithmetic3A_349 = vector.broadcast %shift_right_arithmetic3A_348 : i32 to vector<16xi32>
        %shift_right_arithmetic3A_350 = arith.shrsi %get3A_342, %shift_right_arithmetic3A_349 : vector<16xi32>
        %and3A_351 = arith.constant 1023 : i32
        %and3A_352 = vector.broadcast %and3A_351 : i32 to vector<16xi32>
        %and3A_353 = arith.andi %shift_right_arithmetic3A_350, %and3A_352 : vector<16xi32>
        %unique3A_354, %unique3A_355 = tpu.scan_count mask(%lt3A_333 : vector<16xi1>) value(%and3A_347 : vector<16xi32>) : vector<16xi1>, vector<16xi32>
        %unique3A_356, %unique3A_357 = tpu.scan_count mask(%lt3A_335 : vector<16xi1>) value(%and3A_353 : vector<16xi32>) : vector<16xi1>, vector<16xi32>
        %gather3A = tpu.vector_load_idx %arg8[%and3A_347] : memref<1024xi32, #tpu.memory_space<vmem>>[vector<16xi32>], vector<16xi32>,
        %add3A_358 = arith.addi %gather3A, %unique3A_355 : vector<16xi32>
        %add3A_359 = vector.broadcast %sub3A_12 : i32 to vector<16xi32>
        %add3A_360 = arith.addi %add3A_358, %add3A_359 : vector<16xi32>
        tpu.vector_store_idx %arg8[%and3A_347], %add3A_360 masked %unique3A_354 : memref<1024xi32, #tpu.memory_space<vmem>>[vector<16xi32>], vector<16xi32>, vector<16xi1>
        %gather3A_361 = tpu.vector_load_idx %arg9[%and3A_353] : memref<1024xi32, #tpu.memory_space<vmem>>[vector<16xi32>], vector<16xi32>,
        %add3A_362 = arith.addi %gather3A_361, %unique3A_357 : vector<16xi32>
        %add3A_363 = vector.broadcast %sub3A_12 : i32 to vector<16xi32>
        %add3A_364 = arith.addi %add3A_362, %add3A_363 : vector<16xi32>
        tpu.vector_store_idx %arg9[%and3A_353], %add3A_364 masked %unique3A_356 : memref<1024xi32, #tpu.memory_space<vmem>>[vector<16xi32>], vector<16xi32>, vector<16xi1>
        %add3A_365 = arith.addi %gather3A, %unique3A_355 : vector<16xi32>
        %sub3A_366 = vector.broadcast %reduce_min3A_11 : i32 to vector<16xi32>
        %sub3A_367 = arith.subi %add3A_365, %sub3A_366 : vector<16xi32>
        %add3A_368 = arith.addi %gather3A_361, %unique3A_357 : vector<16xi32>
        %sub3A_369 = vector.broadcast %reduce_min3A_11 : i32 to vector<16xi32>
        %sub3A_370 = arith.subi %add3A_368, %sub3A_369 : vector<16xi32>
        tpu.vector_store_idx %arg11[%sub3A_367], %get3A_338 masked %lt3A_333 : memref<4096xi32, #tpu.memory_space<vmem>>[vector<16xi32>], vector<16xi32>, vector<16xi1>
        tpu.vector_store_idx %arg17[%sub3A_370], %get3A_342 masked %lt3A_335 : memref<4096xi32, #tpu.memory_space<vmem>>[vector<16xi32>], vector<16xi32>, vector<16xi1>
        %while3A_371 = arith.constant 0 : i32
        scf.yield %while3A_371 : i32
      }
      %scan3A_161 = arith.constant 0 : i32
      %scan3A_162 = arith.constant 0 : i32
      %scan3A_163 = arith.constant 64 : i32
      %scan3A_164 = arith.addi %scan3A_162, %scan3A_163 : i32
      %scan3A_165 = arith.constant 1 : i32
      %scan3A_166 = scf.for %scan3A_329 = %scan3A_162 to %scan3A_164 step %scan3A_165 iter_args(%scan3A_330 = %scan3A_161) -> (i32)  : i32 {
        %mul3A_331 = arith.constant 16 : i32
        %mul3A_332 = arith.muli %scan3A_329, %mul3A_331 : i32
        %swap3A_333 = arith.index_cast %mul3A_332 : i32 to index
        %swap3A_334 = tpu.vector_load %arg8[%swap3A_333] {strides = array<i32>} : memref<1024xi32, #tpu.memory_space<vmem>>, vector<16xi32>,
        tpu.vector_store %arg8[%swap3A_333], %broadcast_in_dim3A_1 {strides = array<i32>} : memref<1024xi32, #tpu.memory_space<vmem>>, vector<16xi32>,
        %mul3A_335 = arith.constant 16 : i32
        %mul3A_336 = arith.muli %scan3A_329, %mul3A_335 : i32
        %swap3A_337 = arith.index_cast %mul3A_336 : i32 to index
        %swap3A_338 = tpu.vector_load %arg9[%swap3A_337] {strides = array<i32>} : memref<1024xi32, #tpu.memory_space<vmem>>, vector<16xi32>,
        tpu.vector_store %arg9[%swap3A_337], %broadcast_in_dim3A_1 {strides = array<i32>} : memref<1024xi32, #tpu.memory_space<vmem>>, vector<16xi32>,
        %scan3A_339 = arith.constant 0 : i32
        scf.yield %scan3A_339 : i32
      }
      %scan3A_167 = arith.constant 64 : i32
      %max3A_168 = arith.maxsi %shift_right_arithmetic3A_106, %shift_right_arithmetic3A_110 : i32
      %while3A_169 = arith.constant 0 : i32
      %while3A_170 = arith.constant 0 : i32
      %while3A_171 = arith.subi %max3A_168, %while3A_169 : i32
      %while3A_172 = arith.addi %while3A_169, %while3A_171 : i32
      %while3A_173 = arith.constant 1 : i32
      %while3A_174 = arith.divsi %while3A_171, %while3A_173 : i32
      %while3A_175 = arith.muli %while3A_174, %while3A_173 : i32
      %while3A_176 = arith.addi %while3A_169, %while3A_175 : i32
      %while3A_177 = arith.constant 1 : i32
      %while3A_178 = scf.for %while3A_329 = %while3A_169 to %while3A_176 step %while3A_177 iter_args(%while3A_330 = %while3A_170) -> (i32)  : i32 {
        %add3A_331 = vector.broadcast %while3A_329 : i32 to vector<16xi32>
        %add3A_332 = arith.addi %broadcast_in_dim3A_1, %add3A_331 : vector<16xi32>
        %lt3A = vector.broadcast %shift_right_arithmetic3A_106 : i32 to vector<16xi32>
        %lt3A_333 = arith.cmpi slt, %add3A_332, %lt3A : vector<16xi32>
        %lt3A_334 = vector.broadcast %shift_right_arithmetic3A_110 : i32 to vector<16xi32>
        %lt3A_335 = arith.cmpi slt, %add3A_332, %lt3A_334 : vector<16xi32>
        %mul3A_336 = arith.constant 16 : i32
        %mul3A_337 = arith.muli %while3A_329, %mul3A_336 : i32
        %get3A = arith.index_cast %mul3A_337 : i32 to index
        %get3A_338 = tpu.vector_load %arg11[%get3A] {strides = array<i32>} : memref<4096xi32, #tpu.memory_space<vmem>>, vector<16xi32>,
        %mul3A_339 = arith.constant 16 : i32
        %mul3A_340 = arith.muli %while3A_329, %mul3A_339 : i32
        %get3A_341 = arith.index_cast %mul3A_340 : i32 to index
        %get3A_342 = tpu.vector_load %arg17[%get3A_341] {strides = array<i32>} : memref<4096xi32, #tpu.memory_space<vmem>>, vector<16xi32>,
        %shift_right_arithmetic3A_343 = arith.constant 20 : i32
        %shift_right_arithmetic3A_344 = vector.broadcast %shift_right_arithmetic3A_343 : i32 to vector<16xi32>
        %shift_right_arithmetic3A_345 = arith.shrsi %get3A_338, %shift_right_arithmetic3A_344 : vector<16xi32>
        %and3A = arith.constant 1023 : i32
        %and3A_346 = vector.broadcast %and3A : i32 to vector<16xi32>
        %and3A_347 = arith.andi %shift_right_arithmetic3A_345, %and3A_346 : vector<16xi32>
        %shift_right_arithmetic3A_348 = arith.constant 20 : i32
        %shift_right_arithmetic3A_349 = vector.broadcast %shift_right_arithmetic3A_348 : i32 to vector<16xi32>
        %shift_right_arithmetic3A_350 = arith.shrsi %get3A_342, %shift_right_arithmetic3A_349 : vector<16xi32>
        %and3A_351 = arith.constant 1023 : i32
        %and3A_352 = vector.broadcast %and3A_351 : i32 to vector<16xi32>
        %and3A_353 = arith.andi %shift_right_arithmetic3A_350, %and3A_352 : vector<16xi32>
        tpu.vector_store_idx %arg8[%and3A_347], %broadcast_in_dim3A_14 masked %lt3A_333 {add = true} : memref<1024xi32, #tpu.memory_space<vmem>>[vector<16xi32>], vector<16xi32>, vector<16xi1>
        tpu.vector_store_idx %arg9[%and3A_353], %broadcast_in_dim3A_14 masked %lt3A_335 {add = true} : memref<1024xi32, #tpu.memory_space<vmem>>[vector<16xi32>], vector<16xi32>, vector<16xi1>
        %while3A_354 = arith.constant 0 : i32
        scf.yield %while3A_354 : i32
      }
      %while3A_179 = arith.constant 1 : i32
      %while3A_180 = scf.for %while3A_329 = %while3A_176 to %while3A_172 step %while3A_179 iter_args(%while3A_330 = %while3A_178) -> (i32)  : i32 {
        %add3A_331 = vector.broadcast %while3A_329 : i32 to vector<16xi32>
        %add3A_332 = arith.addi %broadcast_in_dim3A_1, %add3A_331 : vector<16xi32>
        %lt3A = vector.broadcast %shift_right_arithmetic3A_106 : i32 to vector<16xi32>
        %lt3A_333 = arith.cmpi slt, %add3A_332, %lt3A : vector<16xi32>
        %lt3A_334 = vector.broadcast %shift_right_arithmetic3A_110 : i32 to vector<16xi32>
        %lt3A_335 = arith.cmpi slt, %add3A_332, %lt3A_334 : vector<16xi32>
        %mul3A_336 = arith.constant 16 : i32
        %mul3A_337 = arith.muli %while3A_329, %mul3A_336 : i32
        %get3A = arith.index_cast %mul3A_337 : i32 to index
        %get3A_338 = tpu.vector_load %arg11[%get3A] {strides = array<i32>} : memref<4096xi32, #tpu.memory_space<vmem>>, vector<16xi32>,
        %mul3A_339 = arith.constant 16 : i32
        %mul3A_340 = arith.muli %while3A_329, %mul3A_339 : i32
        %get3A_341 = arith.index_cast %mul3A_340 : i32 to index
        %get3A_342 = tpu.vector_load %arg17[%get3A_341] {strides = array<i32>} : memref<4096xi32, #tpu.memory_space<vmem>>, vector<16xi32>,
        %shift_right_arithmetic3A_343 = arith.constant 20 : i32
        %shift_right_arithmetic3A_344 = vector.broadcast %shift_right_arithmetic3A_343 : i32 to vector<16xi32>
        %shift_right_arithmetic3A_345 = arith.shrsi %get3A_338, %shift_right_arithmetic3A_344 : vector<16xi32>
        %and3A = arith.constant 1023 : i32
        %and3A_346 = vector.broadcast %and3A : i32 to vector<16xi32>
        %and3A_347 = arith.andi %shift_right_arithmetic3A_345, %and3A_346 : vector<16xi32>
        %shift_right_arithmetic3A_348 = arith.constant 20 : i32
        %shift_right_arithmetic3A_349 = vector.broadcast %shift_right_arithmetic3A_348 : i32 to vector<16xi32>
        %shift_right_arithmetic3A_350 = arith.shrsi %get3A_342, %shift_right_arithmetic3A_349 : vector<16xi32>
        %and3A_351 = arith.constant 1023 : i32
        %and3A_352 = vector.broadcast %and3A_351 : i32 to vector<16xi32>
        %and3A_353 = arith.andi %shift_right_arithmetic3A_350, %and3A_352 : vector<16xi32>
        tpu.vector_store_idx %arg8[%and3A_347], %broadcast_in_dim3A_14 masked %lt3A_333 {add = true} : memref<1024xi32, #tpu.memory_space<vmem>>[vector<16xi32>], vector<16xi32>, vector<16xi1>
        tpu.vector_store_idx %arg9[%and3A_353], %broadcast_in_dim3A_14 masked %lt3A_335 {add = true} : memref<1024xi32, #tpu.memory_space<vmem>>[vector<16xi32>], vector<16xi32>, vector<16xi1>
        %while3A_354 = arith.constant 0 : i32
        scf.yield %while3A_354 : i32
      }
      %scan3A_181 = arith.constant 0 : i32
      %scan3A_182 = arith.constant 0 : i32
      %scan3A_183 = arith.constant 0 : i32
      %scan3A_184 = arith.constant 64 : i32
      %scan3A_185 = arith.addi %scan3A_183, %scan3A_184 : i32
      %scan3A_186 = arith.constant 1 : i32
      %scan3A_187:2 = scf.for %scan3A_329 = %scan3A_183 to %scan3A_185 step %scan3A_186 iter_args(%scan3A_330 = %scan3A_181, %scan3A_331 = %scan3A_182) -> (i32, i32)  : i32 {
        %mul3A_332 = arith.constant 16 : i32
        %mul3A_333 = arith.muli %scan3A_329, %mul3A_332 : i32
        %get3A = arith.index_cast %mul3A_333 : i32 to index
        %get3A_334 = tpu.vector_load %arg8[%get3A] {strides = array<i32>} : memref<1024xi32, #tpu.memory_space<vmem>>, vector<16xi32>,
        %mul3A_335 = arith.constant 16 : i32
        %mul3A_336 = arith.muli %scan3A_329, %mul3A_335 : i32
        %get3A_337 = arith.index_cast %mul3A_336 : i32 to index
        %get3A_338 = tpu.vector_load %arg9[%get3A_337] {strides = array<i32>} : memref<1024xi32, #tpu.memory_space<vmem>>, vector<16xi32>,
        %broadcast_in_dim3A_339 = arith.constant true
        %broadcast_in_dim3A_340 = vector.broadcast %broadcast_in_dim3A_339 : i1 to vector<16xi1>
        %masked_cumsum3A = tpu.scan <sum>, %get3A_334 masked %broadcast_in_dim3A_340 : vector<16xi32>, vector<16xi1> -> vector<16xi32>
        %broadcast_in_dim3A_341 = arith.constant true
        %broadcast_in_dim3A_342 = vector.broadcast %broadcast_in_dim3A_341 : i1 to vector<16xi1>
        %masked_cumsum3A_343 = tpu.scan <sum>, %get3A_338 masked %broadcast_in_dim3A_342 : vector<16xi32>, vector<16xi1> -> vector<16xi32>
        %sub3A_344 = arith.subi %masked_cumsum3A, %get3A_334 : vector<16xi32>
        %add3A_345 = vector.broadcast %scan3A_330 : i32 to vector<16xi32>
        %add3A_346 = arith.addi %sub3A_344, %add3A_345 : vector<16xi32>
        %mul3A_347 = arith.constant 16 : i32
        %mul3A_348 = arith.muli %scan3A_329, %mul3A_347 : i32
        %swap3A_349 = arith.index_cast %mul3A_348 : i32 to index
        %swap3A_350 = tpu.vector_load %arg8[%swap3A_349] {strides = array<i32>} : memref<1024xi32, #tpu.memory_space<vmem>>, vector<16xi32>,
        tpu.vector_store %arg8[%swap3A_349], %add3A_346 {strides = array<i32>} : memref<1024xi32, #tpu.memory_space<vmem>>, vector<16xi32>,
        %sub3A_351 = arith.subi %masked_cumsum3A_343, %get3A_338 : vector<16xi32>
        %add3A_352 = vector.broadcast %scan3A_331 : i32 to vector<16xi32>
        %add3A_353 = arith.addi %sub3A_351, %add3A_352 : vector<16xi32>
        %mul3A_354 = arith.constant 16 : i32
        %mul3A_355 = arith.muli %scan3A_329, %mul3A_354 : i32
        %swap3A_356 = arith.index_cast %mul3A_355 : i32 to index
        %swap3A_357 = tpu.vector_load %arg9[%swap3A_356] {strides = array<i32>} : memref<1024xi32, #tpu.memory_space<vmem>>, vector<16xi32>,
        tpu.vector_store %arg9[%swap3A_356], %add3A_353 {strides = array<i32>} : memref<1024xi32, #tpu.memory_space<vmem>>, vector<16xi32>,
        %slice3A = vector.extract_strided_slice %masked_cumsum3A {offsets = [15], sizes = [1], strides = [1]} : vector<16xi32> to vector<1xi32>
        %squeeze3A = vector.extract %slice3A[0] : i32 from vector<1xi32>
        %add3A_358 = arith.addi %scan3A_330, %squeeze3A : i32
        %slice3A_359 = vector.extract_strided_slice %masked_cumsum3A_343 {offsets = [15], sizes = [1], strides = [1]} : vector<16xi32> to vector<1xi32>
        %squeeze3A_360 = vector.extract %slice3A_359[0] : i32 from vector<1xi32>
        %add3A_361 = arith.addi %scan3A_331, %squeeze3A_360 : i32
        scf.yield %add3A_358, %add3A_361 : i32, i32
      }
      %scan3A_188 = arith.constant 64 : i32
      %while3A_189 = arith.constant 0 : i32
      %while3A_190 = arith.constant 0 : i32
      %while3A_191 = arith.subi %max3A_168, %while3A_189 : i32
      %while3A_192 = arith.addi %while3A_189, %while3A_191 : i32
      %while3A_193 = arith.constant 1 : i32
      %while3A_194 = arith.divsi %while3A_191, %while3A_193 : i32
      %while3A_195 = arith.muli %while3A_194, %while3A_193 : i32
      %while3A_196 = arith.addi %while3A_189, %while3A_195 : i32
      %while3A_197 = arith.constant 1 : i32
      %while3A_198 = scf.for %while3A_329 = %while3A_189 to %while3A_196 step %while3A_197 iter_args(%while3A_330 = %while3A_190) -> (i32)  : i32 {
        %add3A_331 = vector.broadcast %while3A_329 : i32 to vector<16xi32>
        %add3A_332 = arith.addi %broadcast_in_dim3A_1, %add3A_331 : vector<16xi32>
        %lt3A = vector.broadcast %shift_right_arithmetic3A_106 : i32 to vector<16xi32>
        %lt3A_333 = arith.cmpi slt, %add3A_332, %lt3A : vector<16xi32>
        %lt3A_334 = vector.broadcast %shift_right_arithmetic3A_110 : i32 to vector<16xi32>
        %lt3A_335 = arith.cmpi slt, %add3A_332, %lt3A_334 : vector<16xi32>
        %mul3A_336 = arith.constant 16 : i32
        %mul3A_337 = arith.muli %while3A_329, %mul3A_336 : i32
        %get3A = arith.index_cast %mul3A_337 : i32 to index
        %get3A_338 = tpu.vector_load %arg11[%get3A] {strides = array<i32>} : memref<4096xi32, #tpu.memory_space<vmem>>, vector<16xi32>,
        %mul3A_339 = arith.constant 16 : i32
        %mul3A_340 = arith.muli %while3A_329, %mul3A_339 : i32
        %get3A_341 = arith.index_cast %mul3A_340 : i32 to index
        %get3A_342 = tpu.vector_load %arg17[%get3A_341] {strides = array<i32>} : memref<4096xi32, #tpu.memory_space<vmem>>, vector<16xi32>,
        %shift_right_arithmetic3A_343 = arith.constant 20 : i32
        %shift_right_arithmetic3A_344 = vector.broadcast %shift_right_arithmetic3A_343 : i32 to vector<16xi32>
        %shift_right_arithmetic3A_345 = arith.shrsi %get3A_338, %shift_right_arithmetic3A_344 : vector<16xi32>
        %and3A = arith.constant 1023 : i32
        %and3A_346 = vector.broadcast %and3A : i32 to vector<16xi32>
        %and3A_347 = arith.andi %shift_right_arithmetic3A_345, %and3A_346 : vector<16xi32>
        %shift_right_arithmetic3A_348 = arith.constant 20 : i32
        %shift_right_arithmetic3A_349 = vector.broadcast %shift_right_arithmetic3A_348 : i32 to vector<16xi32>
        %shift_right_arithmetic3A_350 = arith.shrsi %get3A_342, %shift_right_arithmetic3A_349 : vector<16xi32>
        %and3A_351 = arith.constant 1023 : i32
        %and3A_352 = vector.broadcast %and3A_351 : i32 to vector<16xi32>
        %and3A_353 = arith.andi %shift_right_arithmetic3A_350, %and3A_352 : vector<16xi32>
        %unique3A_354, %unique3A_355 = tpu.scan_count mask(%lt3A_333 : vector<16xi1>) value(%and3A_347 : vector<16xi32>) : vector<16xi1>, vector<16xi32>
        %unique3A_356, %unique3A_357 = tpu.scan_count mask(%lt3A_335 : vector<16xi1>) value(%and3A_353 : vector<16xi32>) : vector<16xi1>, vector<16xi32>
        %gather3A = tpu.vector_load_idx %arg8[%and3A_347] : memref<1024xi32, #tpu.memory_space<vmem>>[vector<16xi32>], vector<16xi32>,
        %add3A_358 = arith.addi %gather3A, %unique3A_355 : vector<16xi32>
        %add3A_359 = vector.broadcast %sub3A_12 : i32 to vector<16xi32>
        %add3A_360 = arith.addi %add3A_358, %add3A_359 : vector<16xi32>
        tpu.vector_store_idx %arg8[%and3A_347], %add3A_360 masked %unique3A_354 : memref<1024xi32, #tpu.memory_space<vmem>>[vector<16xi32>], vector<16xi32>, vector<16xi1>
        %gather3A_361 = tpu.vector_load_idx %arg9[%and3A_353] : memref<1024xi32, #tpu.memory_space<vmem>>[vector<16xi32>], vector<16xi32>,
        %add3A_362 = arith.addi %gather3A_361, %unique3A_357 : vector<16xi32>
        %add3A_363 = vector.broadcast %sub3A_12 : i32 to vector<16xi32>
        %add3A_364 = arith.addi %add3A_362, %add3A_363 : vector<16xi32>
        tpu.vector_store_idx %arg9[%and3A_353], %add3A_364 masked %unique3A_356 : memref<1024xi32, #tpu.memory_space<vmem>>[vector<16xi32>], vector<16xi32>, vector<16xi1>
        %add3A_365 = arith.addi %gather3A, %unique3A_355 : vector<16xi32>
        %sub3A_366 = vector.broadcast %reduce_min3A_11 : i32 to vector<16xi32>
        %sub3A_367 = arith.subi %add3A_365, %sub3A_366 : vector<16xi32>
        %add3A_368 = arith.addi %gather3A_361, %unique3A_357 : vector<16xi32>
        %sub3A_369 = vector.broadcast %reduce_min3A_11 : i32 to vector<16xi32>
        %sub3A_370 = arith.subi %add3A_368, %sub3A_369 : vector<16xi32>
        tpu.vector_store_idx %arg10[%sub3A_367], %get3A_338 masked %lt3A_333 : memref<4096xi32, #tpu.memory_space<vmem>>[vector<16xi32>], vector<16xi32>, vector<16xi1>
        tpu.vector_store_idx %arg16[%sub3A_370], %get3A_342 masked %lt3A_335 : memref<4096xi32, #tpu.memory_space<vmem>>[vector<16xi32>], vector<16xi32>, vector<16xi1>
        %while3A_371 = arith.constant 0 : i32
        scf.yield %while3A_371 : i32
      }
      %while3A_199 = arith.constant 1 : i32
      %while3A_200 = scf.for %while3A_329 = %while3A_196 to %while3A_192 step %while3A_199 iter_args(%while3A_330 = %while3A_198) -> (i32)  : i32 {
        %add3A_331 = vector.broadcast %while3A_329 : i32 to vector<16xi32>
        %add3A_332 = arith.addi %broadcast_in_dim3A_1, %add3A_331 : vector<16xi32>
        %lt3A = vector.broadcast %shift_right_arithmetic3A_106 : i32 to vector<16xi32>
        %lt3A_333 = arith.cmpi slt, %add3A_332, %lt3A : vector<16xi32>
        %lt3A_334 = vector.broadcast %shift_right_arithmetic3A_110 : i32 to vector<16xi32>
        %lt3A_335 = arith.cmpi slt, %add3A_332, %lt3A_334 : vector<16xi32>
        %mul3A_336 = arith.constant 16 : i32
        %mul3A_337 = arith.muli %while3A_329, %mul3A_336 : i32
        %get3A = arith.index_cast %mul3A_337 : i32 to index
        %get3A_338 = tpu.vector_load %arg11[%get3A] {strides = array<i32>} : memref<4096xi32, #tpu.memory_space<vmem>>, vector<16xi32>,
        %mul3A_339 = arith.constant 16 : i32
        %mul3A_340 = arith.muli %while3A_329, %mul3A_339 : i32
        %get3A_341 = arith.index_cast %mul3A_340 : i32 to index
        %get3A_342 = tpu.vector_load %arg17[%get3A_341] {strides = array<i32>} : memref<4096xi32, #tpu.memory_space<vmem>>, vector<16xi32>,
        %shift_right_arithmetic3A_343 = arith.constant 20 : i32
        %shift_right_arithmetic3A_344 = vector.broadcast %shift_right_arithmetic3A_343 : i32 to vector<16xi32>
        %shift_right_arithmetic3A_345 = arith.shrsi %get3A_338, %shift_right_arithmetic3A_344 : vector<16xi32>
        %and3A = arith.constant 1023 : i32
        %and3A_346 = vector.broadcast %and3A : i32 to vector<16xi32>
        %and3A_347 = arith.andi %shift_right_arithmetic3A_345, %and3A_346 : vector<16xi32>
        %shift_right_arithmetic3A_348 = arith.constant 20 : i32
        %shift_right_arithmetic3A_349 = vector.broadcast %shift_right_arithmetic3A_348 : i32 to vector<16xi32>
        %shift_right_arithmetic3A_350 = arith.shrsi %get3A_342, %shift_right_arithmetic3A_349 : vector<16xi32>
        %and3A_351 = arith.constant 1023 : i32
        %and3A_352 = vector.broadcast %and3A_351 : i32 to vector<16xi32>
        %and3A_353 = arith.andi %shift_right_arithmetic3A_350, %and3A_352 : vector<16xi32>
        %unique3A_354, %unique3A_355 = tpu.scan_count mask(%lt3A_333 : vector<16xi1>) value(%and3A_347 : vector<16xi32>) : vector<16xi1>, vector<16xi32>
        %unique3A_356, %unique3A_357 = tpu.scan_count mask(%lt3A_335 : vector<16xi1>) value(%and3A_353 : vector<16xi32>) : vector<16xi1>, vector<16xi32>
        %gather3A = tpu.vector_load_idx %arg8[%and3A_347] : memref<1024xi32, #tpu.memory_space<vmem>>[vector<16xi32>], vector<16xi32>,
        %add3A_358 = arith.addi %gather3A, %unique3A_355 : vector<16xi32>
        %add3A_359 = vector.broadcast %sub3A_12 : i32 to vector<16xi32>
        %add3A_360 = arith.addi %add3A_358, %add3A_359 : vector<16xi32>
        tpu.vector_store_idx %arg8[%and3A_347], %add3A_360 masked %unique3A_354 : memref<1024xi32, #tpu.memory_space<vmem>>[vector<16xi32>], vector<16xi32>, vector<16xi1>
        %gather3A_361 = tpu.vector_load_idx %arg9[%and3A_353] : memref<1024xi32, #tpu.memory_space<vmem>>[vector<16xi32>], vector<16xi32>,
        %add3A_362 = arith.addi %gather3A_361, %unique3A_357 : vector<16xi32>
        %add3A_363 = vector.broadcast %sub3A_12 : i32 to vector<16xi32>
        %add3A_364 = arith.addi %add3A_362, %add3A_363 : vector<16xi32>
        tpu.vector_store_idx %arg9[%and3A_353], %add3A_364 masked %unique3A_356 : memref<1024xi32, #tpu.memory_space<vmem>>[vector<16xi32>], vector<16xi32>, vector<16xi1>
        %add3A_365 = arith.addi %gather3A, %unique3A_355 : vector<16xi32>
        %sub3A_366 = vector.broadcast %reduce_min3A_11 : i32 to vector<16xi32>
        %sub3A_367 = arith.subi %add3A_365, %sub3A_366 : vector<16xi32>
        %add3A_368 = arith.addi %gather3A_361, %unique3A_357 : vector<16xi32>
        %sub3A_369 = vector.broadcast %reduce_min3A_11 : i32 to vector<16xi32>
        %sub3A_370 = arith.subi %add3A_368, %sub3A_369 : vector<16xi32>
        tpu.vector_store_idx %arg10[%sub3A_367], %get3A_338 masked %lt3A_333 : memref<4096xi32, #tpu.memory_space<vmem>>[vector<16xi32>], vector<16xi32>, vector<16xi1>
        tpu.vector_store_idx %arg16[%sub3A_370], %get3A_342 masked %lt3A_335 : memref<4096xi32, #tpu.memory_space<vmem>>[vector<16xi32>], vector<16xi32>, vector<16xi1>
        %while3A_371 = arith.constant 0 : i32
        scf.yield %while3A_371 : i32
      }
      %scan3A_201 = arith.constant 0 : i32
      %scan3A_202 = arith.constant 0 : i32
      %scan3A_203 = arith.constant 64 : i32
      %scan3A_204 = arith.addi %scan3A_202, %scan3A_203 : i32
      %scan3A_205 = arith.constant 1 : i32
      %scan3A_206 = scf.for %scan3A_329 = %scan3A_202 to %scan3A_204 step %scan3A_205 iter_args(%scan3A_330 = %scan3A_201) -> (i32)  : i32 {
        %mul3A_331 = arith.constant 16 : i32
        %mul3A_332 = arith.muli %scan3A_329, %mul3A_331 : i32
        %swap3A_333 = arith.index_cast %mul3A_332 : i32 to index
        %swap3A_334 = tpu.vector_load %arg8[%swap3A_333] {strides = array<i32>} : memref<1024xi32, #tpu.memory_space<vmem>>, vector<16xi32>,
        tpu.vector_store %arg8[%swap3A_333], %broadcast_in_dim3A_1 {strides = array<i32>} : memref<1024xi32, #tpu.memory_space<vmem>>, vector<16xi32>,
        %mul3A_335 = arith.constant 16 : i32
        %mul3A_336 = arith.muli %scan3A_329, %mul3A_335 : i32
        %swap3A_337 = arith.index_cast %mul3A_336 : i32 to index
        %swap3A_338 = tpu.vector_load %arg9[%swap3A_337] {strides = array<i32>} : memref<1024xi32, #tpu.memory_space<vmem>>, vector<16xi32>,
        tpu.vector_store %arg9[%swap3A_337], %broadcast_in_dim3A_1 {strides = array<i32>} : memref<1024xi32, #tpu.memory_space<vmem>>, vector<16xi32>,
        %scan3A_339 = arith.constant 0 : i32
        scf.yield %scan3A_339 : i32
      }
      %scan3A_207 = arith.constant 64 : i32
      %max3A_208 = arith.maxsi %shift_right_arithmetic3A_114, %shift_right_arithmetic3A_118 : i32
      %while3A_209 = arith.constant 0 : i32
      %while3A_210 = arith.constant 0 : i32
      %while3A_211 = arith.subi %max3A_208, %while3A_209 : i32
      %while3A_212 = arith.addi %while3A_209, %while3A_211 : i32
      %while3A_213 = arith.constant 1 : i32
      %while3A_214 = arith.divsi %while3A_211, %while3A_213 : i32
      %while3A_215 = arith.muli %while3A_214, %while3A_213 : i32
      %while3A_216 = arith.addi %while3A_209, %while3A_215 : i32
      %while3A_217 = arith.constant 1 : i32
      %while3A_218 = scf.for %while3A_329 = %while3A_209 to %while3A_216 step %while3A_217 iter_args(%while3A_330 = %while3A_210) -> (i32)  : i32 {
        %add3A_331 = vector.broadcast %while3A_329 : i32 to vector<16xi32>
        %add3A_332 = arith.addi %broadcast_in_dim3A_1, %add3A_331 : vector<16xi32>
        %lt3A = vector.broadcast %shift_right_arithmetic3A_114 : i32 to vector<16xi32>
        %lt3A_333 = arith.cmpi slt, %add3A_332, %lt3A : vector<16xi32>
        %lt3A_334 = vector.broadcast %shift_right_arithmetic3A_118 : i32 to vector<16xi32>
        %lt3A_335 = arith.cmpi slt, %add3A_332, %lt3A_334 : vector<16xi32>
        %mul3A_336 = arith.constant 16 : i32
        %mul3A_337 = arith.muli %while3A_329, %mul3A_336 : i32
        %get3A = arith.index_cast %mul3A_337 : i32 to index
        %get3A_338 = tpu.vector_load %arg12[%get3A] {strides = array<i32>} : memref<4096xi32, #tpu.memory_space<vmem>>, vector<16xi32>,
        %mul3A_339 = arith.constant 16 : i32
        %mul3A_340 = arith.muli %while3A_329, %mul3A_339 : i32
        %get3A_341 = arith.index_cast %mul3A_340 : i32 to index
        %get3A_342 = tpu.vector_load %arg18[%get3A_341] {strides = array<i32>} : memref<4096xi32, #tpu.memory_space<vmem>>, vector<16xi32>,
        %shift_right_arithmetic3A_343 = arith.constant 0 : i32
        %shift_right_arithmetic3A_344 = vector.broadcast %shift_right_arithmetic3A_343 : i32 to vector<16xi32>
        %shift_right_arithmetic3A_345 = arith.shrsi %get3A_338, %shift_right_arithmetic3A_344 : vector<16xi32>
        %and3A = arith.constant 1023 : i32
        %and3A_346 = vector.broadcast %and3A : i32 to vector<16xi32>
        %and3A_347 = arith.andi %shift_right_arithmetic3A_345, %and3A_346 : vector<16xi32>
        %shift_right_arithmetic3A_348 = arith.constant 0 : i32
        %shift_right_arithmetic3A_349 = vector.broadcast %shift_right_arithmetic3A_348 : i32 to vector<16xi32>
        %shift_right_arithmetic3A_350 = arith.shrsi %get3A_342, %shift_right_arithmetic3A_349 : vector<16xi32>
        %and3A_351 = arith.constant 1023 : i32
        %and3A_352 = vector.broadcast %and3A_351 : i32 to vector<16xi32>
        %and3A_353 = arith.andi %shift_right_arithmetic3A_350, %and3A_352 : vector<16xi32>
        tpu.vector_store_idx %arg8[%and3A_347], %broadcast_in_dim3A_14 masked %lt3A_333 {add = true} : memref<1024xi32, #tpu.memory_space<vmem>>[vector<16xi32>], vector<16xi32>, vector<16xi1>
        tpu.vector_store_idx %arg9[%and3A_353], %broadcast_in_dim3A_14 masked %lt3A_335 {add = true} : memref<1024xi32, #tpu.memory_space<vmem>>[vector<16xi32>], vector<16xi32>, vector<16xi1>
        %while3A_354 = arith.constant 0 : i32
        scf.yield %while3A_354 : i32
      }
      %while3A_219 = arith.constant 1 : i32
      %while3A_220 = scf.for %while3A_329 = %while3A_216 to %while3A_212 step %while3A_219 iter_args(%while3A_330 = %while3A_218) -> (i32)  : i32 {
        %add3A_331 = vector.broadcast %while3A_329 : i32 to vector<16xi32>
        %add3A_332 = arith.addi %broadcast_in_dim3A_1, %add3A_331 : vector<16xi32>
        %lt3A = vector.broadcast %shift_right_arithmetic3A_114 : i32 to vector<16xi32>
        %lt3A_333 = arith.cmpi slt, %add3A_332, %lt3A : vector<16xi32>
        %lt3A_334 = vector.broadcast %shift_right_arithmetic3A_118 : i32 to vector<16xi32>
        %lt3A_335 = arith.cmpi slt, %add3A_332, %lt3A_334 : vector<16xi32>
        %mul3A_336 = arith.constant 16 : i32
        %mul3A_337 = arith.muli %while3A_329, %mul3A_336 : i32
        %get3A = arith.index_cast %mul3A_337 : i32 to index
        %get3A_338 = tpu.vector_load %arg12[%get3A] {strides = array<i32>} : memref<4096xi32, #tpu.memory_space<vmem>>, vector<16xi32>,
        %mul3A_339 = arith.constant 16 : i32
        %mul3A_340 = arith.muli %while3A_329, %mul3A_339 : i32
        %get3A_341 = arith.index_cast %mul3A_340 : i32 to index
        %get3A_342 = tpu.vector_load %arg18[%get3A_341] {strides = array<i32>} : memref<4096xi32, #tpu.memory_space<vmem>>, vector<16xi32>,
        %shift_right_arithmetic3A_343 = arith.constant 0 : i32
        %shift_right_arithmetic3A_344 = vector.broadcast %shift_right_arithmetic3A_343 : i32 to vector<16xi32>
        %shift_right_arithmetic3A_345 = arith.shrsi %get3A_338, %shift_right_arithmetic3A_344 : vector<16xi32>
        %and3A = arith.constant 1023 : i32
        %and3A_346 = vector.broadcast %and3A : i32 to vector<16xi32>
        %and3A_347 = arith.andi %shift_right_arithmetic3A_345, %and3A_346 : vector<16xi32>
        %shift_right_arithmetic3A_348 = arith.constant 0 : i32
        %shift_right_arithmetic3A_349 = vector.broadcast %shift_right_arithmetic3A_348 : i32 to vector<16xi32>
        %shift_right_arithmetic3A_350 = arith.shrsi %get3A_342, %shift_right_arithmetic3A_349 : vector<16xi32>
        %and3A_351 = arith.constant 1023 : i32
        %and3A_352 = vector.broadcast %and3A_351 : i32 to vector<16xi32>
        %and3A_353 = arith.andi %shift_right_arithmetic3A_350, %and3A_352 : vector<16xi32>
        tpu.vector_store_idx %arg8[%and3A_347], %broadcast_in_dim3A_14 masked %lt3A_333 {add = true} : memref<1024xi32, #tpu.memory_space<vmem>>[vector<16xi32>], vector<16xi32>, vector<16xi1>
        tpu.vector_store_idx %arg9[%and3A_353], %broadcast_in_dim3A_14 masked %lt3A_335 {add = true} : memref<1024xi32, #tpu.memory_space<vmem>>[vector<16xi32>], vector<16xi32>, vector<16xi1>
        %while3A_354 = arith.constant 0 : i32
        scf.yield %while3A_354 : i32
      }
      %scan3A_221 = arith.constant 0 : i32
      %scan3A_222 = arith.constant 0 : i32
      %scan3A_223 = arith.constant 0 : i32
      %scan3A_224 = arith.constant 64 : i32
      %scan3A_225 = arith.addi %scan3A_223, %scan3A_224 : i32
      %scan3A_226 = arith.constant 1 : i32
      %scan3A_227:2 = scf.for %scan3A_329 = %scan3A_223 to %scan3A_225 step %scan3A_226 iter_args(%scan3A_330 = %scan3A_221, %scan3A_331 = %scan3A_222) -> (i32, i32)  : i32 {
        %mul3A_332 = arith.constant 16 : i32
        %mul3A_333 = arith.muli %scan3A_329, %mul3A_332 : i32
        %get3A = arith.index_cast %mul3A_333 : i32 to index
        %get3A_334 = tpu.vector_load %arg8[%get3A] {strides = array<i32>} : memref<1024xi32, #tpu.memory_space<vmem>>, vector<16xi32>,
        %mul3A_335 = arith.constant 16 : i32
        %mul3A_336 = arith.muli %scan3A_329, %mul3A_335 : i32
        %get3A_337 = arith.index_cast %mul3A_336 : i32 to index
        %get3A_338 = tpu.vector_load %arg9[%get3A_337] {strides = array<i32>} : memref<1024xi32, #tpu.memory_space<vmem>>, vector<16xi32>,
        %broadcast_in_dim3A_339 = arith.constant true
        %broadcast_in_dim3A_340 = vector.broadcast %broadcast_in_dim3A_339 : i1 to vector<16xi1>
        %masked_cumsum3A = tpu.scan <sum>, %get3A_334 masked %broadcast_in_dim3A_340 : vector<16xi32>, vector<16xi1> -> vector<16xi32>
        %broadcast_in_dim3A_341 = arith.constant true
        %broadcast_in_dim3A_342 = vector.broadcast %broadcast_in_dim3A_341 : i1 to vector<16xi1>
        %masked_cumsum3A_343 = tpu.scan <sum>, %get3A_338 masked %broadcast_in_dim3A_342 : vector<16xi32>, vector<16xi1> -> vector<16xi32>
        %sub3A_344 = arith.subi %masked_cumsum3A, %get3A_334 : vector<16xi32>
        %add3A_345 = vector.broadcast %scan3A_330 : i32 to vector<16xi32>
        %add3A_346 = arith.addi %sub3A_344, %add3A_345 : vector<16xi32>
        %mul3A_347 = arith.constant 16 : i32
        %mul3A_348 = arith.muli %scan3A_329, %mul3A_347 : i32
        %swap3A_349 = arith.index_cast %mul3A_348 : i32 to index
        %swap3A_350 = tpu.vector_load %arg8[%swap3A_349] {strides = array<i32>} : memref<1024xi32, #tpu.memory_space<vmem>>, vector<16xi32>,
        tpu.vector_store %arg8[%swap3A_349], %add3A_346 {strides = array<i32>} : memref<1024xi32, #tpu.memory_space<vmem>>, vector<16xi32>,
        %sub3A_351 = arith.subi %masked_cumsum3A_343, %get3A_338 : vector<16xi32>
        %add3A_352 = vector.broadcast %scan3A_331 : i32 to vector<16xi32>
        %add3A_353 = arith.addi %sub3A_351, %add3A_352 : vector<16xi32>
        %mul3A_354 = arith.constant 16 : i32
        %mul3A_355 = arith.muli %scan3A_329, %mul3A_354 : i32
        %swap3A_356 = arith.index_cast %mul3A_355 : i32 to index
        %swap3A_357 = tpu.vector_load %arg9[%swap3A_356] {strides = array<i32>} : memref<1024xi32, #tpu.memory_space<vmem>>, vector<16xi32>,
        tpu.vector_store %arg9[%swap3A_356], %add3A_353 {strides = array<i32>} : memref<1024xi32, #tpu.memory_space<vmem>>, vector<16xi32>,
        %slice3A = vector.extract_strided_slice %masked_cumsum3A {offsets = [15], sizes = [1], strides = [1]} : vector<16xi32> to vector<1xi32>
        %squeeze3A = vector.extract %slice3A[0] : i32 from vector<1xi32>
        %add3A_358 = arith.addi %scan3A_330, %squeeze3A : i32
        %slice3A_359 = vector.extract_strided_slice %masked_cumsum3A_343 {offsets = [15], sizes = [1], strides = [1]} : vector<16xi32> to vector<1xi32>
        %squeeze3A_360 = vector.extract %slice3A_359[0] : i32 from vector<1xi32>
        %add3A_361 = arith.addi %scan3A_331, %squeeze3A_360 : i32
        scf.yield %add3A_358, %add3A_361 : i32, i32
      }
      %scan3A_228 = arith.constant 64 : i32
      %while3A_229 = arith.constant 0 : i32
      %while3A_230 = arith.constant 0 : i32
      %while3A_231 = arith.subi %max3A_208, %while3A_229 : i32
      %while3A_232 = arith.addi %while3A_229, %while3A_231 : i32
      %while3A_233 = arith.constant 1 : i32
      %while3A_234 = arith.divsi %while3A_231, %while3A_233 : i32
      %while3A_235 = arith.muli %while3A_234, %while3A_233 : i32
      %while3A_236 = arith.addi %while3A_229, %while3A_235 : i32
      %while3A_237 = arith.constant 1 : i32
      %while3A_238 = scf.for %while3A_329 = %while3A_229 to %while3A_236 step %while3A_237 iter_args(%while3A_330 = %while3A_230) -> (i32)  : i32 {
        %add3A_331 = vector.broadcast %while3A_329 : i32 to vector<16xi32>
        %add3A_332 = arith.addi %broadcast_in_dim3A_1, %add3A_331 : vector<16xi32>
        %lt3A = vector.broadcast %shift_right_arithmetic3A_114 : i32 to vector<16xi32>
        %lt3A_333 = arith.cmpi slt, %add3A_332, %lt3A : vector<16xi32>
        %lt3A_334 = vector.broadcast %shift_right_arithmetic3A_118 : i32 to vector<16xi32>
        %lt3A_335 = arith.cmpi slt, %add3A_332, %lt3A_334 : vector<16xi32>
        %mul3A_336 = arith.constant 16 : i32
        %mul3A_337 = arith.muli %while3A_329, %mul3A_336 : i32
        %get3A = arith.index_cast %mul3A_337 : i32 to index
        %get3A_338 = tpu.vector_load %arg12[%get3A] {strides = array<i32>} : memref<4096xi32, #tpu.memory_space<vmem>>, vector<16xi32>,
        %mul3A_339 = arith.constant 16 : i32
        %mul3A_340 = arith.muli %while3A_329, %mul3A_339 : i32
        %get3A_341 = arith.index_cast %mul3A_340 : i32 to index
        %get3A_342 = tpu.vector_load %arg18[%get3A_341] {strides = array<i32>} : memref<4096xi32, #tpu.memory_space<vmem>>, vector<16xi32>,
        %shift_right_arithmetic3A_343 = arith.constant 0 : i32
        %shift_right_arithmetic3A_344 = vector.broadcast %shift_right_arithmetic3A_343 : i32 to vector<16xi32>
        %shift_right_arithmetic3A_345 = arith.shrsi %get3A_338, %shift_right_arithmetic3A_344 : vector<16xi32>
        %and3A = arith.constant 1023 : i32
        %and3A_346 = vector.broadcast %and3A : i32 to vector<16xi32>
        %and3A_347 = arith.andi %shift_right_arithmetic3A_345, %and3A_346 : vector<16xi32>
        %shift_right_arithmetic3A_348 = arith.constant 0 : i32
        %shift_right_arithmetic3A_349 = vector.broadcast %shift_right_arithmetic3A_348 : i32 to vector<16xi32>
        %shift_right_arithmetic3A_350 = arith.shrsi %get3A_342, %shift_right_arithmetic3A_349 : vector<16xi32>
        %and3A_351 = arith.constant 1023 : i32
        %and3A_352 = vector.broadcast %and3A_351 : i32 to vector<16xi32>
        %and3A_353 = arith.andi %shift_right_arithmetic3A_350, %and3A_352 : vector<16xi32>
        %unique3A_354, %unique3A_355 = tpu.scan_count mask(%lt3A_333 : vector<16xi1>) value(%and3A_347 : vector<16xi32>) : vector<16xi1>, vector<16xi32>
        %unique3A_356, %unique3A_357 = tpu.scan_count mask(%lt3A_335 : vector<16xi1>) value(%and3A_353 : vector<16xi32>) : vector<16xi1>, vector<16xi32>
        %gather3A = tpu.vector_load_idx %arg8[%and3A_347] : memref<1024xi32, #tpu.memory_space<vmem>>[vector<16xi32>], vector<16xi32>,
        %add3A_358 = arith.addi %gather3A, %unique3A_355 : vector<16xi32>
        %add3A_359 = vector.broadcast %sub3A_12 : i32 to vector<16xi32>
        %add3A_360 = arith.addi %add3A_358, %add3A_359 : vector<16xi32>
        tpu.vector_store_idx %arg8[%and3A_347], %add3A_360 masked %unique3A_354 : memref<1024xi32, #tpu.memory_space<vmem>>[vector<16xi32>], vector<16xi32>, vector<16xi1>
        %gather3A_361 = tpu.vector_load_idx %arg9[%and3A_353] : memref<1024xi32, #tpu.memory_space<vmem>>[vector<16xi32>], vector<16xi32>,
        %add3A_362 = arith.addi %gather3A_361, %unique3A_357 : vector<16xi32>
        %add3A_363 = vector.broadcast %sub3A_12 : i32 to vector<16xi32>
        %add3A_364 = arith.addi %add3A_362, %add3A_363 : vector<16xi32>
        tpu.vector_store_idx %arg9[%and3A_353], %add3A_364 masked %unique3A_356 : memref<1024xi32, #tpu.memory_space<vmem>>[vector<16xi32>], vector<16xi32>, vector<16xi1>
        %add3A_365 = arith.addi %gather3A, %unique3A_355 : vector<16xi32>
        %sub3A_366 = vector.broadcast %reduce_min3A_11 : i32 to vector<16xi32>
        %sub3A_367 = arith.subi %add3A_365, %sub3A_366 : vector<16xi32>
        %add3A_368 = arith.addi %gather3A_361, %unique3A_357 : vector<16xi32>
        %sub3A_369 = vector.broadcast %reduce_min3A_11 : i32 to vector<16xi32>
        %sub3A_370 = arith.subi %add3A_368, %sub3A_369 : vector<16xi32>
        tpu.vector_store_idx %arg13[%sub3A_367], %get3A_338 masked %lt3A_333 : memref<4096xi32, #tpu.memory_space<vmem>>[vector<16xi32>], vector<16xi32>, vector<16xi1>
        tpu.vector_store_idx %arg19[%sub3A_370], %get3A_342 masked %lt3A_335 : memref<4096xi32, #tpu.memory_space<vmem>>[vector<16xi32>], vector<16xi32>, vector<16xi1>
        %mul3A_371 = arith.constant 16 : i32
        %mul3A_372 = arith.muli %while3A_329, %mul3A_371 : i32
        %get3A_373 = arith.index_cast %mul3A_372 : i32 to index
        %get3A_374 = tpu.vector_load %arg14[%get3A_373] {strides = array<i32>} : memref<4096xi32, #tpu.memory_space<vmem>>, vector<16xi32>,
        tpu.vector_store_idx %arg15[%sub3A_367], %get3A_374 masked %lt3A_333 : memref<4096xi32, #tpu.memory_space<vmem>>[vector<16xi32>], vector<16xi32>, vector<16xi1>
        %mul3A_375 = arith.constant 16 : i32
        %mul3A_376 = arith.muli %while3A_329, %mul3A_375 : i32
        %get3A_377 = arith.index_cast %mul3A_376 : i32 to index
        %get3A_378 = tpu.vector_load %arg20[%get3A_377] {strides = array<i32>} : memref<4096xi32, #tpu.memory_space<vmem>>, vector<16xi32>,
        tpu.vector_store_idx %arg21[%sub3A_370], %get3A_378 masked %lt3A_335 : memref<4096xi32, #tpu.memory_space<vmem>>[vector<16xi32>], vector<16xi32>, vector<16xi1>
        %while3A_379 = arith.constant 0 : i32
        scf.yield %while3A_379 : i32
      }
      %while3A_239 = arith.constant 1 : i32
      %while3A_240 = scf.for %while3A_329 = %while3A_236 to %while3A_232 step %while3A_239 iter_args(%while3A_330 = %while3A_238) -> (i32)  : i32 {
        %add3A_331 = vector.broadcast %while3A_329 : i32 to vector<16xi32>
        %add3A_332 = arith.addi %broadcast_in_dim3A_1, %add3A_331 : vector<16xi32>
        %lt3A = vector.broadcast %shift_right_arithmetic3A_114 : i32 to vector<16xi32>
        %lt3A_333 = arith.cmpi slt, %add3A_332, %lt3A : vector<16xi32>
        %lt3A_334 = vector.broadcast %shift_right_arithmetic3A_118 : i32 to vector<16xi32>
        %lt3A_335 = arith.cmpi slt, %add3A_332, %lt3A_334 : vector<16xi32>
        %mul3A_336 = arith.constant 16 : i32
        %mul3A_337 = arith.muli %while3A_329, %mul3A_336 : i32
        %get3A = arith.index_cast %mul3A_337 : i32 to index
        %get3A_338 = tpu.vector_load %arg12[%get3A] {strides = array<i32>} : memref<4096xi32, #tpu.memory_space<vmem>>, vector<16xi32>,
        %mul3A_339 = arith.constant 16 : i32
        %mul3A_340 = arith.muli %while3A_329, %mul3A_339 : i32
        %get3A_341 = arith.index_cast %mul3A_340 : i32 to index
        %get3A_342 = tpu.vector_load %arg18[%get3A_341] {strides = array<i32>} : memref<4096xi32, #tpu.memory_space<vmem>>, vector<16xi32>,
        %shift_right_arithmetic3A_343 = arith.constant 0 : i32
        %shift_right_arithmetic3A_344 = vector.broadcast %shift_right_arithmetic3A_343 : i32 to vector<16xi32>
        %shift_right_arithmetic3A_345 = arith.shrsi %get3A_338, %shift_right_arithmetic3A_344 : vector<16xi32>
        %and3A = arith.constant 1023 : i32
        %and3A_346 = vector.broadcast %and3A : i32 to vector<16xi32>
        %and3A_347 = arith.andi %shift_right_arithmetic3A_345, %and3A_346 : vector<16xi32>
        %shift_right_arithmetic3A_348 = arith.constant 0 : i32
        %shift_right_arithmetic3A_349 = vector.broadcast %shift_right_arithmetic3A_348 : i32 to vector<16xi32>
        %shift_right_arithmetic3A_350 = arith.shrsi %get3A_342, %shift_right_arithmetic3A_349 : vector<16xi32>
        %and3A_351 = arith.constant 1023 : i32
        %and3A_352 = vector.broadcast %and3A_351 : i32 to vector<16xi32>
        %and3A_353 = arith.andi %shift_right_arithmetic3A_350, %and3A_352 : vector<16xi32>
        %unique3A_354, %unique3A_355 = tpu.scan_count mask(%lt3A_333 : vector<16xi1>) value(%and3A_347 : vector<16xi32>) : vector<16xi1>, vector<16xi32>
        %unique3A_356, %unique3A_357 = tpu.scan_count mask(%lt3A_335 : vector<16xi1>) value(%and3A_353 : vector<16xi32>) : vector<16xi1>, vector<16xi32>
        %gather3A = tpu.vector_load_idx %arg8[%and3A_347] : memref<1024xi32, #tpu.memory_space<vmem>>[vector<16xi32>], vector<16xi32>,
        %add3A_358 = arith.addi %gather3A, %unique3A_355 : vector<16xi32>
        %add3A_359 = vector.broadcast %sub3A_12 : i32 to vector<16xi32>
        %add3A_360 = arith.addi %add3A_358, %add3A_359 : vector<16xi32>
        tpu.vector_store_idx %arg8[%and3A_347], %add3A_360 masked %unique3A_354 : memref<1024xi32, #tpu.memory_space<vmem>>[vector<16xi32>], vector<16xi32>, vector<16xi1>
        %gather3A_361 = tpu.vector_load_idx %arg9[%and3A_353] : memref<1024xi32, #tpu.memory_space<vmem>>[vector<16xi32>], vector<16xi32>,
        %add3A_362 = arith.addi %gather3A_361, %unique3A_357 : vector<16xi32>
        %add3A_363 = vector.broadcast %sub3A_12 : i32 to vector<16xi32>
        %add3A_364 = arith.addi %add3A_362, %add3A_363 : vector<16xi32>
        tpu.vector_store_idx %arg9[%and3A_353], %add3A_364 masked %unique3A_356 : memref<1024xi32, #tpu.memory_space<vmem>>[vector<16xi32>], vector<16xi32>, vector<16xi1>
        %add3A_365 = arith.addi %gather3A, %unique3A_355 : vector<16xi32>
        %sub3A_366 = vector.broadcast %reduce_min3A_11 : i32 to vector<16xi32>
        %sub3A_367 = arith.subi %add3A_365, %sub3A_366 : vector<16xi32>
        %add3A_368 = arith.addi %gather3A_361, %unique3A_357 : vector<16xi32>
        %sub3A_369 = vector.broadcast %reduce_min3A_11 : i32 to vector<16xi32>
        %sub3A_370 = arith.subi %add3A_368, %sub3A_369 : vector<16xi32>
        tpu.vector_store_idx %arg13[%sub3A_367], %get3A_338 masked %lt3A_333 : memref<4096xi32, #tpu.memory_space<vmem>>[vector<16xi32>], vector<16xi32>, vector<16xi1>
        tpu.vector_store_idx %arg19[%sub3A_370], %get3A_342 masked %lt3A_335 : memref<4096xi32, #tpu.memory_space<vmem>>[vector<16xi32>], vector<16xi32>, vector<16xi1>
        %mul3A_371 = arith.constant 16 : i32
        %mul3A_372 = arith.muli %while3A_329, %mul3A_371 : i32
        %get3A_373 = arith.index_cast %mul3A_372 : i32 to index
        %get3A_374 = tpu.vector_load %arg14[%get3A_373] {strides = array<i32>} : memref<4096xi32, #tpu.memory_space<vmem>>, vector<16xi32>,
        tpu.vector_store_idx %arg15[%sub3A_367], %get3A_374 masked %lt3A_333 : memref<4096xi32, #tpu.memory_space<vmem>>[vector<16xi32>], vector<16xi32>, vector<16xi1>
        %mul3A_375 = arith.constant 16 : i32
        %mul3A_376 = arith.muli %while3A_329, %mul3A_375 : i32
        %get3A_377 = arith.index_cast %mul3A_376 : i32 to index
        %get3A_378 = tpu.vector_load %arg20[%get3A_377] {strides = array<i32>} : memref<4096xi32, #tpu.memory_space<vmem>>, vector<16xi32>,
        tpu.vector_store_idx %arg21[%sub3A_370], %get3A_378 masked %lt3A_335 : memref<4096xi32, #tpu.memory_space<vmem>>[vector<16xi32>], vector<16xi32>, vector<16xi1>
        %while3A_379 = arith.constant 0 : i32
        scf.yield %while3A_379 : i32
      }
      %scan3A_241 = arith.constant 0 : i32
      %scan3A_242 = arith.constant 0 : i32
      %scan3A_243 = arith.constant 64 : i32
      %scan3A_244 = arith.addi %scan3A_242, %scan3A_243 : i32
      %scan3A_245 = arith.constant 1 : i32
      %scan3A_246 = scf.for %scan3A_329 = %scan3A_242 to %scan3A_244 step %scan3A_245 iter_args(%scan3A_330 = %scan3A_241) -> (i32)  : i32 {
        %mul3A_331 = arith.constant 16 : i32
        %mul3A_332 = arith.muli %scan3A_329, %mul3A_331 : i32
        %swap3A_333 = arith.index_cast %mul3A_332 : i32 to index
        %swap3A_334 = tpu.vector_load %arg8[%swap3A_333] {strides = array<i32>} : memref<1024xi32, #tpu.memory_space<vmem>>, vector<16xi32>,
        tpu.vector_store %arg8[%swap3A_333], %broadcast_in_dim3A_1 {strides = array<i32>} : memref<1024xi32, #tpu.memory_space<vmem>>, vector<16xi32>,
        %mul3A_335 = arith.constant 16 : i32
        %mul3A_336 = arith.muli %scan3A_329, %mul3A_335 : i32
        %swap3A_337 = arith.index_cast %mul3A_336 : i32 to index
        %swap3A_338 = tpu.vector_load %arg9[%swap3A_337] {strides = array<i32>} : memref<1024xi32, #tpu.memory_space<vmem>>, vector<16xi32>,
        tpu.vector_store %arg9[%swap3A_337], %broadcast_in_dim3A_1 {strides = array<i32>} : memref<1024xi32, #tpu.memory_space<vmem>>, vector<16xi32>,
        %scan3A_339 = arith.constant 0 : i32
        scf.yield %scan3A_339 : i32
      }
      %scan3A_247 = arith.constant 64 : i32
      %max3A_248 = arith.maxsi %shift_right_arithmetic3A_114, %shift_right_arithmetic3A_118 : i32
      %while3A_249 = arith.constant 0 : i32
      %while3A_250 = arith.constant 0 : i32
      %while3A_251 = arith.subi %max3A_248, %while3A_249 : i32
      %while3A_252 = arith.addi %while3A_249, %while3A_251 : i32
      %while3A_253 = arith.constant 1 : i32
      %while3A_254 = arith.divsi %while3A_251, %while3A_253 : i32
      %while3A_255 = arith.muli %while3A_254, %while3A_253 : i32
      %while3A_256 = arith.addi %while3A_249, %while3A_255 : i32
      %while3A_257 = arith.constant 1 : i32
      %while3A_258 = scf.for %while3A_329 = %while3A_249 to %while3A_256 step %while3A_257 iter_args(%while3A_330 = %while3A_250) -> (i32)  : i32 {
        %add3A_331 = vector.broadcast %while3A_329 : i32 to vector<16xi32>
        %add3A_332 = arith.addi %broadcast_in_dim3A_1, %add3A_331 : vector<16xi32>
        %lt3A = vector.broadcast %shift_right_arithmetic3A_114 : i32 to vector<16xi32>
        %lt3A_333 = arith.cmpi slt, %add3A_332, %lt3A : vector<16xi32>
        %lt3A_334 = vector.broadcast %shift_right_arithmetic3A_118 : i32 to vector<16xi32>
        %lt3A_335 = arith.cmpi slt, %add3A_332, %lt3A_334 : vector<16xi32>
        %mul3A_336 = arith.constant 16 : i32
        %mul3A_337 = arith.muli %while3A_329, %mul3A_336 : i32
        %get3A = arith.index_cast %mul3A_337 : i32 to index
        %get3A_338 = tpu.vector_load %arg13[%get3A] {strides = array<i32>} : memref<4096xi32, #tpu.memory_space<vmem>>, vector<16xi32>,
        %mul3A_339 = arith.constant 16 : i32
        %mul3A_340 = arith.muli %while3A_329, %mul3A_339 : i32
        %get3A_341 = arith.index_cast %mul3A_340 : i32 to index
        %get3A_342 = tpu.vector_load %arg19[%get3A_341] {strides = array<i32>} : memref<4096xi32, #tpu.memory_space<vmem>>, vector<16xi32>,
        %shift_right_arithmetic3A_343 = arith.constant 10 : i32
        %shift_right_arithmetic3A_344 = vector.broadcast %shift_right_arithmetic3A_343 : i32 to vector<16xi32>
        %shift_right_arithmetic3A_345 = arith.shrsi %get3A_338, %shift_right_arithmetic3A_344 : vector<16xi32>
        %and3A = arith.constant 1023 : i32
        %and3A_346 = vector.broadcast %and3A : i32 to vector<16xi32>
        %and3A_347 = arith.andi %shift_right_arithmetic3A_345, %and3A_346 : vector<16xi32>
        %shift_right_arithmetic3A_348 = arith.constant 10 : i32
        %shift_right_arithmetic3A_349 = vector.broadcast %shift_right_arithmetic3A_348 : i32 to vector<16xi32>
        %shift_right_arithmetic3A_350 = arith.shrsi %get3A_342, %shift_right_arithmetic3A_349 : vector<16xi32>
        %and3A_351 = arith.constant 1023 : i32
        %and3A_352 = vector.broadcast %and3A_351 : i32 to vector<16xi32>
        %and3A_353 = arith.andi %shift_right_arithmetic3A_350, %and3A_352 : vector<16xi32>
        tpu.vector_store_idx %arg8[%and3A_347], %broadcast_in_dim3A_14 masked %lt3A_333 {add = true} : memref<1024xi32, #tpu.memory_space<vmem>>[vector<16xi32>], vector<16xi32>, vector<16xi1>
        tpu.vector_store_idx %arg9[%and3A_353], %broadcast_in_dim3A_14 masked %lt3A_335 {add = true} : memref<1024xi32, #tpu.memory_space<vmem>>[vector<16xi32>], vector<16xi32>, vector<16xi1>
        %while3A_354 = arith.constant 0 : i32
        scf.yield %while3A_354 : i32
      }
      %while3A_259 = arith.constant 1 : i32
      %while3A_260 = scf.for %while3A_329 = %while3A_256 to %while3A_252 step %while3A_259 iter_args(%while3A_330 = %while3A_258) -> (i32)  : i32 {
        %add3A_331 = vector.broadcast %while3A_329 : i32 to vector<16xi32>
        %add3A_332 = arith.addi %broadcast_in_dim3A_1, %add3A_331 : vector<16xi32>
        %lt3A = vector.broadcast %shift_right_arithmetic3A_114 : i32 to vector<16xi32>
        %lt3A_333 = arith.cmpi slt, %add3A_332, %lt3A : vector<16xi32>
        %lt3A_334 = vector.broadcast %shift_right_arithmetic3A_118 : i32 to vector<16xi32>
        %lt3A_335 = arith.cmpi slt, %add3A_332, %lt3A_334 : vector<16xi32>
        %mul3A_336 = arith.constant 16 : i32
        %mul3A_337 = arith.muli %while3A_329, %mul3A_336 : i32
        %get3A = arith.index_cast %mul3A_337 : i32 to index
        %get3A_338 = tpu.vector_load %arg13[%get3A] {strides = array<i32>} : memref<4096xi32, #tpu.memory_space<vmem>>, vector<16xi32>,
        %mul3A_339 = arith.constant 16 : i32
        %mul3A_340 = arith.muli %while3A_329, %mul3A_339 : i32
        %get3A_341 = arith.index_cast %mul3A_340 : i32 to index
        %get3A_342 = tpu.vector_load %arg19[%get3A_341] {strides = array<i32>} : memref<4096xi32, #tpu.memory_space<vmem>>, vector<16xi32>,
        %shift_right_arithmetic3A_343 = arith.constant 10 : i32
        %shift_right_arithmetic3A_344 = vector.broadcast %shift_right_arithmetic3A_343 : i32 to vector<16xi32>
        %shift_right_arithmetic3A_345 = arith.shrsi %get3A_338, %shift_right_arithmetic3A_344 : vector<16xi32>
        %and3A = arith.constant 1023 : i32
        %and3A_346 = vector.broadcast %and3A : i32 to vector<16xi32>
        %and3A_347 = arith.andi %shift_right_arithmetic3A_345, %and3A_346 : vector<16xi32>
        %shift_right_arithmetic3A_348 = arith.constant 10 : i32
        %shift_right_arithmetic3A_349 = vector.broadcast %shift_right_arithmetic3A_348 : i32 to vector<16xi32>
        %shift_right_arithmetic3A_350 = arith.shrsi %get3A_342, %shift_right_arithmetic3A_349 : vector<16xi32>
        %and3A_351 = arith.constant 1023 : i32
        %and3A_352 = vector.broadcast %and3A_351 : i32 to vector<16xi32>
        %and3A_353 = arith.andi %shift_right_arithmetic3A_350, %and3A_352 : vector<16xi32>
        tpu.vector_store_idx %arg8[%and3A_347], %broadcast_in_dim3A_14 masked %lt3A_333 {add = true} : memref<1024xi32, #tpu.memory_space<vmem>>[vector<16xi32>], vector<16xi32>, vector<16xi1>
        tpu.vector_store_idx %arg9[%and3A_353], %broadcast_in_dim3A_14 masked %lt3A_335 {add = true} : memref<1024xi32, #tpu.memory_space<vmem>>[vector<16xi32>], vector<16xi32>, vector<16xi1>
        %while3A_354 = arith.constant 0 : i32
        scf.yield %while3A_354 : i32
      }
      %scan3A_261 = arith.constant 0 : i32
      %scan3A_262 = arith.constant 0 : i32
      %scan3A_263 = arith.constant 0 : i32
      %scan3A_264 = arith.constant 64 : i32
      %scan3A_265 = arith.addi %scan3A_263, %scan3A_264 : i32
      %scan3A_266 = arith.constant 1 : i32
      %scan3A_267:2 = scf.for %scan3A_329 = %scan3A_263 to %scan3A_265 step %scan3A_266 iter_args(%scan3A_330 = %scan3A_261, %scan3A_331 = %scan3A_262) -> (i32, i32)  : i32 {
        %mul3A_332 = arith.constant 16 : i32
        %mul3A_333 = arith.muli %scan3A_329, %mul3A_332 : i32
        %get3A = arith.index_cast %mul3A_333 : i32 to index
        %get3A_334 = tpu.vector_load %arg8[%get3A] {strides = array<i32>} : memref<1024xi32, #tpu.memory_space<vmem>>, vector<16xi32>,
        %mul3A_335 = arith.constant 16 : i32
        %mul3A_336 = arith.muli %scan3A_329, %mul3A_335 : i32
        %get3A_337 = arith.index_cast %mul3A_336 : i32 to index
        %get3A_338 = tpu.vector_load %arg9[%get3A_337] {strides = array<i32>} : memref<1024xi32, #tpu.memory_space<vmem>>, vector<16xi32>,
        %broadcast_in_dim3A_339 = arith.constant true
        %broadcast_in_dim3A_340 = vector.broadcast %broadcast_in_dim3A_339 : i1 to vector<16xi1>
        %masked_cumsum3A = tpu.scan <sum>, %get3A_334 masked %broadcast_in_dim3A_340 : vector<16xi32>, vector<16xi1> -> vector<16xi32>
        %broadcast_in_dim3A_341 = arith.constant true
        %broadcast_in_dim3A_342 = vector.broadcast %broadcast_in_dim3A_341 : i1 to vector<16xi1>
        %masked_cumsum3A_343 = tpu.scan <sum>, %get3A_338 masked %broadcast_in_dim3A_342 : vector<16xi32>, vector<16xi1> -> vector<16xi32>
        %sub3A_344 = arith.subi %masked_cumsum3A, %get3A_334 : vector<16xi32>
        %add3A_345 = vector.broadcast %scan3A_330 : i32 to vector<16xi32>
        %add3A_346 = arith.addi %sub3A_344, %add3A_345 : vector<16xi32>
        %mul3A_347 = arith.constant 16 : i32
        %mul3A_348 = arith.muli %scan3A_329, %mul3A_347 : i32
        %swap3A_349 = arith.index_cast %mul3A_348 : i32 to index
        %swap3A_350 = tpu.vector_load %arg8[%swap3A_349] {strides = array<i32>} : memref<1024xi32, #tpu.memory_space<vmem>>, vector<16xi32>,
        tpu.vector_store %arg8[%swap3A_349], %add3A_346 {strides = array<i32>} : memref<1024xi32, #tpu.memory_space<vmem>>, vector<16xi32>,
        %sub3A_351 = arith.subi %masked_cumsum3A_343, %get3A_338 : vector<16xi32>
        %add3A_352 = vector.broadcast %scan3A_331 : i32 to vector<16xi32>
        %add3A_353 = arith.addi %sub3A_351, %add3A_352 : vector<16xi32>
        %mul3A_354 = arith.constant 16 : i32
        %mul3A_355 = arith.muli %scan3A_329, %mul3A_354 : i32
        %swap3A_356 = arith.index_cast %mul3A_355 : i32 to index
        %swap3A_357 = tpu.vector_load %arg9[%swap3A_356] {strides = array<i32>} : memref<1024xi32, #tpu.memory_space<vmem>>, vector<16xi32>,
        tpu.vector_store %arg9[%swap3A_356], %add3A_353 {strides = array<i32>} : memref<1024xi32, #tpu.memory_space<vmem>>, vector<16xi32>,
        %slice3A = vector.extract_strided_slice %masked_cumsum3A {offsets = [15], sizes = [1], strides = [1]} : vector<16xi32> to vector<1xi32>
        %squeeze3A = vector.extract %slice3A[0] : i32 from vector<1xi32>
        %add3A_358 = arith.addi %scan3A_330, %squeeze3A : i32
        %slice3A_359 = vector.extract_strided_slice %masked_cumsum3A_343 {offsets = [15], sizes = [1], strides = [1]} : vector<16xi32> to vector<1xi32>
        %squeeze3A_360 = vector.extract %slice3A_359[0] : i32 from vector<1xi32>
        %add3A_361 = arith.addi %scan3A_331, %squeeze3A_360 : i32
        scf.yield %add3A_358, %add3A_361 : i32, i32
      }
      %scan3A_268 = arith.constant 64 : i32
      %while3A_269 = arith.constant 0 : i32
      %while3A_270 = arith.constant 0 : i32
      %while3A_271 = arith.subi %max3A_248, %while3A_269 : i32
      %while3A_272 = arith.addi %while3A_269, %while3A_271 : i32
      %while3A_273 = arith.constant 1 : i32
      %while3A_274 = arith.divsi %while3A_271, %while3A_273 : i32
      %while3A_275 = arith.muli %while3A_274, %while3A_273 : i32
      %while3A_276 = arith.addi %while3A_269, %while3A_275 : i32
      %while3A_277 = arith.constant 1 : i32
      %while3A_278 = scf.for %while3A_329 = %while3A_269 to %while3A_276 step %while3A_277 iter_args(%while3A_330 = %while3A_270) -> (i32)  : i32 {
        %add3A_331 = vector.broadcast %while3A_329 : i32 to vector<16xi32>
        %add3A_332 = arith.addi %broadcast_in_dim3A_1, %add3A_331 : vector<16xi32>
        %lt3A = vector.broadcast %shift_right_arithmetic3A_114 : i32 to vector<16xi32>
        %lt3A_333 = arith.cmpi slt, %add3A_332, %lt3A : vector<16xi32>
        %lt3A_334 = vector.broadcast %shift_right_arithmetic3A_118 : i32 to vector<16xi32>
        %lt3A_335 = arith.cmpi slt, %add3A_332, %lt3A_334 : vector<16xi32>
        %mul3A_336 = arith.constant 16 : i32
        %mul3A_337 = arith.muli %while3A_329, %mul3A_336 : i32
        %get3A = arith.index_cast %mul3A_337 : i32 to index
        %get3A_338 = tpu.vector_load %arg13[%get3A] {strides = array<i32>} : memref<4096xi32, #tpu.memory_space<vmem>>, vector<16xi32>,
        %mul3A_339 = arith.constant 16 : i32
        %mul3A_340 = arith.muli %while3A_329, %mul3A_339 : i32
        %get3A_341 = arith.index_cast %mul3A_340 : i32 to index
        %get3A_342 = tpu.vector_load %arg19[%get3A_341] {strides = array<i32>} : memref<4096xi32, #tpu.memory_space<vmem>>, vector<16xi32>,
        %shift_right_arithmetic3A_343 = arith.constant 10 : i32
        %shift_right_arithmetic3A_344 = vector.broadcast %shift_right_arithmetic3A_343 : i32 to vector<16xi32>
        %shift_right_arithmetic3A_345 = arith.shrsi %get3A_338, %shift_right_arithmetic3A_344 : vector<16xi32>
        %and3A = arith.constant 1023 : i32
        %and3A_346 = vector.broadcast %and3A : i32 to vector<16xi32>
        %and3A_347 = arith.andi %shift_right_arithmetic3A_345, %and3A_346 : vector<16xi32>
        %shift_right_arithmetic3A_348 = arith.constant 10 : i32
        %shift_right_arithmetic3A_349 = vector.broadcast %shift_right_arithmetic3A_348 : i32 to vector<16xi32>
        %shift_right_arithmetic3A_350 = arith.shrsi %get3A_342, %shift_right_arithmetic3A_349 : vector<16xi32>
        %and3A_351 = arith.constant 1023 : i32
        %and3A_352 = vector.broadcast %and3A_351 : i32 to vector<16xi32>
        %and3A_353 = arith.andi %shift_right_arithmetic3A_350, %and3A_352 : vector<16xi32>
        %unique3A_354, %unique3A_355 = tpu.scan_count mask(%lt3A_333 : vector<16xi1>) value(%and3A_347 : vector<16xi32>) : vector<16xi1>, vector<16xi32>
        %unique3A_356, %unique3A_357 = tpu.scan_count mask(%lt3A_335 : vector<16xi1>) value(%and3A_353 : vector<16xi32>) : vector<16xi1>, vector<16xi32>
        %gather3A = tpu.vector_load_idx %arg8[%and3A_347] : memref<1024xi32, #tpu.memory_space<vmem>>[vector<16xi32>], vector<16xi32>,
        %add3A_358 = arith.addi %gather3A, %unique3A_355 : vector<16xi32>
        %add3A_359 = vector.broadcast %sub3A_12 : i32 to vector<16xi32>
        %add3A_360 = arith.addi %add3A_358, %add3A_359 : vector<16xi32>
        tpu.vector_store_idx %arg8[%and3A_347], %add3A_360 masked %unique3A_354 : memref<1024xi32, #tpu.memory_space<vmem>>[vector<16xi32>], vector<16xi32>, vector<16xi1>
        %gather3A_361 = tpu.vector_load_idx %arg9[%and3A_353] : memref<1024xi32, #tpu.memory_space<vmem>>[vector<16xi32>], vector<16xi32>,
        %add3A_362 = arith.addi %gather3A_361, %unique3A_357 : vector<16xi32>
        %add3A_363 = vector.broadcast %sub3A_12 : i32 to vector<16xi32>
        %add3A_364 = arith.addi %add3A_362, %add3A_363 : vector<16xi32>
        tpu.vector_store_idx %arg9[%and3A_353], %add3A_364 masked %unique3A_356 : memref<1024xi32, #tpu.memory_space<vmem>>[vector<16xi32>], vector<16xi32>, vector<16xi1>
        %add3A_365 = arith.addi %gather3A, %unique3A_355 : vector<16xi32>
        %sub3A_366 = vector.broadcast %reduce_min3A_11 : i32 to vector<16xi32>
        %sub3A_367 = arith.subi %add3A_365, %sub3A_366 : vector<16xi32>
        %add3A_368 = arith.addi %gather3A_361, %unique3A_357 : vector<16xi32>
        %sub3A_369 = vector.broadcast %reduce_min3A_11 : i32 to vector<16xi32>
        %sub3A_370 = arith.subi %add3A_368, %sub3A_369 : vector<16xi32>
        tpu.vector_store_idx %arg12[%sub3A_367], %get3A_338 masked %lt3A_333 : memref<4096xi32, #tpu.memory_space<vmem>>[vector<16xi32>], vector<16xi32>, vector<16xi1>
        tpu.vector_store_idx %arg18[%sub3A_370], %get3A_342 masked %lt3A_335 : memref<4096xi32, #tpu.memory_space<vmem>>[vector<16xi32>], vector<16xi32>, vector<16xi1>
        %mul3A_371 = arith.constant 16 : i32
        %mul3A_372 = arith.muli %while3A_329, %mul3A_371 : i32
        %get3A_373 = arith.index_cast %mul3A_372 : i32 to index
        %get3A_374 = tpu.vector_load %arg15[%get3A_373] {strides = array<i32>} : memref<4096xi32, #tpu.memory_space<vmem>>, vector<16xi32>,
        tpu.vector_store_idx %arg14[%sub3A_367], %get3A_374 masked %lt3A_333 : memref<4096xi32, #tpu.memory_space<vmem>>[vector<16xi32>], vector<16xi32>, vector<16xi1>
        %mul3A_375 = arith.constant 16 : i32
        %mul3A_376 = arith.muli %while3A_329, %mul3A_375 : i32
        %get3A_377 = arith.index_cast %mul3A_376 : i32 to index
        %get3A_378 = tpu.vector_load %arg21[%get3A_377] {strides = array<i32>} : memref<4096xi32, #tpu.memory_space<vmem>>, vector<16xi32>,
        tpu.vector_store_idx %arg20[%sub3A_370], %get3A_378 masked %lt3A_335 : memref<4096xi32, #tpu.memory_space<vmem>>[vector<16xi32>], vector<16xi32>, vector<16xi1>
        %while3A_379 = arith.constant 0 : i32
        scf.yield %while3A_379 : i32
      }
      %while3A_279 = arith.constant 1 : i32
      %while3A_280 = scf.for %while3A_329 = %while3A_276 to %while3A_272 step %while3A_279 iter_args(%while3A_330 = %while3A_278) -> (i32)  : i32 {
        %add3A_331 = vector.broadcast %while3A_329 : i32 to vector<16xi32>
        %add3A_332 = arith.addi %broadcast_in_dim3A_1, %add3A_331 : vector<16xi32>
        %lt3A = vector.broadcast %shift_right_arithmetic3A_114 : i32 to vector<16xi32>
        %lt3A_333 = arith.cmpi slt, %add3A_332, %lt3A : vector<16xi32>
        %lt3A_334 = vector.broadcast %shift_right_arithmetic3A_118 : i32 to vector<16xi32>
        %lt3A_335 = arith.cmpi slt, %add3A_332, %lt3A_334 : vector<16xi32>
        %mul3A_336 = arith.constant 16 : i32
        %mul3A_337 = arith.muli %while3A_329, %mul3A_336 : i32
        %get3A = arith.index_cast %mul3A_337 : i32 to index
        %get3A_338 = tpu.vector_load %arg13[%get3A] {strides = array<i32>} : memref<4096xi32, #tpu.memory_space<vmem>>, vector<16xi32>,
        %mul3A_339 = arith.constant 16 : i32
        %mul3A_340 = arith.muli %while3A_329, %mul3A_339 : i32
        %get3A_341 = arith.index_cast %mul3A_340 : i32 to index
        %get3A_342 = tpu.vector_load %arg19[%get3A_341] {strides = array<i32>} : memref<4096xi32, #tpu.memory_space<vmem>>, vector<16xi32>,
        %shift_right_arithmetic3A_343 = arith.constant 10 : i32
        %shift_right_arithmetic3A_344 = vector.broadcast %shift_right_arithmetic3A_343 : i32 to vector<16xi32>
        %shift_right_arithmetic3A_345 = arith.shrsi %get3A_338, %shift_right_arithmetic3A_344 : vector<16xi32>
        %and3A = arith.constant 1023 : i32
        %and3A_346 = vector.broadcast %and3A : i32 to vector<16xi32>
        %and3A_347 = arith.andi %shift_right_arithmetic3A_345, %and3A_346 : vector<16xi32>
        %shift_right_arithmetic3A_348 = arith.constant 10 : i32
        %shift_right_arithmetic3A_349 = vector.broadcast %shift_right_arithmetic3A_348 : i32 to vector<16xi32>
        %shift_right_arithmetic3A_350 = arith.shrsi %get3A_342, %shift_right_arithmetic3A_349 : vector<16xi32>
        %and3A_351 = arith.constant 1023 : i32
        %and3A_352 = vector.broadcast %and3A_351 : i32 to vector<16xi32>
        %and3A_353 = arith.andi %shift_right_arithmetic3A_350, %and3A_352 : vector<16xi32>
        %unique3A_354, %unique3A_355 = tpu.scan_count mask(%lt3A_333 : vector<16xi1>) value(%and3A_347 : vector<16xi32>) : vector<16xi1>, vector<16xi32>
        %unique3A_356, %unique3A_357 = tpu.scan_count mask(%lt3A_335 : vector<16xi1>) value(%and3A_353 : vector<16xi32>) : vector<16xi1>, vector<16xi32>
        %gather3A = tpu.vector_load_idx %arg8[%and3A_347] : memref<1024xi32, #tpu.memory_space<vmem>>[vector<16xi32>], vector<16xi32>,
        %add3A_358 = arith.addi %gather3A, %unique3A_355 : vector<16xi32>
        %add3A_359 = vector.broadcast %sub3A_12 : i32 to vector<16xi32>
        %add3A_360 = arith.addi %add3A_358, %add3A_359 : vector<16xi32>
        tpu.vector_store_idx %arg8[%and3A_347], %add3A_360 masked %unique3A_354 : memref<1024xi32, #tpu.memory_space<vmem>>[vector<16xi32>], vector<16xi32>, vector<16xi1>
        %gather3A_361 = tpu.vector_load_idx %arg9[%and3A_353] : memref<1024xi32, #tpu.memory_space<vmem>>[vector<16xi32>], vector<16xi32>,
        %add3A_362 = arith.addi %gather3A_361, %unique3A_357 : vector<16xi32>
        %add3A_363 = vector.broadcast %sub3A_12 : i32 to vector<16xi32>
        %add3A_364 = arith.addi %add3A_362, %add3A_363 : vector<16xi32>
        tpu.vector_store_idx %arg9[%and3A_353], %add3A_364 masked %unique3A_356 : memref<1024xi32, #tpu.memory_space<vmem>>[vector<16xi32>], vector<16xi32>, vector<16xi1>
        %add3A_365 = arith.addi %gather3A, %unique3A_355 : vector<16xi32>
        %sub3A_366 = vector.broadcast %reduce_min3A_11 : i32 to vector<16xi32>
        %sub3A_367 = arith.subi %add3A_365, %sub3A_366 : vector<16xi32>
        %add3A_368 = arith.addi %gather3A_361, %unique3A_357 : vector<16xi32>
        %sub3A_369 = vector.broadcast %reduce_min3A_11 : i32 to vector<16xi32>
        %sub3A_370 = arith.subi %add3A_368, %sub3A_369 : vector<16xi32>
        tpu.vector_store_idx %arg12[%sub3A_367], %get3A_338 masked %lt3A_333 : memref<4096xi32, #tpu.memory_space<vmem>>[vector<16xi32>], vector<16xi32>, vector<16xi1>
        tpu.vector_store_idx %arg18[%sub3A_370], %get3A_342 masked %lt3A_335 : memref<4096xi32, #tpu.memory_space<vmem>>[vector<16xi32>], vector<16xi32>, vector<16xi1>
        %mul3A_371 = arith.constant 16 : i32
        %mul3A_372 = arith.muli %while3A_329, %mul3A_371 : i32
        %get3A_373 = arith.index_cast %mul3A_372 : i32 to index
        %get3A_374 = tpu.vector_load %arg15[%get3A_373] {strides = array<i32>} : memref<4096xi32, #tpu.memory_space<vmem>>, vector<16xi32>,
        tpu.vector_store_idx %arg14[%sub3A_367], %get3A_374 masked %lt3A_333 : memref<4096xi32, #tpu.memory_space<vmem>>[vector<16xi32>], vector<16xi32>, vector<16xi1>
        %mul3A_375 = arith.constant 16 : i32
        %mul3A_376 = arith.muli %while3A_329, %mul3A_375 : i32
        %get3A_377 = arith.index_cast %mul3A_376 : i32 to index
        %get3A_378 = tpu.vector_load %arg21[%get3A_377] {strides = array<i32>} : memref<4096xi32, #tpu.memory_space<vmem>>, vector<16xi32>,
        tpu.vector_store_idx %arg20[%sub3A_370], %get3A_378 masked %lt3A_335 : memref<4096xi32, #tpu.memory_space<vmem>>[vector<16xi32>], vector<16xi32>, vector<16xi1>
        %while3A_379 = arith.constant 0 : i32
        scf.yield %while3A_379 : i32
      }
      %scan3A_281 = arith.constant 0 : i32
      %scan3A_282 = arith.constant 0 : i32
      %scan3A_283 = arith.constant 64 : i32
      %scan3A_284 = arith.addi %scan3A_282, %scan3A_283 : i32
      %scan3A_285 = arith.constant 1 : i32
      %scan3A_286 = scf.for %scan3A_329 = %scan3A_282 to %scan3A_284 step %scan3A_285 iter_args(%scan3A_330 = %scan3A_281) -> (i32)  : i32 {
        %mul3A_331 = arith.constant 16 : i32
        %mul3A_332 = arith.muli %scan3A_329, %mul3A_331 : i32
        %swap3A_333 = arith.index_cast %mul3A_332 : i32 to index
        %swap3A_334 = tpu.vector_load %arg8[%swap3A_333] {strides = array<i32>} : memref<1024xi32, #tpu.memory_space<vmem>>, vector<16xi32>,
        tpu.vector_store %arg8[%swap3A_333], %broadcast_in_dim3A_1 {strides = array<i32>} : memref<1024xi32, #tpu.memory_space<vmem>>, vector<16xi32>,
        %mul3A_335 = arith.constant 16 : i32
        %mul3A_336 = arith.muli %scan3A_329, %mul3A_335 : i32
        %swap3A_337 = arith.index_cast %mul3A_336 : i32 to index
        %swap3A_338 = tpu.vector_load %arg9[%swap3A_337] {strides = array<i32>} : memref<1024xi32, #tpu.memory_space<vmem>>, vector<16xi32>,
        tpu.vector_store %arg9[%swap3A_337], %broadcast_in_dim3A_1 {strides = array<i32>} : memref<1024xi32, #tpu.memory_space<vmem>>, vector<16xi32>,
        %scan3A_339 = arith.constant 0 : i32
        scf.yield %scan3A_339 : i32
      }
      %scan3A_287 = arith.constant 64 : i32
      %max3A_288 = arith.maxsi %shift_right_arithmetic3A_114, %shift_right_arithmetic3A_118 : i32
      %while3A_289 = arith.constant 0 : i32
      %while3A_290 = arith.constant 0 : i32
      %while3A_291 = arith.subi %max3A_288, %while3A_289 : i32
      %while3A_292 = arith.addi %while3A_289, %while3A_291 : i32
      %while3A_293 = arith.constant 1 : i32
      %while3A_294 = arith.divsi %while3A_291, %while3A_293 : i32
      %while3A_295 = arith.muli %while3A_294, %while3A_293 : i32
      %while3A_296 = arith.addi %while3A_289, %while3A_295 : i32
      %while3A_297 = arith.constant 1 : i32
      %while3A_298 = scf.for %while3A_329 = %while3A_289 to %while3A_296 step %while3A_297 iter_args(%while3A_330 = %while3A_290) -> (i32)  : i32 {
        %add3A_331 = vector.broadcast %while3A_329 : i32 to vector<16xi32>
        %add3A_332 = arith.addi %broadcast_in_dim3A_1, %add3A_331 : vector<16xi32>
        %lt3A = vector.broadcast %shift_right_arithmetic3A_114 : i32 to vector<16xi32>
        %lt3A_333 = arith.cmpi slt, %add3A_332, %lt3A : vector<16xi32>
        %lt3A_334 = vector.broadcast %shift_right_arithmetic3A_118 : i32 to vector<16xi32>
        %lt3A_335 = arith.cmpi slt, %add3A_332, %lt3A_334 : vector<16xi32>
        %mul3A_336 = arith.constant 16 : i32
        %mul3A_337 = arith.muli %while3A_329, %mul3A_336 : i32
        %get3A = arith.index_cast %mul3A_337 : i32 to index
        %get3A_338 = tpu.vector_load %arg12[%get3A] {strides = array<i32>} : memref<4096xi32, #tpu.memory_space<vmem>>, vector<16xi32>,
        %mul3A_339 = arith.constant 16 : i32
        %mul3A_340 = arith.muli %while3A_329, %mul3A_339 : i32
        %get3A_341 = arith.index_cast %mul3A_340 : i32 to index
        %get3A_342 = tpu.vector_load %arg18[%get3A_341] {strides = array<i32>} : memref<4096xi32, #tpu.memory_space<vmem>>, vector<16xi32>,
        %shift_right_arithmetic3A_343 = arith.constant 20 : i32
        %shift_right_arithmetic3A_344 = vector.broadcast %shift_right_arithmetic3A_343 : i32 to vector<16xi32>
        %shift_right_arithmetic3A_345 = arith.shrsi %get3A_338, %shift_right_arithmetic3A_344 : vector<16xi32>
        %and3A = arith.constant 1023 : i32
        %and3A_346 = vector.broadcast %and3A : i32 to vector<16xi32>
        %and3A_347 = arith.andi %shift_right_arithmetic3A_345, %and3A_346 : vector<16xi32>
        %shift_right_arithmetic3A_348 = arith.constant 20 : i32
        %shift_right_arithmetic3A_349 = vector.broadcast %shift_right_arithmetic3A_348 : i32 to vector<16xi32>
        %shift_right_arithmetic3A_350 = arith.shrsi %get3A_342, %shift_right_arithmetic3A_349 : vector<16xi32>
        %and3A_351 = arith.constant 1023 : i32
        %and3A_352 = vector.broadcast %and3A_351 : i32 to vector<16xi32>
        %and3A_353 = arith.andi %shift_right_arithmetic3A_350, %and3A_352 : vector<16xi32>
        tpu.vector_store_idx %arg8[%and3A_347], %broadcast_in_dim3A_14 masked %lt3A_333 {add = true} : memref<1024xi32, #tpu.memory_space<vmem>>[vector<16xi32>], vector<16xi32>, vector<16xi1>
        tpu.vector_store_idx %arg9[%and3A_353], %broadcast_in_dim3A_14 masked %lt3A_335 {add = true} : memref<1024xi32, #tpu.memory_space<vmem>>[vector<16xi32>], vector<16xi32>, vector<16xi1>
        %while3A_354 = arith.constant 0 : i32
        scf.yield %while3A_354 : i32
      }
      %while3A_299 = arith.constant 1 : i32
      %while3A_300 = scf.for %while3A_329 = %while3A_296 to %while3A_292 step %while3A_299 iter_args(%while3A_330 = %while3A_298) -> (i32)  : i32 {
        %add3A_331 = vector.broadcast %while3A_329 : i32 to vector<16xi32>
        %add3A_332 = arith.addi %broadcast_in_dim3A_1, %add3A_331 : vector<16xi32>
        %lt3A = vector.broadcast %shift_right_arithmetic3A_114 : i32 to vector<16xi32>
        %lt3A_333 = arith.cmpi slt, %add3A_332, %lt3A : vector<16xi32>
        %lt3A_334 = vector.broadcast %shift_right_arithmetic3A_118 : i32 to vector<16xi32>
        %lt3A_335 = arith.cmpi slt, %add3A_332, %lt3A_334 : vector<16xi32>
        %mul3A_336 = arith.constant 16 : i32
        %mul3A_337 = arith.muli %while3A_329, %mul3A_336 : i32
        %get3A = arith.index_cast %mul3A_337 : i32 to index
        %get3A_338 = tpu.vector_load %arg12[%get3A] {strides = array<i32>} : memref<4096xi32, #tpu.memory_space<vmem>>, vector<16xi32>,
        %mul3A_339 = arith.constant 16 : i32
        %mul3A_340 = arith.muli %while3A_329, %mul3A_339 : i32
        %get3A_341 = arith.index_cast %mul3A_340 : i32 to index
        %get3A_342 = tpu.vector_load %arg18[%get3A_341] {strides = array<i32>} : memref<4096xi32, #tpu.memory_space<vmem>>, vector<16xi32>,
        %shift_right_arithmetic3A_343 = arith.constant 20 : i32
        %shift_right_arithmetic3A_344 = vector.broadcast %shift_right_arithmetic3A_343 : i32 to vector<16xi32>
        %shift_right_arithmetic3A_345 = arith.shrsi %get3A_338, %shift_right_arithmetic3A_344 : vector<16xi32>
        %and3A = arith.constant 1023 : i32
        %and3A_346 = vector.broadcast %and3A : i32 to vector<16xi32>
        %and3A_347 = arith.andi %shift_right_arithmetic3A_345, %and3A_346 : vector<16xi32>
        %shift_right_arithmetic3A_348 = arith.constant 20 : i32
        %shift_right_arithmetic3A_349 = vector.broadcast %shift_right_arithmetic3A_348 : i32 to vector<16xi32>
        %shift_right_arithmetic3A_350 = arith.shrsi %get3A_342, %shift_right_arithmetic3A_349 : vector<16xi32>
        %and3A_351 = arith.constant 1023 : i32
        %and3A_352 = vector.broadcast %and3A_351 : i32 to vector<16xi32>
        %and3A_353 = arith.andi %shift_right_arithmetic3A_350, %and3A_352 : vector<16xi32>
        tpu.vector_store_idx %arg8[%and3A_347], %broadcast_in_dim3A_14 masked %lt3A_333 {add = true} : memref<1024xi32, #tpu.memory_space<vmem>>[vector<16xi32>], vector<16xi32>, vector<16xi1>
        tpu.vector_store_idx %arg9[%and3A_353], %broadcast_in_dim3A_14 masked %lt3A_335 {add = true} : memref<1024xi32, #tpu.memory_space<vmem>>[vector<16xi32>], vector<16xi32>, vector<16xi1>
        %while3A_354 = arith.constant 0 : i32
        scf.yield %while3A_354 : i32
      }
      %scan3A_301 = arith.constant 0 : i32
      %scan3A_302 = arith.constant 0 : i32
      %scan3A_303 = arith.constant 0 : i32
      %scan3A_304 = arith.constant 64 : i32
      %scan3A_305 = arith.addi %scan3A_303, %scan3A_304 : i32
      %scan3A_306 = arith.constant 1 : i32
      %scan3A_307:2 = scf.for %scan3A_329 = %scan3A_303 to %scan3A_305 step %scan3A_306 iter_args(%scan3A_330 = %scan3A_301, %scan3A_331 = %scan3A_302) -> (i32, i32)  : i32 {
        %mul3A_332 = arith.constant 16 : i32
        %mul3A_333 = arith.muli %scan3A_329, %mul3A_332 : i32
        %get3A = arith.index_cast %mul3A_333 : i32 to index
        %get3A_334 = tpu.vector_load %arg8[%get3A] {strides = array<i32>} : memref<1024xi32, #tpu.memory_space<vmem>>, vector<16xi32>,
        %mul3A_335 = arith.constant 16 : i32
        %mul3A_336 = arith.muli %scan3A_329, %mul3A_335 : i32
        %get3A_337 = arith.index_cast %mul3A_336 : i32 to index
        %get3A_338 = tpu.vector_load %arg9[%get3A_337] {strides = array<i32>} : memref<1024xi32, #tpu.memory_space<vmem>>, vector<16xi32>,
        %broadcast_in_dim3A_339 = arith.constant true
        %broadcast_in_dim3A_340 = vector.broadcast %broadcast_in_dim3A_339 : i1 to vector<16xi1>
        %masked_cumsum3A = tpu.scan <sum>, %get3A_334 masked %broadcast_in_dim3A_340 : vector<16xi32>, vector<16xi1> -> vector<16xi32>
        %broadcast_in_dim3A_341 = arith.constant true
        %broadcast_in_dim3A_342 = vector.broadcast %broadcast_in_dim3A_341 : i1 to vector<16xi1>
        %masked_cumsum3A_343 = tpu.scan <sum>, %get3A_338 masked %broadcast_in_dim3A_342 : vector<16xi32>, vector<16xi1> -> vector<16xi32>
        %sub3A_344 = arith.subi %masked_cumsum3A, %get3A_334 : vector<16xi32>
        %add3A_345 = vector.broadcast %scan3A_330 : i32 to vector<16xi32>
        %add3A_346 = arith.addi %sub3A_344, %add3A_345 : vector<16xi32>
        %mul3A_347 = arith.constant 16 : i32
        %mul3A_348 = arith.muli %scan3A_329, %mul3A_347 : i32
        %swap3A_349 = arith.index_cast %mul3A_348 : i32 to index
        %swap3A_350 = tpu.vector_load %arg8[%swap3A_349] {strides = array<i32>} : memref<1024xi32, #tpu.memory_space<vmem>>, vector<16xi32>,
        tpu.vector_store %arg8[%swap3A_349], %add3A_346 {strides = array<i32>} : memref<1024xi32, #tpu.memory_space<vmem>>, vector<16xi32>,
        %sub3A_351 = arith.subi %masked_cumsum3A_343, %get3A_338 : vector<16xi32>
        %add3A_352 = vector.broadcast %scan3A_331 : i32 to vector<16xi32>
        %add3A_353 = arith.addi %sub3A_351, %add3A_352 : vector<16xi32>
        %mul3A_354 = arith.constant 16 : i32
        %mul3A_355 = arith.muli %scan3A_329, %mul3A_354 : i32
        %swap3A_356 = arith.index_cast %mul3A_355 : i32 to index
        %swap3A_357 = tpu.vector_load %arg9[%swap3A_356] {strides = array<i32>} : memref<1024xi32, #tpu.memory_space<vmem>>, vector<16xi32>,
        tpu.vector_store %arg9[%swap3A_356], %add3A_353 {strides = array<i32>} : memref<1024xi32, #tpu.memory_space<vmem>>, vector<16xi32>,
        %slice3A = vector.extract_strided_slice %masked_cumsum3A {offsets = [15], sizes = [1], strides = [1]} : vector<16xi32> to vector<1xi32>
        %squeeze3A = vector.extract %slice3A[0] : i32 from vector<1xi32>
        %add3A_358 = arith.addi %scan3A_330, %squeeze3A : i32
        %slice3A_359 = vector.extract_strided_slice %masked_cumsum3A_343 {offsets = [15], sizes = [1], strides = [1]} : vector<16xi32> to vector<1xi32>
        %squeeze3A_360 = vector.extract %slice3A_359[0] : i32 from vector<1xi32>
        %add3A_361 = arith.addi %scan3A_331, %squeeze3A_360 : i32
        scf.yield %add3A_358, %add3A_361 : i32, i32
      }
      %scan3A_308 = arith.constant 64 : i32
      %while3A_309 = arith.constant 0 : i32
      %while3A_310 = arith.constant 0 : i32
      %while3A_311 = arith.subi %max3A_288, %while3A_309 : i32
      %while3A_312 = arith.addi %while3A_309, %while3A_311 : i32
      %while3A_313 = arith.constant 1 : i32
      %while3A_314 = arith.divsi %while3A_311, %while3A_313 : i32
      %while3A_315 = arith.muli %while3A_314, %while3A_313 : i32
      %while3A_316 = arith.addi %while3A_309, %while3A_315 : i32
      %while3A_317 = arith.constant 1 : i32
      %while3A_318 = scf.for %while3A_329 = %while3A_309 to %while3A_316 step %while3A_317 iter_args(%while3A_330 = %while3A_310) -> (i32)  : i32 {
        %add3A_331 = vector.broadcast %while3A_329 : i32 to vector<16xi32>
        %add3A_332 = arith.addi %broadcast_in_dim3A_1, %add3A_331 : vector<16xi32>
        %lt3A = vector.broadcast %shift_right_arithmetic3A_114 : i32 to vector<16xi32>
        %lt3A_333 = arith.cmpi slt, %add3A_332, %lt3A : vector<16xi32>
        %lt3A_334 = vector.broadcast %shift_right_arithmetic3A_118 : i32 to vector<16xi32>
        %lt3A_335 = arith.cmpi slt, %add3A_332, %lt3A_334 : vector<16xi32>
        %mul3A_336 = arith.constant 16 : i32
        %mul3A_337 = arith.muli %while3A_329, %mul3A_336 : i32
        %get3A = arith.index_cast %mul3A_337 : i32 to index
        %get3A_338 = tpu.vector_load %arg12[%get3A] {strides = array<i32>} : memref<4096xi32, #tpu.memory_space<vmem>>, vector<16xi32>,
        %mul3A_339 = arith.constant 16 : i32
        %mul3A_340 = arith.muli %while3A_329, %mul3A_339 : i32
        %get3A_341 = arith.index_cast %mul3A_340 : i32 to index
        %get3A_342 = tpu.vector_load %arg18[%get3A_341] {strides = array<i32>} : memref<4096xi32, #tpu.memory_space<vmem>>, vector<16xi32>,
        %shift_right_arithmetic3A_343 = arith.constant 20 : i32
        %shift_right_arithmetic3A_344 = vector.broadcast %shift_right_arithmetic3A_343 : i32 to vector<16xi32>
        %shift_right_arithmetic3A_345 = arith.shrsi %get3A_338, %shift_right_arithmetic3A_344 : vector<16xi32>
        %and3A = arith.constant 1023 : i32
        %and3A_346 = vector.broadcast %and3A : i32 to vector<16xi32>
        %and3A_347 = arith.andi %shift_right_arithmetic3A_345, %and3A_346 : vector<16xi32>
        %shift_right_arithmetic3A_348 = arith.constant 20 : i32
        %shift_right_arithmetic3A_349 = vector.broadcast %shift_right_arithmetic3A_348 : i32 to vector<16xi32>
        %shift_right_arithmetic3A_350 = arith.shrsi %get3A_342, %shift_right_arithmetic3A_349 : vector<16xi32>
        %and3A_351 = arith.constant 1023 : i32
        %and3A_352 = vector.broadcast %and3A_351 : i32 to vector<16xi32>
        %and3A_353 = arith.andi %shift_right_arithmetic3A_350, %and3A_352 : vector<16xi32>
        %unique3A_354, %unique3A_355 = tpu.scan_count mask(%lt3A_333 : vector<16xi1>) value(%and3A_347 : vector<16xi32>) : vector<16xi1>, vector<16xi32>
        %unique3A_356, %unique3A_357 = tpu.scan_count mask(%lt3A_335 : vector<16xi1>) value(%and3A_353 : vector<16xi32>) : vector<16xi1>, vector<16xi32>
        %gather3A = tpu.vector_load_idx %arg8[%and3A_347] : memref<1024xi32, #tpu.memory_space<vmem>>[vector<16xi32>], vector<16xi32>,
        %add3A_358 = arith.addi %gather3A, %unique3A_355 : vector<16xi32>
        %add3A_359 = vector.broadcast %sub3A_12 : i32 to vector<16xi32>
        %add3A_360 = arith.addi %add3A_358, %add3A_359 : vector<16xi32>
        tpu.vector_store_idx %arg8[%and3A_347], %add3A_360 masked %unique3A_354 : memref<1024xi32, #tpu.memory_space<vmem>>[vector<16xi32>], vector<16xi32>, vector<16xi1>
        %gather3A_361 = tpu.vector_load_idx %arg9[%and3A_353] : memref<1024xi32, #tpu.memory_space<vmem>>[vector<16xi32>], vector<16xi32>,
        %add3A_362 = arith.addi %gather3A_361, %unique3A_357 : vector<16xi32>
        %add3A_363 = vector.broadcast %sub3A_12 : i32 to vector<16xi32>
        %add3A_364 = arith.addi %add3A_362, %add3A_363 : vector<16xi32>
        tpu.vector_store_idx %arg9[%and3A_353], %add3A_364 masked %unique3A_356 : memref<1024xi32, #tpu.memory_space<vmem>>[vector<16xi32>], vector<16xi32>, vector<16xi1>
        %add3A_365 = arith.addi %gather3A, %unique3A_355 : vector<16xi32>
        %sub3A_366 = vector.broadcast %reduce_min3A_11 : i32 to vector<16xi32>
        %sub3A_367 = arith.subi %add3A_365, %sub3A_366 : vector<16xi32>
        %add3A_368 = arith.addi %gather3A_361, %unique3A_357 : vector<16xi32>
        %sub3A_369 = vector.broadcast %reduce_min3A_11 : i32 to vector<16xi32>
        %sub3A_370 = arith.subi %add3A_368, %sub3A_369 : vector<16xi32>
        tpu.vector_store_idx %arg13[%sub3A_367], %get3A_338 masked %lt3A_333 : memref<4096xi32, #tpu.memory_space<vmem>>[vector<16xi32>], vector<16xi32>, vector<16xi1>
        tpu.vector_store_idx %arg19[%sub3A_370], %get3A_342 masked %lt3A_335 : memref<4096xi32, #tpu.memory_space<vmem>>[vector<16xi32>], vector<16xi32>, vector<16xi1>
        %mul3A_371 = arith.constant 16 : i32
        %mul3A_372 = arith.muli %while3A_329, %mul3A_371 : i32
        %get3A_373 = arith.index_cast %mul3A_372 : i32 to index
        %get3A_374 = tpu.vector_load %arg14[%get3A_373] {strides = array<i32>} : memref<4096xi32, #tpu.memory_space<vmem>>, vector<16xi32>,
        tpu.vector_store_idx %arg15[%sub3A_367], %get3A_374 masked %lt3A_333 : memref<4096xi32, #tpu.memory_space<vmem>>[vector<16xi32>], vector<16xi32>, vector<16xi1>
        %mul3A_375 = arith.constant 16 : i32
        %mul3A_376 = arith.muli %while3A_329, %mul3A_375 : i32
        %get3A_377 = arith.index_cast %mul3A_376 : i32 to index
        %get3A_378 = tpu.vector_load %arg20[%get3A_377] {strides = array<i32>} : memref<4096xi32, #tpu.memory_space<vmem>>, vector<16xi32>,
        tpu.vector_store_idx %arg21[%sub3A_370], %get3A_378 masked %lt3A_335 : memref<4096xi32, #tpu.memory_space<vmem>>[vector<16xi32>], vector<16xi32>, vector<16xi1>
        %while3A_379 = arith.constant 0 : i32
        scf.yield %while3A_379 : i32
      }
      %while3A_319 = arith.constant 1 : i32
      %while3A_320 = scf.for %while3A_329 = %while3A_316 to %while3A_312 step %while3A_319 iter_args(%while3A_330 = %while3A_318) -> (i32)  : i32 {
        %add3A_331 = vector.broadcast %while3A_329 : i32 to vector<16xi32>
        %add3A_332 = arith.addi %broadcast_in_dim3A_1, %add3A_331 : vector<16xi32>
        %lt3A = vector.broadcast %shift_right_arithmetic3A_114 : i32 to vector<16xi32>
        %lt3A_333 = arith.cmpi slt, %add3A_332, %lt3A : vector<16xi32>
        %lt3A_334 = vector.broadcast %shift_right_arithmetic3A_118 : i32 to vector<16xi32>
        %lt3A_335 = arith.cmpi slt, %add3A_332, %lt3A_334 : vector<16xi32>
        %mul3A_336 = arith.constant 16 : i32
        %mul3A_337 = arith.muli %while3A_329, %mul3A_336 : i32
        %get3A = arith.index_cast %mul3A_337 : i32 to index
        %get3A_338 = tpu.vector_load %arg12[%get3A] {strides = array<i32>} : memref<4096xi32, #tpu.memory_space<vmem>>, vector<16xi32>,
        %mul3A_339 = arith.constant 16 : i32
        %mul3A_340 = arith.muli %while3A_329, %mul3A_339 : i32
        %get3A_341 = arith.index_cast %mul3A_340 : i32 to index
        %get3A_342 = tpu.vector_load %arg18[%get3A_341] {strides = array<i32>} : memref<4096xi32, #tpu.memory_space<vmem>>, vector<16xi32>,
        %shift_right_arithmetic3A_343 = arith.constant 20 : i32
        %shift_right_arithmetic3A_344 = vector.broadcast %shift_right_arithmetic3A_343 : i32 to vector<16xi32>
        %shift_right_arithmetic3A_345 = arith.shrsi %get3A_338, %shift_right_arithmetic3A_344 : vector<16xi32>
        %and3A = arith.constant 1023 : i32
        %and3A_346 = vector.broadcast %and3A : i32 to vector<16xi32>
        %and3A_347 = arith.andi %shift_right_arithmetic3A_345, %and3A_346 : vector<16xi32>
        %shift_right_arithmetic3A_348 = arith.constant 20 : i32
        %shift_right_arithmetic3A_349 = vector.broadcast %shift_right_arithmetic3A_348 : i32 to vector<16xi32>
        %shift_right_arithmetic3A_350 = arith.shrsi %get3A_342, %shift_right_arithmetic3A_349 : vector<16xi32>
        %and3A_351 = arith.constant 1023 : i32
        %and3A_352 = vector.broadcast %and3A_351 : i32 to vector<16xi32>
        %and3A_353 = arith.andi %shift_right_arithmetic3A_350, %and3A_352 : vector<16xi32>
        %unique3A_354, %unique3A_355 = tpu.scan_count mask(%lt3A_333 : vector<16xi1>) value(%and3A_347 : vector<16xi32>) : vector<16xi1>, vector<16xi32>
        %unique3A_356, %unique3A_357 = tpu.scan_count mask(%lt3A_335 : vector<16xi1>) value(%and3A_353 : vector<16xi32>) : vector<16xi1>, vector<16xi32>
        %gather3A = tpu.vector_load_idx %arg8[%and3A_347] : memref<1024xi32, #tpu.memory_space<vmem>>[vector<16xi32>], vector<16xi32>,
        %add3A_358 = arith.addi %gather3A, %unique3A_355 : vector<16xi32>
        %add3A_359 = vector.broadcast %sub3A_12 : i32 to vector<16xi32>
        %add3A_360 = arith.addi %add3A_358, %add3A_359 : vector<16xi32>
        tpu.vector_store_idx %arg8[%and3A_347], %add3A_360 masked %unique3A_354 : memref<1024xi32, #tpu.memory_space<vmem>>[vector<16xi32>], vector<16xi32>, vector<16xi1>
        %gather3A_361 = tpu.vector_load_idx %arg9[%and3A_353] : memref<1024xi32, #tpu.memory_space<vmem>>[vector<16xi32>], vector<16xi32>,
        %add3A_362 = arith.addi %gather3A_361, %unique3A_357 : vector<16xi32>
        %add3A_363 = vector.broadcast %sub3A_12 : i32 to vector<16xi32>
        %add3A_364 = arith.addi %add3A_362, %add3A_363 : vector<16xi32>
        tpu.vector_store_idx %arg9[%and3A_353], %add3A_364 masked %unique3A_356 : memref<1024xi32, #tpu.memory_space<vmem>>[vector<16xi32>], vector<16xi32>, vector<16xi1>
        %add3A_365 = arith.addi %gather3A, %unique3A_355 : vector<16xi32>
        %sub3A_366 = vector.broadcast %reduce_min3A_11 : i32 to vector<16xi32>
        %sub3A_367 = arith.subi %add3A_365, %sub3A_366 : vector<16xi32>
        %add3A_368 = arith.addi %gather3A_361, %unique3A_357 : vector<16xi32>
        %sub3A_369 = vector.broadcast %reduce_min3A_11 : i32 to vector<16xi32>
        %sub3A_370 = arith.subi %add3A_368, %sub3A_369 : vector<16xi32>
        tpu.vector_store_idx %arg13[%sub3A_367], %get3A_338 masked %lt3A_333 : memref<4096xi32, #tpu.memory_space<vmem>>[vector<16xi32>], vector<16xi32>, vector<16xi1>
        tpu.vector_store_idx %arg19[%sub3A_370], %get3A_342 masked %lt3A_335 : memref<4096xi32, #tpu.memory_space<vmem>>[vector<16xi32>], vector<16xi32>, vector<16xi1>
        %mul3A_371 = arith.constant 16 : i32
        %mul3A_372 = arith.muli %while3A_329, %mul3A_371 : i32
        %get3A_373 = arith.index_cast %mul3A_372 : i32 to index
        %get3A_374 = tpu.vector_load %arg14[%get3A_373] {strides = array<i32>} : memref<4096xi32, #tpu.memory_space<vmem>>, vector<16xi32>,
        tpu.vector_store_idx %arg15[%sub3A_367], %get3A_374 masked %lt3A_333 : memref<4096xi32, #tpu.memory_space<vmem>>[vector<16xi32>], vector<16xi32>, vector<16xi1>
        %mul3A_375 = arith.constant 16 : i32
        %mul3A_376 = arith.muli %while3A_329, %mul3A_375 : i32
        %get3A_377 = arith.index_cast %mul3A_376 : i32 to index
        %get3A_378 = tpu.vector_load %arg20[%get3A_377] {strides = array<i32>} : memref<4096xi32, #tpu.memory_space<vmem>>, vector<16xi32>,
        tpu.vector_store_idx %arg21[%sub3A_370], %get3A_378 masked %lt3A_335 : memref<4096xi32, #tpu.memory_space<vmem>>[vector<16xi32>], vector<16xi32>, vector<16xi1>
        %while3A_379 = arith.constant 0 : i32
        scf.yield %while3A_379 : i32
      }
      %scan3A_321 = arith.constant 0 : i32
      %scan3A_322 = arith.constant 0 : i32
      %scan3A_323 = arith.constant 205 : i32
      %scan3A_324 = arith.addi %scan3A_322, %scan3A_323 : i32
      %scan3A_325 = arith.constant 1 : i32
      %scan3A_326 = scf.for %scan3A_329 = %scan3A_322 to %scan3A_324 step %scan3A_325 iter_args(%scan3A_330 = %scan3A_321) -> (i32)  : i32 {
        %mul3A_331 = arith.constant 16 : i32
        %mul3A_332 = arith.muli %scan3A_329, %mul3A_331 : i32
        %add3A_333 = vector.broadcast %mul3A_332 : i32 to vector<16xi32>
        %add3A_334 = arith.addi %iota3A, %add3A_333 : vector<16xi32>
        %min3A = arith.constant 3275 : i32
        %min3A_335 = vector.broadcast %min3A : i32 to vector<16xi32>
        %min3A_336 = arith.minsi %add3A_334, %min3A_335 : vector<16xi32>
        %sub3A_337 = arith.constant 3276 : i32
        %sub3A_338 = arith.subi %mul3A_120, %sub3A_337 : i32
        %add3A_339 = vector.broadcast %sub3A_338 : i32 to vector<16xi32>
        %add3A_340 = arith.addi %add3A_339, %min3A_336 : vector<16xi32>
        %sub3A_341 = arith.constant 3276 : i32
        %sub3A_342 = arith.subi %mul3A_122, %sub3A_341 : i32
        %add3A_343 = vector.broadcast %sub3A_342 : i32 to vector<16xi32>
        %add3A_344 = arith.addi %add3A_343, %min3A_336 : vector<16xi32>
        %gather3A = tpu.vector_load_idx %arg13[%add3A_340] : memref<4096xi32, #tpu.memory_space<vmem>>[vector<16xi32>], vector<16xi32>,
        %gather3A_345 = tpu.vector_load_idx %arg15[%add3A_340] : memref<4096xi32, #tpu.memory_space<vmem>>[vector<16xi32>], vector<16xi32>,
        %sub3A_346 = arith.constant 3275 : i32
        %sub3A_347 = vector.broadcast %sub3A_346 : i32 to vector<16xi32>
        %sub3A_348 = arith.subi %sub3A_347, %min3A_336 : vector<16xi32>
        %gather3A_349 = tpu.vector_load_idx %arg10[%sub3A_348] : memref<4096xi32, #tpu.memory_space<vmem>>[vector<16xi32>], vector<16xi32>,
        %gather3A_350 = tpu.vector_load_idx %arg19[%add3A_344] : memref<4096xi32, #tpu.memory_space<vmem>>[vector<16xi32>], vector<16xi32>,
        %gather3A_351 = tpu.vector_load_idx %arg21[%add3A_344] : memref<4096xi32, #tpu.memory_space<vmem>>[vector<16xi32>], vector<16xi32>,
        %sub3A_352 = arith.constant 3275 : i32
        %sub3A_353 = vector.broadcast %sub3A_352 : i32 to vector<16xi32>
        %sub3A_354 = arith.subi %sub3A_353, %min3A_336 : vector<16xi32>
        %gather3A_355 = tpu.vector_load_idx %arg16[%sub3A_354] : memref<4096xi32, #tpu.memory_space<vmem>>[vector<16xi32>], vector<16xi32>,
        %bitcast3A = vector.bitcast %gather3A : vector<16xi32> to vector<16xf32>
        %bitcast3A_356 = vector.bitcast %gather3A_349 : vector<16xi32> to vector<16xf32>
        %bitcast3A_357 = vector.bitcast %gather3A_350 : vector<16xi32> to vector<16xf32>
        %bitcast3A_358 = vector.bitcast %gather3A_355 : vector<16xi32> to vector<16xf32>
        %sub3A_359 = arith.subf %bitcast3A, %bitcast3A_356 : vector<16xf32>
        %sub3A_360 = arith.subf %bitcast3A, %sub3A_359 : vector<16xf32>
        tpu.vector_store_idx %arg4[%gather3A_345], %sub3A_360 : memref<32768xf32, #tpu.memory_space<vmem>>[vector<16xi32>], vector<16xf32>,
        %sub3A_361 = arith.subf %bitcast3A_357, %bitcast3A_358 : vector<16xf32>
        %sub3A_362 = arith.subf %bitcast3A_357, %sub3A_361 : vector<16xf32>
        tpu.vector_store_idx %arg5[%gather3A_351], %sub3A_362 : memref<32768xf32, #tpu.memory_space<vmem>>[vector<16xi32>], vector<16xf32>,
        %scan3A_363 = arith.constant 0 : i32
        scf.yield %scan3A_363 : i32
      }
      %scan3A_327 = arith.constant 205 : i32
      "tpu.region"() ({
        %run_scoped3A = tpu.sem_alloc : memref<!tpu.dma_semaphore, #tpu.memory_space<semaphore_mem>>
        %dma_start3A = arith.constant 0 : i32
        %dma_start3A_329 = tpu.memref_slice %arg3[%add3A_27, %dma_start3A] : memref<128x32768xf32, #tpu.memory_space<hbm>> -> memref<1x32768xf32, #tpu.memory_space<hbm>>
        %dma_start3A_330 = tpu.memref_squeeze %dma_start3A_329 : memref<1x32768xf32, #tpu.memory_space<hbm>> -> memref<32768xf32, #tpu.memory_space<hbm>>
        %dma_start3A_331 = arith.constant 0 : i32
        %dma_start3A_332 = tpu.memref_slice %arg3[%add3A_27, %dma_start3A_331] : memref<128x32768xf32, #tpu.memory_space<hbm>> -> memref<1x32768xf32, #tpu.memory_space<hbm>>
        %dma_start3A_333 = tpu.memref_squeeze %dma_start3A_332 : memref<1x32768xf32, #tpu.memory_space<hbm>> -> memref<32768xf32, #tpu.memory_space<hbm>>
        tpu.enqueue_dma source(%arg4 : memref<32768xf32, #tpu.memory_space<vmem>>) target(%dma_start3A_333 : memref<32768xf32, #tpu.memory_space<hbm>>) target_semaphore(%run_scoped3A : memref<!tpu.dma_semaphore, #tpu.memory_space<semaphore_mem>>)
        %dma_wait3A = arith.constant 0 : i32
        %dma_wait3A_334 = tpu.memref_slice %arg3[%add3A_27, %dma_wait3A] : memref<128x32768xf32, #tpu.memory_space<hbm>> -> memref<1x32768xf32, #tpu.memory_space<hbm>>
        %dma_wait3A_335 = tpu.memref_squeeze %dma_wait3A_334 : memref<1x32768xf32, #tpu.memory_space<hbm>> -> memref<32768xf32, #tpu.memory_space<hbm>>
        %dma_wait3A_336 = arith.constant 0 : i32
        %dma_wait3A_337 = tpu.memref_slice %arg3[%add3A_27, %dma_wait3A_336] : memref<128x32768xf32, #tpu.memory_space<hbm>> -> memref<1x32768xf32, #tpu.memory_space<hbm>>
        %dma_wait3A_338 = tpu.memref_squeeze %dma_wait3A_337 : memref<1x32768xf32, #tpu.memory_space<hbm>> -> memref<32768xf32, #tpu.memory_space<hbm>>
        tpu.wait_dma2 semaphore(%run_scoped3A : memref<!tpu.dma_semaphore, #tpu.memory_space<semaphore_mem>>) src(%arg4 : memref<32768xf32, #tpu.memory_space<vmem>>) dst(%dma_wait3A_338 : memref<32768xf32, #tpu.memory_space<hbm>>)
        tpu.yield
      }) : () -> ()
      "tpu.region"() ({
        %run_scoped3A = tpu.sem_alloc : memref<!tpu.dma_semaphore, #tpu.memory_space<semaphore_mem>>
        %dma_start3A = arith.constant 0 : i32
        %dma_start3A_329 = tpu.memref_slice %arg3[%add3A_29, %dma_start3A] : memref<128x32768xf32, #tpu.memory_space<hbm>> -> memref<1x32768xf32, #tpu.memory_space<hbm>>
        %dma_start3A_330 = tpu.memref_squeeze %dma_start3A_329 : memref<1x32768xf32, #tpu.memory_space<hbm>> -> memref<32768xf32, #tpu.memory_space<hbm>>
        %dma_start3A_331 = arith.constant 0 : i32
        %dma_start3A_332 = tpu.memref_slice %arg3[%add3A_29, %dma_start3A_331] : memref<128x32768xf32, #tpu.memory_space<hbm>> -> memref<1x32768xf32, #tpu.memory_space<hbm>>
        %dma_start3A_333 = tpu.memref_squeeze %dma_start3A_332 : memref<1x32768xf32, #tpu.memory_space<hbm>> -> memref<32768xf32, #tpu.memory_space<hbm>>
        tpu.enqueue_dma source(%arg5 : memref<32768xf32, #tpu.memory_space<vmem>>) target(%dma_start3A_333 : memref<32768xf32, #tpu.memory_space<hbm>>) target_semaphore(%run_scoped3A : memref<!tpu.dma_semaphore, #tpu.memory_space<semaphore_mem>>)
        %dma_wait3A = arith.constant 0 : i32
        %dma_wait3A_334 = tpu.memref_slice %arg3[%add3A_29, %dma_wait3A] : memref<128x32768xf32, #tpu.memory_space<hbm>> -> memref<1x32768xf32, #tpu.memory_space<hbm>>
        %dma_wait3A_335 = tpu.memref_squeeze %dma_wait3A_334 : memref<1x32768xf32, #tpu.memory_space<hbm>> -> memref<32768xf32, #tpu.memory_space<hbm>>
        %dma_wait3A_336 = arith.constant 0 : i32
        %dma_wait3A_337 = tpu.memref_slice %arg3[%add3A_29, %dma_wait3A_336] : memref<128x32768xf32, #tpu.memory_space<hbm>> -> memref<1x32768xf32, #tpu.memory_space<hbm>>
        %dma_wait3A_338 = tpu.memref_squeeze %dma_wait3A_337 : memref<1x32768xf32, #tpu.memory_space<hbm>> -> memref<32768xf32, #tpu.memory_space<hbm>>
        tpu.wait_dma2 semaphore(%run_scoped3A : memref<!tpu.dma_semaphore, #tpu.memory_space<semaphore_mem>>) src(%arg5 : memref<32768xf32, #tpu.memory_space<vmem>>) dst(%dma_wait3A_338 : memref<32768xf32, #tpu.memory_space<hbm>>)
        tpu.yield
      }) : () -> ()
      %scan3A_328 = arith.constant 0 : i32
      scf.yield %scan3A_328 : i32
    }
    %scan3A_20 = arith.constant 2 : i32
    return
  }
}

</mosaic_0001>

<sc_bundles>
// kernel: _sc_topk_replace.3.cloned.1.call-start
scs
__scs_entry_jumppad:
0x0: {  	(pc) =	sbr.rel $0x88, $3  }
0x1: {  	(tag) =	ssettag $0x0;
	lr =	simm.s32 $0x1  }
0x2: {  	[smem:$0x3FA0] =	sst lr;
	_ =	strace $0xD0000000  }
0x3: {  	_ = 	snop  }
0x4: {  	_ = 	snop  }
0x5: {  	_ = 	snop  }
0x6: {  	_ = 	snop  }
0x7: {  	_ = 	snop  }
__scs_overlays_trampoline_lowered:
0x8: {  	[smem:$0x3FAF] =	sst s0  }
0x9: {  	[smem:$0x3FB0] =	sst s1  }
0xa: {  	[smem:$0x3FB1] =	sst s2  }
0xb: {  	[smem:$0x3FB2] =	sst s3  }
0xc: {  	[smem:$0x3FB3] =	sst s4  }
0xd: {  	[smem:$0x3FB4] =	sst s5  }
0xe: {  	[smem:$0x3FB5] =	sst s6  }
0xf: {  	[smem:$0x3FB6] =	sst s7  }
0x10: {  	[smem:$0x3FB7] =	sst s8  }
0x11: {  	[smem:$0x3FB8] =	sst s9;
	s0 =	simm.s32 @!p0 $0x0  }
0x12: {  	s1 =	sld [smem:$0x3F9E];
	s0 =	simm.s32 @p0 $0x1  }
0x13: {  	[smem:$0x3FB9] =	sst s0;
	s0 =	simm.s32 @!p1 $0x0  }
0x14: {  	s2 =	sld [smem:$0x3F9D];
	s0 =	simm.s32 @p1 $0x1  }
0x15: {  	[smem:$0x3FBA] =	sst s0;
	s0 =	simm.s32 @!p2 $0x0  }
0x16: {  	s3 =	sld [smem:$0x3FDB];
	s0 =	simm.s32 @p2 $0x1  }
0x17: {  	s4 =	simm.s32 $0x1BF5;
	[smem:$0x3FBC] =	sst s0  }
0x18: {  	s0 =	sld [smem:$0x3F9F];
	_ =	swait.ge [sflag:s4], $0x0  }
0x19: {  	s7 =	sld [smem:$0x3FA0]  }
0x1a: {  	s8 =	sadd.s32 $0xFFFFE003, lr  }
0x1b: {  	s9 =	sadd.s32 $0xFFFFFEF7, lr;
	s5 =	simm.s32 $0xFFFFFFFF;
	p2 =	slt.u32 s8, $0xFFFFF086  }
0x1c: {  	p1 =	slt.u32 s9, $0xF7A;
	s5 =	simm.s32 @!p2 $0x0  }
0x1d: {  	s5 =	simm.s32 @p1 $0x1;
	p0 =	seq.s32 s7, s2  }
0x1e: {  	s7 =	smul.u32 @!p0 $0xF7A, s2;
	p2 =	seq.s32 @!p0 s5, $0x0  }
0x1f: {  	s9 =	smul.u32 $0xF7A, s1;
	s8 =	simm.s32 @!p0 $0x1BF5;
	p2 =	por !p2, p0  }
0x20: {  	[sflag:s8] =	ssyncset.s32 @!p0 $0xFFFFF086;
	s6 =	sadd.s32 @!p0 s3, s7;
	s7 =	simm.s32 @!p0 $0x108  }
0x21: {  	s3 =	sadd.s32 s3, s9;
	s6 =	sadd.s32 @!p0 $0x88, s6;
	s7 =	simm.s32 @p2 $0x1082  }
0x22: {  	[simem:s7], [sflag:s8] =	dma.local @!p0 [hbm:s6], $0xF7A  }
0x23: {  	s9 =	sor.u32 $0xD0000000, s2;
	s6 =	simm.s32 $0x108;
	_ =	swait.ge @!p0 [sflag:s8], $0x0  }
0x24: {  	s3 =	sadd.s32 $0x88, s3;
	s6 =	simm.s32 @!p1 $0x1082;
	[sflag:s4] =	ssyncset.s32 $0xFFFFF086  }
0x25: {  	[simem:s6], [sflag:s4] =	dma.local [hbm:s3], $0xF7A  }
0x26: {  	[smem:$0x3FA0] =	sst s1;
	(tag) =	ssettag s2;
	_ =	strace s9  }
0x27: {  	s1 =	sld [smem:$0x3FB0]  }
0x28: {  	s2 =	sld [smem:$0x3FB1]  }
0x29: {  	s4 =	sld [smem:$0x3FB3]  }
0x2a: {  	p0 =	seq.s32 s5, $0x0;
	s5 =	sld [smem:$0x3FB4]  }
0x2b: {  	s6 =	sld [smem:$0x3FB5]  }
0x2c: {  	s7 =	sld [smem:$0x3FB6]  }
0x2d: {  	s3 =	simm.s32 $0x108;
	s8 =	sld [smem:$0x3FB7]  }
0x2e: {  	s3 =	simm.s32 @!p0 $0x1082;
	s9 =	sld [smem:$0x3FB8]  }
0x2f: {  	lr =	sadd.s32 s0, s3;
	s0 =	sld [smem:$0x3FAF]  }
0x30: {  	s3 =	sld [smem:$0x3FB2]  }
0x31: {  	[smem:$0x3FBB] =	sst s10  }
0x32: {  	s10 =	sld [smem:$0x3FB9];
	_ =	sdelay $0x3  }
0x33: {  	p0 =	seq.s32 s10, $0x1;
	s10 =	sld [smem:$0x3FBB];
	_ =	sdelay $0x3  }
0x34: {  	[smem:$0x3FBB] =	sst s10  }
0x35: {  	s10 =	sld [smem:$0x3FBA];
	_ =	sdelay $0x3  }
0x36: {  	p1 =	seq.s32 s10, $0x1;
	s10 =	sld [smem:$0x3FBB];
	_ =	sdelay $0x3  }
0x37: {  	[smem:$0x3FBB] =	sst s10  }
0x38: {  	s10 =	sld [smem:$0x3FBC]  }
0x39: {  	_ = 	snop;
	(pc) =	sbr.ind lr, $3  }
0x3a: {  	_ = 	snop  }
0x3b: {  	_ = 	snop  }
0x3c: {  	p2 =	seq.s32 s10, $0x1;
	s10 =	sld [smem:$0x3FBB]  }
0x3d: {  	_ =	shalt  }
0x3e: {  	_ =	shalt  }
0x3f: {  	_ =	shalt  }
0x40: {  	_ =	shalt  }
0x41: {  	_ =	shalt  }
0x42: {  	_ =	shalt  }
0x43: {  	_ =	shalt  }
0x44: {  	_ =	shalt  }
0x45: {  	_ =	shalt  }
0x46: {  	_ =	shalt  }
0x47: {  	_ =	shalt  }
0x48: {  	_ =	shalt  }
0x49: {  	_ =	shalt  }
0x4a: {  	_ =	shalt  }
0x4b: {  	_ =	shalt  }
0x4c: {  	_ =	shalt  }
0x4d: {  	_ =	shalt  }
0x4e: {  	_ =	shalt  }
0x4f: {  	_ =	shalt  }
0x50: {  	_ =	shalt  }
0x51: {  	_ =	shalt  }
0x52: {  	_ =	shalt  }
0x53: {  	_ =	shalt  }
0x54: {  	_ =	shalt  }
0x55: {  	_ =	shalt  }
0x56: {  	_ =	shalt  }
0x57: {  	_ =	shalt  }
0x58: {  	_ =	shalt  }
0x59: {  	_ =	shalt  }
0x5a: {  	_ =	shalt  }
0x5b: {  	_ =	shalt  }
0x5c: {  	_ =	shalt  }
0x5d: {  	_ =	shalt  }
0x5e: {  	_ =	shalt  }
0x5f: {  	_ =	shalt  }
0x60: {  	_ =	shalt  }
0x61: {  	_ =	shalt  }
0x62: {  	_ =	shalt  }
0x63: {  	_ =	shalt  }
0x64: {  	_ =	shalt  }
0x65: {  	_ =	shalt  }
0x66: {  	_ =	shalt  }
0x67: {  	_ =	shalt  }
0x68: {  	_ =	shalt  }
0x69: {  	_ =	shalt  }
0x6a: {  	_ =	shalt  }
0x6b: {  	_ =	shalt  }
0x6c: {  	_ =	shalt  }
0x6d: {  	_ =	shalt  }
0x6e: {  	_ =	shalt  }
0x6f: {  	_ =	shalt  }
0x70: {  	_ =	shalt  }
0x71: {  	_ =	shalt  }
0x72: {  	_ =	shalt  }
0x73: {  	_ =	shalt  }
0x74: {  	_ =	shalt  }
0x75: {  	_ =	shalt  }
0x76: {  	_ =	shalt  }
0x77: {  	_ =	shalt  }
0x78: {  	_ =	shalt  }
0x79: {  	_ =	shalt  }
0x7a: {  	_ =	shalt  }
0x7b: {  	_ =	shalt  }
0x7c: {  	_ =	shalt  }
0x7d: {  	_ =	shalt  }
0x7e: {  	_ =	shalt  }
0x7f: {  	_ =	shalt  }
0x80: {  	_ =	shalt  }
0x81: {  	_ =	shalt  }
0x82: {  	_ =	shalt  }
0x83: {  	_ =	shalt  }
0x84: {  	_ =	shalt  }
0x85: {  	_ =	shalt  }
0x86: {  	_ =	shalt  }
0x87: {  	_ =	shalt  }
.Lfunc_end0:
.L_simem_size_0:
called_computation_lowered:
.L_overlay_start_0:
0x88: {  	s2 =	sld [smem:$0x3FD9]  }
0x89: {  	s3 =	sld [smem:$0x3FFE];
	_ =	sdelay $0x1  }
0x8a: {  	s1 =	srdreg.scid  }
0x8b: {  	s0 =	sand.u32 $0x1, s1  }
0x8c: {  	s18 =	sshll.u32 s0, $0xA;
	s2 =	sadd.s32 s3, s2  }
0x8d: {  	s2 =	sadd.s32 s2, s18  }
0x8e: {  	[smem:$0x3FC7] =	sst s2  }
0x8f: {  	_ = 	snop  }
0x90: {  	s2 =	sld [smem:$0x3FC9]  }
0x91: {  	s19 =	sld [smem:$0x3FD0];
	(tm) =	ssettm $0x1  }
0x92: {  	s4 =	sld [smem:$0x3FFB];
	_ =	sdelay $0x3  }
0x93: {  	_ =	strace s4  }
0x94: {  	s4 =	sld [smem:$0x3FFC];
	_ =	sdelay $0x3  }
0x95: {  	_ =	strace s4  }
0x96: {  	s4 =	sld [smem:$0x3FFD];
	_ =	sdelay $0x3  }
0x97: {  	_ =	strace s4  }
0x98: {  	_ =	strace $0x8FFFFFFF  }
0x99: {  	s20 =	sld [smem:$0x3FDB];
	_ =	sdelay $0x1  }
0x9a: {  	s5 =	simm.s32 $_scs_section_size  }
0x9b: {  	s6 =	simm.s32 $_size__tile_overlayer_lowered;
	s7 =	simm.s32 $_tile_overlayer_lowered  }
0x9c: {  	s23 =	simm.s32 $0x1BFF;
	s22 =	sshll.u32 s7, $0x1;
	s4 =	sadd.s32 s5, s20  }
0x9d: {  	s8 =	simm.s32 $0x0;
	s21 =	sshll.u32 s6, $0x1;
	s6 =	sadd.s32 s22, s4  }
0x9e: {  	[timem:s8], [sflag:s23] =	dma.local [hbm:s6], s21  }
0x9f: {  	_ =	swait.ge [sflag:s23], s21  }
0xa0: {  	s5 =	ssub.s32 $0x0, s21;
	[sflag:s23] =	ssyncset.done $0x0  }
0xa1: {  	[sflag:s23] =	ssyncadd.s32 s5;
	_ =	sdelay $0x1  }
0xa2: {  	s24 =	simm.s32 $0x1B8B  }
0xa3: {  	_ =	swait.ge [sflag:s24], $0x1  }
0xa4: {  	[sflag:s24] =	ssyncset.done $0x0  }
0xa5: {  	s25 =	simm.s32 $0x1B8E;
	[sflag:s24] =	ssyncadd.s32 $0xFFFFFFFF  }
0xa6: {  	s26 =	simm.s32 $execute0_lowered;
	[smem:$0x3FD2] =	sst s25  }
0xa7: {  	s5 =	sshll.u32 s26, $0x1;
	_ =	strace $0x80000046;
	[dreg:$0x1] =	wrdreg $0xFFFFFFFF  }
0xa8: {  	s28 =	simm.s32 $_size_execute0_lowered;
	s4 =	sadd.s32 s4, s5;
	[dreg:$0x0] =	wrdreg $0x0  }
0xa9: {  	s5 =	sshll.u32 s28, $0x1;
	[dreg:$0x2] =	wrdreg s4  }
0xaa: {  	[dreg:$0x3] =	wrdreg s5  }
0xab: {  	[dreg:$0x4] =	wrdreg $0xC0  }
0xac: {  	_ =	task [dreg:s8], $0x5FFFF  }
0xad: {  	[dreg:$0x1] =	wrdreg $0xFFFFFFFF  }
0xae: {  	[dreg:$0x0] =	wrdreg $0x60  }
0xaf: {  	[dreg:$0x2] =	wrdreg s2  }
0xb0: {  	[dreg:$0x3] =	wrdreg s19  }
0xb1: {  	[dreg:$0x4] =	wrdreg $0x9  }
0xb2: {  	_ =	task.clear_ibuf [dreg:s8], $0x5FFFF;
	_ =	strace $0x90000046  }
0xb3: {  	s29 =	simm.s32 $0x9;
	_ =	strace $0x80000048  }
0xb4: {  	_ =	swait.ge [sflag:s29], $0x1  }
0xb5: {  	[sflag:s29] =	ssyncadd.s32 $0xFFFFFFFF  }
0xb6: {  	_ =	strace $0x90000048  }
0xb7: {  	_ =	sfence  }
0xb8: {  	s30 =	sld [smem:$0x0];
	_ =	sdelay $0x2  }
0xb9: {  	s31 =	sshll.u32 s1, $0xD;
	s1 =	sshrl.u32 s1, $0x2  }
0xba: {  	s3 =	sand.u32 $0x4000, s31;
	s1 =	sadd.s32 s1, s30  }
0xbb: {  	s0 =	sor.u32 s3, s0;
	s1 =	sshll.u32 s1, $0x11  }
0xbc: {  	s0 =	sor.u32 s1, s0  }
0xbd: {  	s0 =	sadd.s32 $0x8F2B, s0  }
0xbe: {  	[sflag:s0] =	ssyncadd.remote.s32 $0x1  }
0xbf: {  	_ =	sfence.sel $0xFFFF  }
0xc0: {  	[dreg:$0x0] =	wrdreg $0xFFFFFFFF;
	(pc) =	sbr.abs _section_cstart, $3  }
0xc1: {  	[dreg:$0x1] =	wrdreg $0xFFFFFFFF  }
0xc2: {  	_ =	task.clear_ibuf [dreg:s8], $0x2FFFF;
	_ =	strace $0x9FFFFFFF  }
0xc3: {  	(tm) =	ssettm $0x7FFFFFFF  }
tec
execute0_lowered:
.L_overlay_start_1:
0x0: {  	(tag) =	ssettag $0x1  }
0x1: {  	s3 =	simm.s32 $0x0  }
0x2: {  	[smem:$0x7FF] =	sst s3  }
0x3: {  	v0 =	vimm.s32 $0x0;
	_ =	strace $0x80000047  }
0x4: {  	(xrf1) =	vunique.msk.u32 $0xffff, v0;
	_ =	sdelay $0xd  }
0x5: {  	_, v1, _ =	vpop (xrf1)  }
0x6: {  	v1 =	vxor.u32 $0x80000000, v1  }
0x7: {  	(xrf0) =	vmin.scan.msk.u32 $0xffff, v1;
	_ =	sdelay $0x5  }
0x8: {  	v1, _, _ =	vpop (xrf0)  }
0x9: {  	(v2sf) =	vpush v1, $0xF;
	_ =	sdelay $0x6  }
0xa: {  	s0 =	srdreg.scid;
	s4 =	stileid.u32;
	s6 =	simm.s32 $0x400  }
0xb: {  	s7 =	simm.s32 $0x1;
	s10 =	simm.s32 $0x8000;
	s11 =	simm.s32 $0x10000  }
0xc: {  	s12 =	simm.s32 $0x11000;
	s13 =	simm.s32 $0x12000;
	s14 =	simm.s32 $0x12400  }
0xd: {  	s15 =	simm.s32 $0x13800;
	s16 =	simm.s32 $0x19800;
	s17 =	simm.s32 $0x12800  }
0xe: {  	s18 =	simm.s32 $0x18800;
	s19 =	simm.s32 $0x15800;
	s20 =	simm.s32 $0x1B800  }
0xf: {  	s21 =	simm.s32 $0x17800;
	s22 =	simm.s32 $0x1D800;
	s23 =	simm.s32 $0x14800  }
0x10: {  	s24 =	simm.s32 $0x1A800;
	s25 =	simm.s32 $0x16800;
	s0 =	sand.u32 $0x1, s0  }
0x11: {  	s26 =	simm.s32 $0x1C800;
	s4 =	sshll.u32 s4, $0xF;
	s1 =	ssub.s32 $0x2, s0  }
0x12: {  	s0 =	sshll.u32 s0, $0x6;
	s2 =	sshrl.u32 s1, $0x1;
	s31 =	spop (v2sf)  }
0x13: {  	s0 =	sor.u32 s4, s0;
	s1 =	ssub.s32 s1, s2;
	s2 =	sxor.u32 $0x80000000, s31  }
0x14: {  	v3 =	vimm.s32 $0x1;
	v4 =	vlaneseq.u32;
	v5 =	vimm.s32 $0x7FFFFFFF;
	[dreg:$0x4] =	wrdreg s0;
	s1 =	smax.u32 s1, $0x1;
	s5 =	ssub.s32 $0x1, s2  }
0x15: {  	vm0 =	vmxor vm0, vm0;
	s4 =	simm.s32 $0x80;
	[dreg:$0x3] =	wrdreg s1;
	s1 =	simm.s32 $0x0;
	v2 =	vmov s2;
	v1 =	vmov s5  }
.LBB2_1:
0x16: {  	[dreg:$0x5] =	wrdreg s1;
	p1 =	por $0x1, $0x1;
	s0 =	simm.s32 $0x0  }
.LBB2_2:
0x17: {  	s1 =	rddreg [dreg:$0x4]  }
0x18: {  	s2 =	rddreg [dreg:$0x0];
	s5 =	sor.u32 s1, s0  }
0x19: {  	s0 =	simm.s32 $0x0;
	s1 =	sadd.s32 s2, s5  }
0x1a: {  	[tilespmem:s0], [sflag:$0x1] =	stream.strided.gather [hbm4b:s1+s4], $0x8000, s6, s4, $0x38;
	[tilespmem:$0x1E800] =	vst v63  }
0x1b: {  	_ =	swait.ge [sflag:s7], $0x8000  }
0x1c: {  	s31 =	sor.u32 $0x10, s5;
	[dreg:$0x6] =	wrdreg s5;
	[sflag:s7] =	ssyncset.done $0x0  }
0x1d: {  	s1 =	sadd.s32 s2, s31;
	[dreg:$0x7] =	wrdreg s31;
	[sflag:s7] =	ssyncadd.s32 $0xFFFF8000  }
0x1e: {  	[tilespmem:s10], [sflag:$0x1] =	stream.strided.gather [hbm4b:s1+s4], $0x8000, s6, s4, $0x38;
	[tilespmem:$0x1E800] =	vst v63  }
0x1f: {  	_ =	swait.ge [sflag:s7], $0x8000  }
0x20: {  	[sflag:s7] =	ssyncset.done $0x0  }
0x21: {  	p0 =	por p1, p1;
	s1 =	simm.s32 $0x0;
	[sflag:s7] =	ssyncadd.s32 $0xFFFF8000  }
.LBB2_3:
0x22: {  	p1 =	sne.s32 s1, $0x3FC0  }
.Ltmp0:
0x23: {  	_ = 	snop;
	(pc) =	sbr.rel @p1 .LBB2_3-.Ltmp0, $4  }
0x24: {  	_ = 	snop  }
0x25: {  	s2 =	sshra.s32 s1, $0x2  }
0x26: {  	[tilespmem:s2+$0x10000] =	vst v0  }
0x27: {  	s1 =	sadd.s32 $0x40, s1;
	[tilespmem:s2+$0x11000] =	vst v0  }
0x28: {  	v6 =	vimm.f32 $0.0e+00;
	v7 =	vimm.f32 $0.0e+00  }
.LBB2_5:
0x29: {  	s1 =	sshra.s32 s0, $0x2  }
0x2a: {  	v8 =	vld [tilespmem:s1+$0x0]  }
0x2b: {  	v9 =	vld [tilespmem:s1+$0x8000];
	_ =	sdelay $0x3  }
0x2c: {  	v8 =	vand.u32 $0x7FFFFFFF, v8  }
0x2d: {  	v9 =	vand.u32 $0x7FFFFFFF, v9;
	v10 =	vshrl.u32 v8, $0x13  }
0x2e: {  	p1 =	sne.s32 s0, $0x1FFC0;
	v11 =	vshrl.u32 v9, $0x13  }
.Ltmp1:
0x2f: {  	_ = 	snop;
	(pc) =	sbr.rel @p1 .LBB2_5-.Ltmp1, $3  }
0x30: {  	_ =	sdelay $0x1  }
0x31: {  	[tilespmem:v10+s11+$0x0] =	vst.idx.add.s32.msk $0xffff, v3  }
0x32: {  	s0 =	sadd.s32 $0x40, s0;
	v7 =	vmax.f32 v7, v8;
	v6 =	vmax.f32 v6, v9;
	[tilespmem:v11+s12+$0x0] =	vst.idx.add.s32.msk $0xffff, v3  }
0x33: {  	s0 =	simm.s32 $0x0  }
0x34: {  	v8 =	vld [tilespmem:s0+$0x10000];
	_ =	sdelay $0x3  }
0x35: {  	v9 =	vld [tilespmem:s0+$0x11000]  }
0x36: {  	(xrf0) =	vadd.scan.msk.s32 $0xffff, v8;
	_ =	sdelay $0x1  }
0x37: {  	s11 =	simm.s32 $0x10  }
0x38: {  	v10 =	vld [tilespmem:s11+$0x10000]  }
0x39: {  	(xrf0) =	vadd.scan.msk.s32 $0xffff, v9;
	_ =	sdelay $0x1  }
0x3a: {  	v11 =	vld [tilespmem:s11+$0x11000];
	v12, _, _ =	vpop (xrf0)  }
0x3b: {  	(v2sf) =	vpush v12, $0xF  }
0x3c: {  	s12 =	simm.s32 $0x20;
	(xrf0) =	vadd.scan.msk.s32 $0xffff, v10  }
0x3d: {  	v13 =	vld [tilespmem:s12+$0x10000]  }
0x3e: {  	v14, _, _ =	vpop (xrf0)  }
0x3f: {  	(xrf0) =	vadd.scan.msk.s32 $0xffff, v11;
	(v2sf) =	vpush v14, $0xF  }
0x40: {  	v15 =	vld [tilespmem:s12+$0x11000];
	_ =	sdelay $0x1  }
0x41: {  	(xrf0) =	vadd.scan.msk.s32 $0xffff, v13;
	v16, _, _ =	vpop (xrf0)  }
0x42: {  	s1 =	simm.s32 $0x30;
	(v2sf) =	vpush v16, $0xF  }
0x43: {  	v18 =	vld [tilespmem:s1+$0x10000]  }
0x44: {  	s0 =	simm.s32 $0x0;
	v8 =	vsub.s32 v12, v8;
	v17, _, _ =	vpop (xrf0);
	(xrf0) =	vadd.scan.msk.s32 $0xffff, v15  }
0x45: {  	v8 =	vadd.s32 s0, v8  }
0x46: {  	v9 =	vsub.s32 v14, v9;
	vm1 =	vlt.s32 v8, $0x7335;
	(v2sf) =	vpush v17, $0xF  }
0x47: {  	v19 =	vld [tilespmem:s1+$0x11000];
	vm2 =	vlt.s32 v8, $0xCCC;
	v9 =	vadd.s32 s0, v9;
	v8 =	vmpcnt.ones.xlane vm1;
	v12, _, _ =	vpop (xrf0)  }
0x48: {  	v14 =	vmpcnt.ones.xlane vm2;
	vm1 =	vlt.s32 v9, $0xCCC;
	(xrf0) =	vadd.scan.msk.s32 $0xffff, v18;
	(v2sf) =	vpush v12, $0xF  }
0x49: {  	s28 =	simm.s32 $0x40;
	vm2 =	vlt.s32 v9, $0x7335;
	v10 =	vsub.s32 v16, v10;
	(v2sf) =	vpush v8, $0x0;
	s2 =	spop (v2sf)  }
0x4a: {  	v16 =	vld [tilespmem:s28+$0x10000];
	v11 =	vsub.s32 v17, v11;
	v17 =	vmpcnt.ones.xlane vm2;
	v9, _, _ =	vpop (xrf0);
	(v2sf) =	vpush v14, $0x0;
	s29 =	sadd.s32 $0x0, s2  }
0x4b: {  	v14 =	vsub.s32 v9, v15;
	(v2sf) =	vpush v9, $0xF;
	v9 =	vadd.s32 s29, v10  }
0x4c: {  	v13 =	vsub.s32 v12, v13;
	(xrf0) =	vadd.scan.msk.s32 $0xffff, v19;
	v12 =	vmpcnt.ones.xlane vm1  }
0x4d: {  	s30 =	spop (v2sf);
	(v2sf) =	vpush v17, $0x0;
	vm2 =	vlt.s32 v9, $0x7335  }
0x4e: {  	s2 =	sadd.s32 $0x0, s30;
	vm1 =	vlt.s32 v9, $0xCCC;
	(v2sf) =	vpush v12, $0x0;
	v15 =	vmpcnt.ones.xlane vm2;
	v9, _, _ =	vpop (xrf0)  }
0x4f: {  	(xrf0) =	vadd.scan.msk.s32 $0xffff, v16;
	v10 =	vsub.s32 v9, v18;
	(v2sf) =	vpush v9, $0xF;
	v9 =	vadd.s32 s2, v11  }
0x50: {  	v12 =	vmpcnt.ones.xlane vm1;
	vm1 =	vlt.s32 v9, $0xCCC  }
0x51: {  	s5 =	spop (v2sf);
	vm2 =	vlt.s32 v9, $0x7335;
	(v2sf) =	vpush v15, $0x0;
	v17 =	vmpcnt.ones.xlane vm1  }
0x52: {  	s5 =	sadd.s32 s29, s5;
	v15, _, _ =	vpop (xrf0);
	v62 =	vmpcnt.ones.xlane vm2;
	(v2sf) =	vpush v12, $0x0  }
0x53: {  	v8 =	vld [tilespmem:s28+$0x11000];
	v13 =	vadd.s32 s5, v13;
	(v2sf) =	vpush v15, $0xF  }
0x54: {  	vm2 =	vlt.s32 v13, $0x7335;
	(v2sf) =	vpush v62, $0x0  }
0x55: {  	s31 =	spop (v2sf);
	v63 =	vmpcnt.ones.xlane vm2;
	(v2sf) =	vpush v17, $0x0;
	v17, _, _ =	vpop (xrf0)  }
0x56: {  	(v2sf) =	vpush v17, $0xF  }
0x57: {  	s4 =	simm.s32 $0x50;
	s9 =	spop (v2sf);
	(v2sf) =	vpush v63, $0x0  }
0x58: {  	(xrf0) =	vadd.scan.msk.s32 $0xffff, v8;
	v11 =	vld [tilespmem:s4+$0x10000]  }
0x59: {  	v9 =	vld [tilespmem:s4+$0x11000];
	_ =	sdelay $0x2  }
0x5a: {  	s7 =	sadd.s32 s2, s31;
	v12 =	vsub.s32 v15, v19  }
0x5b: {  	s6 =	simm.s32 $0x1C0;
	s8 =	simm.s32 $0x60;
	vm1 =	vlt.s32 v13, $0xCCC;
	(xrf0) =	vadd.scan.msk.s32 $0xffff, v11;
	v13 =	vsub.s32 v17, v16;
	v16 =	vadd.s32 s7, v14  }
0x5c: {  	s1 =	simm.s32 $0x0;
	s4 =	simm.s32 $0x0;
	s2 =	simm.s32 $0x0;
	v15 =	vmpcnt.ones.xlane vm1;
	v14, _, _ =	vpop (xrf0);
	(xrf0) =	vadd.scan.msk.s32 $0xffff, v9;
	vm1 =	vlt.s32 v16, $0xCCC;
	vm2 =	vlt.s32 v16, $0x7335  }
.LBB2_7:
0x5d: {  	p1 =	sne.s32 s6, $0x3FC0  }
0x5e: {  	v16 =	vld [tilespmem:s8+$0x10000];
	v17 =	vmpcnt.ones.xlane vm1;
	v18 =	vmpcnt.ones.xlane vm2;
	(v2sf) =	vpush v15, $0x0;
	s11 =	spop (v2sf);
	v19 =	vmovc v12;
	s12 =	smov.u32 s6;
	s6 =	sadd.s32 $0x40, s6  }
0x5f: {  	v12 =	vsub.s32 v14, v8;
	s5 =	sadd.s32 s5, s9;
	v8 =	vmov v9;
	(v2sf) =	vpush v14, $0xF;
	s0 =	sadd.s32 s0, s11;
	s9 =	spop (v2sf);
	v9 =	vld [tilespmem:s8+$0x11000]  }
.Ltmp2:
0x60: {  	v14 =	vadd.s32 s5, v10;
	v10 =	vmov v13;
	(v2sf) =	vpush v18, $0x0;
	s8 =	spop (v2sf);
	s4 =	sadd.s32 s4, s9;
	(pc) =	sbr.rel @p1 .LBB2_7-.Ltmp2, $4  }
0x61: {  	vm1 =	vlt.s32 v14, $0xCCC;
	vm2 =	vlt.s32 v14, $0x7335;
	s7 =	sadd.s32 s7, s8;
	(v2sf) =	vpush v17, $0x0;
	s8 =	spop (v2sf)  }
0x62: {  	v15 =	vmpcnt.ones.xlane vm1;
	v18 =	vmpcnt.ones.xlane vm2;
	v17, _, _ =	vpop (xrf0);
	s1 =	sadd.s32 s1, s8;
	s8 =	spop (v2sf)  }
0x63: {  	(xrf0) =	vadd.scan.msk.s32 $0xffff, v16;
	v13 =	vsub.s32 v17, v11;
	v14, _, _ =	vpop (xrf0);
	(v2sf) =	vpush v17, $0xF;
	v17 =	vadd.s32 s7, v19;
	s2 =	sadd.s32 s2, s8  }
0x64: {  	s8 =	sshra.s32 s12, $0x2;
	v11 =	vmovc v16;
	(xrf0) =	vadd.scan.msk.s32 $0xffff, v9;
	vm1 =	vlt.s32 v17, $0xCCC;
	vm2 =	vlt.s32 v17, $0x7335;
	(v2sf) =	vpush v18, $0x0;
	s9 =	spop (v2sf)  }
0x65: {  	(v2sf) =	vpush v15, $0x0;
	v15 =	vmpcnt.ones.xlane vm1  }
0x66: {  	v16 =	vmpcnt.ones.xlane vm2  }
0x67: {  	(v2sf) =	vpush v14, $0xF  }
0x68: {  	v17 =	vld [tilespmem:s8+$0x10000];
	s12 =	spop (v2sf);
	s5 =	sadd.s32 s5, s9;
	(v2sf) =	vpush v16, $0x0  }
0x69: {  	s6 =	spop (v2sf);
	v10 =	vadd.s32 s5, v10;
	(v2sf) =	vpush v15, $0x0;
	v15, _, _ =	vpop (xrf0)  }
0x6a: {  	s31 =	spop (v2sf);
	vm1 =	vlt.s32 v10, $0x7335;
	(v2sf) =	vpush v15, $0xF  }
0x6b: {  	v16 =	vld [tilespmem:s8+$0x11000];
	vm2 =	vlt.s32 v10, $0xCCC;
	s11 =	spop (v2sf);
	v10 =	vmpcnt.ones.xlane vm1  }
0x6c: {  	s28 =	spop (v2sf)  }
0x6d: {  	v8 =	vsub.s32 v14, v8;
	[dreg:$0xa] =	wrdreg s6;
	s6 =	sadd.s32 s7, s31;
	v14 =	vmpcnt.ones.xlane vm2;
	(xrf0) =	vadd.scan.msk.s32 $0xffff, v17;
	s29 =	spop (v2sf)  }
0x6e: {  	v12 =	vadd.s32 s6, v12;
	s30 =	spop (v2sf);
	(v2sf) =	vpush v10, $0x0  }
0x6f: {  	vm1 =	vlt.s32 v12, $0x7335;
	vm2 =	vlt.s32 v12, $0xCCC;
	s5 =	sadd.s32 s5, s29;
	v10, _, _ =	vpop (xrf0);
	(v2sf) =	vpush v14, $0x0;
	s31 =	spop (v2sf)  }
0x70: {  	v12 =	vmpcnt.ones.xlane vm1;
	(xrf0) =	vadd.scan.msk.s32 $0xffff, v16;
	v13 =	vadd.s32 s5, v13;
	(v2sf) =	vpush v10, $0xF;
	s9 =	spop (v2sf)  }
0x71: {  	[dreg:$0x8] =	wrdreg s11;
	v14 =	vmpcnt.ones.xlane vm2;
	vm1 =	vlt.s32 v13, $0x7335;
	s11 =	spop (v2sf)  }
0x72: {  	[dreg:$0x9] =	wrdreg s28;
	v11 =	vsub.s32 v15, v11;
	(v2sf) =	vpush v12, $0x0;
	v12 =	vmpcnt.ones.xlane vm1;
	s28 =	spop (v2sf)  }
0x73: {  	v9 =	vsub.s32 v10, v9;
	vm2 =	vlt.s32 v13, $0xCCC;
	s6 =	sadd.s32 s6, s9;
	(v2sf) =	vpush v14, $0x0;
	v10, _, _ =	vpop (xrf0);
	s29 =	spop (v2sf)  }
0x74: {  	[dreg:$0xd] =	wrdreg s30;
	v13 =	vmpcnt.ones.xlane vm2;
	v8 =	vadd.s32 s6, v8;
	(v2sf) =	vpush v10, $0xF;
	s30 =	spop (v2sf)  }
0x75: {  	[dreg:$0xe] =	wrdreg s31;
	v10 =	vsub.s32 v10, v17;
	vm1 =	vlt.s32 v8, $0x7335;
	(v2sf) =	vpush v12, $0x0;
	s31 =	spop (v2sf)  }
0x76: {  	[dreg:$0xb] =	wrdreg s11;
	vm2 =	vlt.s32 v8, $0xCCC;
	v12, _, _ =	vpop (xrf0);
	v8 =	vmpcnt.ones.xlane vm1;
	(v2sf) =	vpush v13, $0x0;
	s5 =	sadd.s32 s5, s29;
	s11 =	spop (v2sf)  }
0x77: {  	v13 =	vmpcnt.ones.xlane vm2;
	(v2sf) =	vpush v12, $0xF;
	v11 =	vadd.s32 s5, v11;
	s8 =	spop (v2sf)  }
0x78: {  	[dreg:$0xc] =	wrdreg s28;
	vm1 =	vlt.s32 v11, $0xCCC;
	vm2 =	vlt.s32 v11, $0x7335;
	(v2sf) =	vpush v8, $0x0;
	s9 =	sadd.s32 s6, s11;
	s28 =	spop (v2sf)  }
0x79: {  	v8 =	vmpcnt.ones.xlane vm2;
	v11 =	vmpcnt.ones.xlane vm1;
	v9 =	vadd.s32 s9, v9;
	s29 =	spop (v2sf)  }
0x7a: {  	(v2sf) =	vpush v13, $0x0;
	vm1 =	vlt.s32 v9, $0xCCC;
	vm2 =	vlt.s32 v9, $0x7335;
	s5 =	sadd.s32 s5, s29  }
0x7b: {  	(v2sf) =	vpush v8, $0x0;
	v8 =	vmpcnt.ones.xlane vm2;
	v9 =	vadd.s32 s5, v10  }
0x7c: {  	s0 =	sadd.s32 s0, s12;
	s12 =	rddreg [dreg:$0xe];
	(v2sf) =	vpush v11, $0x0;
	v10 =	vmpcnt.ones.xlane vm1;
	vm1 =	vlt.s32 v9, $0x7335  }
0x7d: {  	(xrf0) =	vmax.scan.msk.f32 $0xffff, v7;
	[dreg:$0x10] =	wrdreg s28;
	s28 =	spop (v2sf);
	(v2sf) =	vpush v8, $0x0;
	vm2 =	vlt.s32 v9, $0xCCC;
	v8 =	vmpcnt.ones.xlane vm1  }
0x7e: {  	(xrf0) =	vmax.scan.msk.f32 $0xffff, v6;
	[dreg:$0x11] =	wrdreg s30;
	s11 =	spop (v2sf);
	(v2sf) =	vpush v10, $0x0;
	v9 =	vmpcnt.ones.xlane vm2  }
0x7f: {  	[dreg:$0x12] =	wrdreg s31;
	s30 =	spop (v2sf);
	(v2sf) =	vpush v8, $0x0  }
0x80: {  	v6 =	vsub.s32 v12, v16;
	[dreg:$0xf] =	wrdreg s8;
	s7 =	sadd.s32 s9, s30;
	(v2sf) =	vpush v9, $0x0  }
0x81: {  	s31 =	spop (v2sf);
	s9 =	rddreg [dreg:$0xd];
	v6 =	vadd.s32 s7, v6  }
0x82: {  	[dreg:$0x13] =	wrdreg s31;
	vm1 =	vlt.s32 v6, $0x7335  }
0x83: {  	v7, _, _ =	vpop (xrf0);
	s6 =	spop (v2sf);
	s7 =	rddreg [dreg:$0xa];
	vm2 =	vlt.s32 v6, $0xCCC;
	v6 =	vmpcnt.ones.xlane vm1  }
0x84: {  	v7 =	vadd.f32 $0.0e+00, v7;
	[dreg:$0x14] =	wrdreg s6;
	s5 =	sadd.s32 s4, s7;
	s31 =	spop (v2sf);
	v8 =	vmpcnt.ones.xlane vm2;
	v9, _, _ =	vpop (xrf0)  }
0x85: {  	s4 =	sadd.s32 s0, s9;
	s0 =	simm.s32 $0x0;
	s31 =	spop (v2sf);
	(v2sf) =	vpush v6, $0x0;
	v6 =	vadd.f32 $0.0e+00, v9  }
0x86: {  	v7 =	vbroadcast v7, $0xF;
	s9 =	rddreg [dreg:$0x11];
	s5 =	sadd.s32 s5, s12;
	s8 =	spop (v2sf);
	(v2sf) =	vpush v8, $0x0  }
0x87: {  	s4 =	sadd.s32 s4, s9;
	s12 =	rddreg [dreg:$0x12];
	s30 =	spop (v2sf);
	v6 =	vbroadcast v6, $0xF  }
0x88: {  	(erf) = vrcp.f32 v7;
	s9 =	simm.s32 $0x8000;
	s5 =	sadd.s32 s5, s12;
	s30 =	spop (v2sf)  }
0x89: {  	s4 =	sadd.s32 s4, s28;
	s5 =	sadd.s32 s5, s11;
	s29 =	spop (v2sf);
	(erf) = vrcp.f32 v6  }
0x8a: {  	v9 =	vld [tilespmem:s9+$0x0];
	s9 =	simm.s32 $0x8000;
	s4 =	sadd.s32 s4, s31;
	s7 =	spop (v2sf)  }
0x8b: {  	s5 =	sadd.s32 s5, s8;
	s8 =	rddreg [dreg:$0x9];
	s6 =	spop (v2sf)  }
0x8c: {  	s2 =	sadd.s32 s2, s8;
	s8 =	rddreg [dreg:$0x13];
	v6 =	vld [tilespmem:s0+$0x0];
	s12 =	spop (v2sf)  }
0x8d: {  	s4 =	sadd.s32 s4, s7;
	s7 =	rddreg [dreg:$0x8];
	s11 =	spop (v2sf)  }
0x8e: {  	s5 =	sadd.s32 s5, s6;
	s6 =	rddreg [dreg:$0xf];
	s28 =	spop (v2sf)  }
0x8f: {  	s31 =	spop (v2sf);
	s4 =	sadd.s32 s4, s28;
	s28 =	rddreg [dreg:$0xb]  }
0x90: {  	s1 =	sadd.s32 s1, s7;
	s5 =	sadd.s32 s5, s31;
	s31 =	rddreg [dreg:$0xc]  }
0x91: {  	v8 =	vpop (erf);
	s7 =	rddreg [dreg:$0x10];
	v10 =	vand.u32 $0x7FFFFFFF, v6;
	s1 =	sadd.s32 s1, s28;
	s2 =	sadd.s32 s2, s31  }
0x92: {  	v12 =	vand.u32 $0x7FFFFFFF, v9;
	v13 =	vmul.f32 v10, v8;
	v9 =	vpop (erf);
	s28 =	rddreg [dreg:$0x14];
	s1 =	sadd.s32 s1, s6;
	s2 =	sadd.s32 s2, s7  }
0x93: {  	v11 =	vshrl.u32 v10, $0x13;
	s4 =	sadd.s32 $0xFFFFFFFF, s4;
	v14 =	vmul.f32 v12, v9;
	v6 =	vmov s5;
	s1 =	sadd.s32 s1, s8;
	s2 =	sadd.s32 s2, s28  }
0x94: {  	[tilespmem:s0+$0x0] =	vst v13;
	v7 =	vmov s4;
	vm1 =	vlt.s32 v11, v6;
	s1 =	sadd.s32 s1, s30;
	s2 =	sadd.s32 s2, s29;
	s29 =	spop (v2sf)  }
0x95: {  	vm2 =	vge.s32 v11, v7;
	[tilespmem:s9+$0x0] =	vst v14;
	v10 =	vmpcnt.ones.xlane vm1;
	s1 =	sadd.s32 s1, s12;
	s2 =	sadd.s32 s2, s11;
	s30 =	spop (v2sf)  }
0x96: {  	v15 =	vor.u32 s0, v4;
	v11 =	vmpcnt.ones.xlane vm2;
	[tilespmem:s0+$0x12800] =	vst.msk vm1, v13;
	s1 =	sadd.s32 s1, s29;
	s2 =	sadd.s32 s2, s30  }
0x97: {  	v12 =	vshrl.u32 v12, $0x13;
	[tilespmem:s0+$0x14800] =	vst.msk vm2, v13;
	(v2sf) =	vpush v10, $0x0;
	s1 =	sadd.s32 $0xFFFFFFFF, s1;
	v10 =	vmov s2  }
0x98: {  	[tilespmem:s0+$0x16800] =	vst.msk vm2, v15;
	(v2sf) =	vpush v11, $0x0;
	v11 =	vmov s1;
	vm1 =	vlt.s32 v12, v10  }
0x99: {  	vm2 =	vge.s32 v12, v11;
	[tilespmem:s0+$0x18800] =	vst.msk vm1, v14  }
0x9a: {  	[tilespmem:s0+$0x1A800] =	vst.msk vm2, v14;
	v14 =	vmpcnt.ones.xlane vm1  }
0x9b: {  	[tilespmem:s0+$0x1C800] =	vst.msk vm2, v15;
	v15 =	vmpcnt.ones.xlane vm2  }
0x9c: {  	(v2sf) =	vpush v14, $0x0  }
0x9d: {  	(v2sf) =	vpush v15, $0x0;
	_ =	sdelay $0x1  }
0x9e: {  	s1 =	simm.s32 $0x10  }
0x9f: {  	s4 =	simm.s32 $0x8010;
	v12 =	vld [tilespmem:s1+$0x0]  }
0xa0: {  	v13 =	vld [tilespmem:s4+$0x0];
	_ =	sdelay $0x3  }
0xa1: {  	v12 =	vand.u32 $0x7FFFFFFF, v12  }
0xa2: {  	v15 =	vand.u32 $0x7FFFFFFF, v13;
	v14 =	vshrl.u32 v12, $0x13;
	v13 =	vmul.f32 v12, v8  }
0xa3: {  	s6 =	simm.s32 $0x0;
	v16 =	vshrl.u32 v15, $0x13;
	v12 =	vmul.f32 v15, v9;
	vm4 =	vlt.s32 v14, v6  }
0xa4: {  	s5 =	simm.s32 $0x0;
	s7 =	simm.s32 $0x20;
	vm2 =	vge.s32 v14, v7;
	vm3 =	vlt.s32 v16, v10;
	s31 =	spop (v2sf);
	[tilespmem:s1+$0x0] =	vst v13;
	v15 =	vmpcnt.ones.xlane vm4  }
0xa5: {  	s8 =	simm.s32 $0x10;
	vm1 =	vge.s32 v16, v11;
	v16 =	vmpcnt.ones.xlane vm2;
	v14 =	vmpcnt.ones.xlane vm3;
	s2 =	sadd.s32 $0x0, s31;
	s9 =	spop (v2sf);
	[tilespmem:s4+$0x0] =	vst v12  }
.LBB2_9:
0xa6: {  	p1 =	sne.s32 s7, $0x7FF0  }
0xa7: {  	[tilespmem:s2+$0x12800] =	vst.msk vm4, v13;
	v17 =	vmpcnt.ones.xlane vm1;
	(v2sf) =	vpush v15, $0x0;
	s0 =	sadd.s32 s0, s9;
	s9 =	spop (v2sf);
	s11 =	smov.u32 s7  }
0xa8: {  	s7 =	sadd.s32 $0x10, s7;
	v15 =	vor.u32 s1, v4;
	[tilespmem:s0+$0x14800] =	vst.msk vm2, v13;
	(v2sf) =	vpush v16, $0x0;
	s6 =	sadd.s32 s6, s9;
	s1 =	spop (v2sf)  }
0xa9: {  	[tilespmem:s0+$0x16800] =	vst.msk vm2, v15;
	(v2sf) =	vpush v14, $0x0;
	s5 =	sadd.s32 s5, s1;
	s1 =	smov.u32 s11  }
0xaa: {  	[tilespmem:s6+$0x18800] =	vst.msk vm3, v12;
	(v2sf) =	vpush v17, $0x0  }
0xab: {  	[tilespmem:s5+$0x1A800] =	vst.msk vm1, v12  }
0xac: {  	s8 =	sadd.s32 $0x10, s8;
	[tilespmem:s5+$0x1C800] =	vst.msk vm1, v15  }
0xad: {  	v12 =	vld [tilespmem:s8+$0x0]  }
0xae: {  	s4 =	sadd.s32 $0x10, s4  }
0xaf: {  	v13 =	vld [tilespmem:s4+$0x0];
	_ =	sdelay $0x2  }
0xb0: {  	v12 =	vand.u32 $0x7FFFFFFF, v12  }
.Ltmp3:
0xb1: {  	v14 =	vshrl.u32 v12, $0x13;
	(pc) =	sbr.rel @p1 .LBB2_9-.Ltmp3, $4  }
0xb2: {  	v15 =	vand.u32 $0x7FFFFFFF, v13;
	v13 =	vmul.f32 v12, v8;
	vm2 =	vge.s32 v14, v7  }
0xb3: {  	vm4 =	vlt.s32 v14, v6;
	v16 =	vshrl.u32 v15, $0x13;
	v12 =	vmul.f32 v15, v9  }
0xb4: {  	v15 =	vmpcnt.ones.xlane vm4;
	[tilespmem:s8+$0x0] =	vst v13;
	vm3 =	vlt.s32 v16, v10;
	vm1 =	vge.s32 v16, v11;
	s9 =	spop (v2sf)  }
0xb5: {  	v16 =	vmpcnt.ones.xlane vm2;
	[tilespmem:s4+$0x0] =	vst v12;
	v14 =	vmpcnt.ones.xlane vm3;
	s2 =	sadd.s32 s2, s9;
	s9 =	spop (v2sf)  }
0xb6: {  	(v2sf) =	vpush v15, $0x0  }
0xb7: {  	(v2sf) =	vpush v16, $0x0  }
0xb8: {  	v6 =	vmpcnt.ones.xlane vm1;
	(v2sf) =	vpush v14, $0x0;
	_ =	sdelay $0x1  }
0xb9: {  	(v2sf) =	vpush v6, $0x0;
	_ =	sdelay $0x7  }
0xba: {  	[tilespmem:s2+$0x12800] =	vst.msk vm4, v13;
	s0 =	sadd.s32 s0, s9  }
0xbb: {  	s4 =	spop (v2sf);
	[tilespmem:s0+$0x14800] =	vst.msk vm2, v13;
	v6 =	vor.u32 s1, v4  }
0xbc: {  	s12 =	spop (v2sf);
	s4 =	sadd.s32 s6, s4;
	[tilespmem:s0+$0x16800] =	vst.msk vm2, v6  }
0xbd: {  	s5 =	sadd.s32 s5, s12;
	[tilespmem:s4+$0x18800] =	vst.msk vm3, v12;
	s28 =	spop (v2sf)  }
0xbe: {  	[tilespmem:s5+$0x1A800] =	vst.msk vm1, v12;
	s29 =	spop (v2sf)  }
0xbf: {  	[tilespmem:s5+$0x1C800] =	vst.msk vm1, v6;
	s1 =	sadd.s32 s2, s28;
	s30 =	spop (v2sf)  }
0xc0: {  	[tilespmem:s1+$0x12800] =	vst v5;
	s2 =	sadd.s32 s4, s30  }
0xc1: {  	s0 =	sadd.s32 s0, s29;
	s31 =	spop (v2sf);
	[tilespmem:s2+$0x18800] =	vst v5  }
0xc2: {  	s4 =	sadd.s32 s5, s31;
	[tilespmem:s0+$0x14800] =	vst v0  }
0xc3: {  	[tilespmem:s4+$0x1A800] =	vst v0  }
0xc4: {  	[tilespmem:s0+$0x16800] =	vst v0  }
0xc5: {  	s6 =	simm.s32 $0x0;
	s5 =	simm.s32 $0x40;
	[tilespmem:s4+$0x1C800] =	vst v0  }
.LBB2_11:
0xc6: {  	p1 =	sne.s32 s5, $0xFC0;
	[tilespmem:s6+$0x12000] =	vst v0;
	s7 =	smov.u32 s5;
	s5 =	sadd.s32 $0x40, s5  }
.Ltmp4:
0xc7: {  	[tilespmem:s6+$0x12400] =	vst v0;
	(pc) =	sbr.rel @p1 .LBB2_11-.Ltmp4, $2  }
0xc8: {  	_ =	sdelay $0x2  }
0xc9: {  	s6 =	sshra.s32 s7, $0x2  }
0xca: {  	s1 =	sadd.s32 $0xF, s1;
	s2 =	sadd.s32 $0xF, s2  }
0xcb: {  	s5 =	sshra.s32 s1, $0x4;
	s2 =	sshra.s32 s2, $0x4  }
0xcc: {  	p1 =	sgt.s32 s5, s2;
	s1 =	smov.u32 s2  }
0xcd: {  	s1 =	smov.u32 @p1 s5  }
0xce: {  	p1 =	sgt.s32 s1, $0x0  }
.Ltmp5:
0xcf: {  	_ = 	snop;
	(pc) =	sbr.rel @!p1 .LBB2_13-.Ltmp5, $3  }
0xd0: {  	_ =	sdelay $0x1  }
0xd1: {  	[tilespmem:s6+$0x12000] =	vst v0  }
0xd2: {  	[tilespmem:s6+$0x12400] =	vst v0  }
0xd3: {  	s7 =	simm.s32 $0x12800  }
0xd4: {  	s6 =	simm.s32 $0x18800;
	v6 =	vld [tilespmem:s7+$0x0]  }
0xd5: {  	v7 =	vld [tilespmem:s6+$0x0];
	_ =	sdelay $0x2  }
0xd6: {  	p2 =	sgt.s32 s5, $0x0;
	vm1 =	vmmov vm0  }
0xd7: {  	vm2 =	vmmov vm0;
	vm1 =	vmneg @p2 vm1;
	p2 =	sgt.s32 s2, $0x0;
	v6 =	vshrl.u32 v6, $0xA  }
0xd8: {  	vm2 =	vmneg @p2 vm2;
	v7 =	vshrl.u32 v7, $0xA;
	v6 =	vand.u32 $0x3FF, v6  }
0xd9: {  	p2 =	seq.s32 s1, $0x1;
	v7 =	vand.u32 $0x3FF, v7  }
.Ltmp6:
0xda: {  	_ = 	snop;
	(pc) =	sbr.rel @p2 .LBB2_13-.Ltmp6, $3  }
0xdb: {  	_ =	sdelay $0x1  }
0xdc: {  	[tilespmem:v6+s13+$0x0] =	vst.idx.add.s32.msk vm1, v3  }
0xdd: {  	s8 =	simm.s32 $0x12810;
	s7 =	simm.s32 $0x1;
	[tilespmem:v7+s14+$0x0] =	vst.idx.add.s32.msk vm2, v3  }
.LBB2_59:
0xde: {  	v6 =	vld [tilespmem:s8+$0x0];
	s6 =	sadd.s32 $0x10, s6;
	s9 =	smov.u32 s7  }
0xdf: {  	s7 =	sadd.s32 $0x1, s7;
	v7 =	vld [tilespmem:s6+$0x0]  }
0xe0: {  	p2 =	seq.s32 s1, s7;
	_ =	sdelay $0x1  }
0xe1: {  	vm1 =	vmmov vm0;
	p3 =	slt.s32 s9, s5  }
0xe2: {  	vm2 =	vmmov vm0;
	vm1 =	vmneg @p3 vm1;
	p3 =	slt.s32 s9, s2;
	v6 =	vshrl.u32 v6, $0xA  }
0xe3: {  	vm2 =	vmneg @p3 vm2;
	v7 =	vshrl.u32 v7, $0xA;
	v6 =	vand.u32 $0x3FF, v6  }
0xe4: {  	v7 =	vand.u32 $0x3FF, v7  }
.Ltmp7:
0xe5: {  	(pc) =	sbr.rel @!p2 .LBB2_59-.Ltmp7, $3  }
0xe6: {  	_ =	sdelay $0x1  }
0xe7: {  	[tilespmem:v6+s13+$0x0] =	vst.idx.add.s32.msk vm1, v3  }
0xe8: {  	s8 =	sadd.s32 $0x10, s8;
	[tilespmem:v7+s14+$0x0] =	vst.idx.add.s32.msk vm2, v3  }
.LBB2_13:
0xe9: {  	s8 =	simm.s32 $0x0  }
0xea: {  	v6 =	vld [tilespmem:s8+$0x12000];
	_ =	sdelay $0x1  }
0xeb: {  	v7 =	vld [tilespmem:s8+$0x12400];
	_ =	sdelay $0x2  }
0xec: {  	(xrf0) =	vadd.scan.msk.s32 $0xffff, v6;
	_ =	sdelay $0x1  }
0xed: {  	(xrf0) =	vadd.scan.msk.s32 $0xffff, v7;
	_ =	sdelay $0x1  }
0xee: {  	s0 =	sadd.s32 $0xF, s0;
	s6 =	sadd.s32 $0xF, s4  }
0xef: {  	s4 =	sshra.s32 s0, $0x4;
	s28 =	sshra.s32 s6, $0x4  }
0xf0: {  	s31 =	sand.u32 $0xFFFFFFF0, s0;
	s0 =	sand.u32 $0xFFFFFFF0, s6;
	s6 =	simm.s32 $0x0;
	v8, _, _ =	vpop (xrf0)  }
0xf1: {  	v6 =	vsub.s32 s6, v6;
	(v2sf) =	vpush v8, $0xF  }
0xf2: {  	v6 =	vadd.s32 v8, v6;
	v8, _, _ =	vpop (xrf0)  }
0xf3: {  	(v2sf) =	vpush v8, $0xF  }
0xf4: {  	s7 =	simm.s32 $0x10;
	v7 =	vsub.s32 s6, v7;
	[tilespmem:s8+$0x12000] =	vst v6  }
0xf5: {  	v7 =	vadd.s32 v8, v7;
	v6 =	vld [tilespmem:s7+$0x12000]  }
0xf6: {  	[tilespmem:s8+$0x12400] =	vst v7  }
0xf7: {  	v7 =	vld [tilespmem:s7+$0x12400];
	_ =	sdelay $0x2  }
0xf8: {  	(xrf0) =	vadd.scan.msk.s32 $0xffff, v6;
	_ =	sdelay $0x1  }
0xf9: {  	(xrf0) =	vadd.scan.msk.s32 $0xffff, v7;
	_ =	sdelay $0x3  }
0xfa: {  	s9 =	simm.s32 $0x80;
	s8 =	simm.s32 $0x0;
	v8, _, _ =	vpop (xrf0);
	s11 =	spop (v2sf)  }
.LBB2_14:
0xfb: {  	s6 =	sadd.s32 s6, s11  }
0xfc: {  	v9, _, _ =	vpop (xrf0);
	(v2sf) =	vpush v8, $0xF;
	s11 =	spop (v2sf);
	s12 =	smov.u32 s9;
	s29 =	sadd.s32 $0x40, s9  }
0xfd: {  	p2 =	seq.s32 s9, $0xFC0;
	v6 =	vsub.s32 s6, v6;
	(v2sf) =	vpush v9, $0xF;
	s8 =	sadd.s32 s8, s11  }
0xfe: {  	v6 =	vadd.s32 v8, v6;
	v7 =	vsub.s32 s8, v7  }
0xff: {  	s9 =	sshra.s32 s12, $0x2;
	[tilespmem:s7+$0x12000] =	vst v6;
	v7 =	vadd.s32 v9, v7  }
0x100: {  	v6 =	vld [tilespmem:s9+$0x12000];
	[tilespmem:s7+$0x12400] =	vst v7;
	s7 =	smov.u32 s9  }
0x101: {  	v7 =	vld [tilespmem:s7+$0x12400];
	_ =	sdelay $0x3  }
0x102: {  	(xrf0) =	vadd.scan.msk.s32 $0xffff, v6  }
0x103: {  	(xrf0) =	vadd.scan.msk.s32 $0xffff, v7  }
.Ltmp8:
0x104: {  	(pc) =	sbr.rel @!p2 .LBB2_14-.Ltmp8, $2  }
0x105: {  	_ =	sdelay $0x2  }
0x106: {  	s9 =	smov.u32 s29;
	v8, _, _ =	vpop (xrf0);
	s11 =	spop (v2sf)  }
0x107: {  	v9, _, _ =	vpop (xrf0);
	(v2sf) =	vpush v8, $0xF  }
0x108: {  	(v2sf) =	vpush v9, $0xF;
	_ =	sdelay $0xa  }
.Ltmp9:
0x109: {  	s6 =	sadd.s32 s6, s11;
	s9 =	spop (v2sf);
	(pc) =	sbr.rel @!p1 .LBB2_18-.Ltmp9, $4  }
0x10a: {  	v6 =	vsub.s32 s6, v6;
	s12 =	sadd.s32 s8, s9  }
0x10b: {  	v6 =	vadd.s32 v8, v6;
	v7 =	vsub.s32 s12, v7  }
0x10c: {  	[tilespmem:s7+$0x12000] =	vst v6;
	v6 =	vadd.s32 v9, v7;
	s29 =	spop (v2sf)  }
0x10d: {  	[tilespmem:s7+$0x12400] =	vst v6;
	s30 =	spop (v2sf)  }
0x10e: {  	s7 =	simm.s32 $0x12800  }
0x10f: {  	v6 =	vld [tilespmem:s7+$0x0];
	_ =	sdelay $0x4  }
0x110: {  	p2 =	sgt.s32 s5, $0x0;
	vm1 =	vmmov vm0;
	v7 =	vshrl.u32 v6, $0xA  }
0x111: {  	vm1 =	vmneg @p2 vm1;
	v7 =	vand.u32 $0x3FF, v7  }
0x112: {  	(xrf1) =	vunique.msk.u32 vm1, v7;
	_ =	sdelay $0x1  }
0x113: {  	s6 =	simm.s32 $0x18800  }
0x114: {  	v8 =	vld [tilespmem:s6+$0x0];
	_ =	sdelay $0x4  }
0x115: {  	vm2 =	vmmov vm0;
	p2 =	sgt.s32 s2, $0x0;
	v9 =	vshrl.u32 v8, $0xA  }
0x116: {  	vm2 =	vmneg @p2 vm2;
	v9 =	vand.u32 $0x3FF, v9  }
0x117: {  	(xrf1) =	vunique.msk.u32 vm2, v9;
	_ =	sdelay $0x2  }
0x118: {  	v10 =	vld.idx.msk [tilespmem:v7+s13+$0x0], $0xffff  }
0x119: {  	_, v11, vm3 =	vpop (xrf1);
	_ =	sdelay $0x3  }
0x11a: {  	v10 =	vadd.s32 v10, v11  }
0x11b: {  	v11 =	vadd.s32 v1, v10  }
0x11c: {  	[tilespmem:v7+s13+$0x0] =	vst.idx.msk vm3, v11  }
0x11d: {  	v7 =	vld.idx.msk [tilespmem:v9+s14+$0x0], $0xffff;
	_ =	sdelay $0x2  }
0x11e: {  	_, v11, vm3 =	vpop (xrf1);
	_ =	sdelay $0x1  }
0x11f: {  	v10 =	vsub.s32 v10, v2;
	v7 =	vadd.s32 v7, v11  }
0x120: {  	p2 =	seq.s32 s1, $0x1;
	v11 =	vsub.s32 v7, v2  }
.Ltmp10:
0x121: {  	_ = 	snop;
	(pc) =	sbr.rel @p2 .LBB2_18-.Ltmp10, $4  }
0x122: {  	v7 =	vadd.s32 v1, v7  }
0x123: {  	[tilespmem:v9+s14+$0x0] =	vst.idx.msk vm3, v7  }
0x124: {  	[tilespmem:v10+s15+$0x0] =	vst.idx.msk vm1, v6  }
0x125: {  	s8 =	simm.s32 $0x12810;
	s7 =	simm.s32 $0x1;
	[tilespmem:v11+s16+$0x0] =	vst.idx.msk vm2, v8  }
.LBB2_17:
0x126: {  	v6 =	vld [tilespmem:s8+$0x0];
	s6 =	sadd.s32 $0x10, s6;
	s9 =	smov.u32 s7;
	s7 =	sadd.s32 $0x1, s7  }
0x127: {  	v7 =	vld [tilespmem:s6+$0x0];
	p2 =	seq.s32 s1, s7;
	_ =	sdelay $0x3  }
0x128: {  	vm1 =	vmmov vm0;
	p3 =	slt.s32 s9, s5;
	v8 =	vshrl.u32 v6, $0xA  }
0x129: {  	vm1 =	vmneg @p3 vm1;
	v8 =	vand.u32 $0x3FF, v8  }
0x12a: {  	(xrf1) =	vunique.msk.u32 vm1, v8;
	_ =	sdelay $0x8  }
0x12b: {  	vm2 =	vmmov vm0;
	p3 =	slt.s32 s9, s2;
	v9 =	vshrl.u32 v7, $0xA  }
0x12c: {  	vm2 =	vmneg @p3 vm2;
	v9 =	vand.u32 $0x3FF, v9  }
0x12d: {  	(xrf1) =	vunique.msk.u32 vm2, v9  }
0x12e: {  	v10 =	vld.idx.msk [tilespmem:v8+s13+$0x0], $0xffff;
	_ =	sdelay $0x1  }
0x12f: {  	_, v11, vm3 =	vpop (xrf1);
	_ =	sdelay $0x3  }
0x130: {  	v10 =	vadd.s32 v10, v11  }
0x131: {  	v11 =	vadd.s32 v1, v10  }
0x132: {  	[tilespmem:v8+s13+$0x0] =	vst.idx.msk vm3, v11  }
0x133: {  	v8 =	vld.idx.msk [tilespmem:v9+s14+$0x0], $0xffff;
	_ =	sdelay $0x3  }
0x134: {  	_, v11, vm3 =	vpop (xrf1);
	_ =	sdelay $0x1  }
0x135: {  	v10 =	vsub.s32 v10, v2;
	v8 =	vadd.s32 v8, v11  }
0x136: {  	v11 =	vsub.s32 v8, v2  }
.Ltmp11:
0x137: {  	(pc) =	sbr.rel @!p2 .LBB2_17-.Ltmp11, $4  }
0x138: {  	v8 =	vadd.s32 v1, v8  }
0x139: {  	[tilespmem:v9+s14+$0x0] =	vst.idx.msk vm3, v8  }
0x13a: {  	[tilespmem:v10+s15+$0x0] =	vst.idx.msk vm1, v6  }
0x13b: {  	s8 =	sadd.s32 $0x10, s8;
	[tilespmem:v11+s16+$0x0] =	vst.idx.msk vm2, v7  }
.LBB2_18:
0x13c: {  	s6 =	simm.s32 $0x40;
	s7 =	simm.s32 $0x0  }
.LBB2_19:
0x13d: {  	p2 =	seq.s32 s6, $0xFC0;
	[tilespmem:s7+$0x12000] =	vst v0;
	s8 =	smov.u32 s6;
	s6 =	sadd.s32 $0x40, s6  }
.Ltmp12:
0x13e: {  	[tilespmem:s7+$0x12400] =	vst v0;
	(pc) =	sbr.rel @!p2 .LBB2_19-.Ltmp12, $2  }
0x13f: {  	_ =	sdelay $0x2  }
0x140: {  	s7 =	sshra.s32 s8, $0x2  }
.Ltmp13:
0x141: {  	(pc) =	sbr.rel @!p1 .LBB2_21-.Ltmp13, $3  }
0x142: {  	_ =	sdelay $0x1  }
0x143: {  	[tilespmem:s7+$0x12000] =	vst v0  }
0x144: {  	[tilespmem:s7+$0x12400] =	vst v0  }
0x145: {  	s7 =	simm.s32 $0x13800  }
0x146: {  	s6 =	simm.s32 $0x19800;
	v6 =	vld [tilespmem:s7+$0x0]  }
0x147: {  	v7 =	vld [tilespmem:s6+$0x0];
	_ =	sdelay $0x2  }
0x148: {  	p1 =	sgt.s32 s5, $0x0;
	vm1 =	vmmov vm0  }
0x149: {  	vm2 =	vmmov vm0;
	vm1 =	vmneg @p1 vm1;
	p1 =	sgt.s32 s2, $0x0;
	v6 =	vshrl.u32 v6, $0x14  }
0x14a: {  	vm2 =	vmneg @p1 vm2;
	v7 =	vshrl.u32 v7, $0x14;
	v6 =	vand.u32 $0x3FF, v6  }
0x14b: {  	p1 =	seq.s32 s1, $0x1;
	v7 =	vand.u32 $0x3FF, v7  }
.Ltmp14:
0x14c: {  	_ = 	snop;
	(pc) =	sbr.rel @p1 .LBB2_21-.Ltmp14, $3  }
0x14d: {  	_ =	sdelay $0x1  }
0x14e: {  	[tilespmem:v6+s13+$0x0] =	vst.idx.add.s32.msk vm1, v3  }
0x14f: {  	s8 =	simm.s32 $0x13810;
	s7 =	simm.s32 $0x1;
	[tilespmem:v7+s14+$0x0] =	vst.idx.add.s32.msk vm2, v3  }
.LBB2_61:
0x150: {  	v6 =	vld [tilespmem:s8+$0x0];
	s6 =	sadd.s32 $0x10, s6;
	s9 =	smov.u32 s7  }
0x151: {  	s7 =	sadd.s32 $0x1, s7;
	v7 =	vld [tilespmem:s6+$0x0]  }
0x152: {  	p1 =	seq.s32 s1, s7;
	_ =	sdelay $0x1  }
0x153: {  	vm1 =	vmmov vm0;
	p2 =	slt.s32 s9, s5  }
0x154: {  	vm2 =	vmmov vm0;
	vm1 =	vmneg @p2 vm1;
	p2 =	slt.s32 s9, s2;
	v6 =	vshrl.u32 v6, $0x14  }
0x155: {  	vm2 =	vmneg @p2 vm2;
	v7 =	vshrl.u32 v7, $0x14;
	v6 =	vand.u32 $0x3FF, v6  }
0x156: {  	v7 =	vand.u32 $0x3FF, v7  }
.Ltmp15:
0x157: {  	(pc) =	sbr.rel @!p1 .LBB2_61-.Ltmp15, $3  }
0x158: {  	_ =	sdelay $0x1  }
0x159: {  	[tilespmem:v6+s13+$0x0] =	vst.idx.add.s32.msk vm1, v3  }
0x15a: {  	s8 =	sadd.s32 $0x10, s8;
	[tilespmem:v7+s14+$0x0] =	vst.idx.add.s32.msk vm2, v3  }
.LBB2_21:
0x15b: {  	s8 =	simm.s32 $0x0  }
0x15c: {  	v6 =	vld [tilespmem:s8+$0x12000];
	_ =	sdelay $0x1  }
0x15d: {  	v7 =	vld [tilespmem:s8+$0x12400];
	_ =	sdelay $0x2  }
0x15e: {  	(xrf0) =	vadd.scan.msk.s32 $0xffff, v6;
	_ =	sdelay $0x1  }
0x15f: {  	(xrf0) =	vadd.scan.msk.s32 $0xffff, v7;
	_ =	sdelay $0x3  }
0x160: {  	s6 =	simm.s32 $0x0;
	v8, _, _ =	vpop (xrf0)  }
0x161: {  	v6 =	vsub.s32 s6, v6;
	(v2sf) =	vpush v8, $0xF  }
0x162: {  	v6 =	vadd.s32 v8, v6;
	v8, _, _ =	vpop (xrf0)  }
0x163: {  	(v2sf) =	vpush v8, $0xF  }
0x164: {  	s7 =	simm.s32 $0x10;
	v7 =	vsub.s32 s6, v7;
	[tilespmem:s8+$0x12000] =	vst v6  }
0x165: {  	v7 =	vadd.s32 v8, v7;
	v6 =	vld [tilespmem:s7+$0x12000]  }
0x166: {  	[tilespmem:s8+$0x12400] =	vst v7  }
0x167: {  	v7 =	vld [tilespmem:s7+$0x12400];
	_ =	sdelay $0x2  }
0x168: {  	(xrf0) =	vadd.scan.msk.s32 $0xffff, v6;
	_ =	sdelay $0x1  }
0x169: {  	(xrf0) =	vadd.scan.msk.s32 $0xffff, v7;
	_ =	sdelay $0x3  }
0x16a: {  	s9 =	simm.s32 $0x80;
	s8 =	simm.s32 $0x0;
	v8, _, _ =	vpop (xrf0);
	s11 =	spop (v2sf)  }
.LBB2_22:
0x16b: {  	s6 =	sadd.s32 s6, s11  }
0x16c: {  	v9, _, _ =	vpop (xrf0);
	(v2sf) =	vpush v8, $0xF;
	s11 =	spop (v2sf);
	s12 =	smov.u32 s9;
	s29 =	sadd.s32 $0x40, s9  }
0x16d: {  	p1 =	seq.s32 s9, $0xFC0;
	v6 =	vsub.s32 s6, v6;
	(v2sf) =	vpush v9, $0xF;
	s8 =	sadd.s32 s8, s11  }
0x16e: {  	v6 =	vadd.s32 v8, v6;
	v7 =	vsub.s32 s8, v7  }
0x16f: {  	s9 =	sshra.s32 s12, $0x2;
	[tilespmem:s7+$0x12000] =	vst v6;
	v7 =	vadd.s32 v9, v7  }
0x170: {  	v6 =	vld [tilespmem:s9+$0x12000];
	[tilespmem:s7+$0x12400] =	vst v7;
	s7 =	smov.u32 s9  }
0x171: {  	v7 =	vld [tilespmem:s7+$0x12400];
	_ =	sdelay $0x3  }
0x172: {  	(xrf0) =	vadd.scan.msk.s32 $0xffff, v6  }
0x173: {  	(xrf0) =	vadd.scan.msk.s32 $0xffff, v7  }
.Ltmp16:
0x174: {  	(pc) =	sbr.rel @!p1 .LBB2_22-.Ltmp16, $2  }
0x175: {  	_ =	sdelay $0x2  }
0x176: {  	s9 =	smov.u32 s29;
	v8, _, _ =	vpop (xrf0);
	s11 =	spop (v2sf)  }
0x177: {  	v9, _, _ =	vpop (xrf0);
	(v2sf) =	vpush v8, $0xF  }
0x178: {  	(v2sf) =	vpush v9, $0xF;
	_ =	sdelay $0x9  }
0x179: {  	p1 =	slt.s32 s1, $0x1  }
.Ltmp17:
0x17a: {  	s6 =	sadd.s32 s6, s11;
	s9 =	spop (v2sf);
	(pc) =	sbr.rel @p1 .LBB2_26-.Ltmp17, $4  }
0x17b: {  	v6 =	vsub.s32 s6, v6;
	s12 =	sadd.s32 s8, s9  }
0x17c: {  	v6 =	vadd.s32 v8, v6;
	v7 =	vsub.s32 s12, v7  }
0x17d: {  	[tilespmem:s7+$0x12000] =	vst v6;
	v6 =	vadd.s32 v9, v7;
	s29 =	spop (v2sf)  }
0x17e: {  	s12 =	simm.s32 $0x11000;
	[tilespmem:s7+$0x12400] =	vst v6;
	s30 =	spop (v2sf)  }
0x17f: {  	s7 =	simm.s32 $0x13800  }
0x180: {  	v6 =	vld [tilespmem:s7+$0x0];
	_ =	sdelay $0x4  }
0x181: {  	p1 =	sgt.s32 s5, $0x0;
	vm1 =	vmmov vm0;
	v7 =	vshrl.u32 v6, $0x14  }
0x182: {  	vm1 =	vmneg @p1 vm1;
	v7 =	vand.u32 $0x3FF, v7  }
0x183: {  	(xrf1) =	vunique.msk.u32 vm1, v7;
	_ =	sdelay $0x1  }
0x184: {  	s6 =	simm.s32 $0x19800  }
0x185: {  	v8 =	vld [tilespmem:s6+$0x0];
	_ =	sdelay $0x4  }
0x186: {  	vm2 =	vmmov vm0;
	p1 =	sgt.s32 s2, $0x0;
	v9 =	vshrl.u32 v8, $0x14  }
0x187: {  	vm2 =	vmneg @p1 vm2;
	v9 =	vand.u32 $0x3FF, v9  }
0x188: {  	(xrf1) =	vunique.msk.u32 vm2, v9;
	_ =	sdelay $0x2  }
0x189: {  	v10 =	vld.idx.msk [tilespmem:v7+s13+$0x0], $0xffff  }
0x18a: {  	_, v11, vm3 =	vpop (xrf1);
	_ =	sdelay $0x3  }
0x18b: {  	v10 =	vadd.s32 v10, v11  }
0x18c: {  	v11 =	vadd.s32 v1, v10  }
0x18d: {  	[tilespmem:v7+s13+$0x0] =	vst.idx.msk vm3, v11  }
0x18e: {  	v7 =	vld.idx.msk [tilespmem:v9+s14+$0x0], $0xffff;
	_ =	sdelay $0x2  }
0x18f: {  	_, v11, vm3 =	vpop (xrf1);
	_ =	sdelay $0x1  }
0x190: {  	v10 =	vsub.s32 v10, v2;
	v7 =	vadd.s32 v7, v11  }
0x191: {  	p1 =	sne.s32 s1, $0x1;
	v11 =	vsub.s32 v7, v2  }
.Ltmp18:
0x192: {  	_ = 	snop;
	(pc) =	sbr.rel @!p1 .LBB2_26-.Ltmp18, $4  }
0x193: {  	v7 =	vadd.s32 v1, v7  }
0x194: {  	[tilespmem:v9+s14+$0x0] =	vst.idx.msk vm3, v7  }
0x195: {  	[tilespmem:v10+s17+$0x0] =	vst.idx.msk vm1, v6  }
0x196: {  	s8 =	simm.s32 $0x13810;
	s7 =	simm.s32 $0x1;
	[tilespmem:v11+s18+$0x0] =	vst.idx.msk vm2, v8  }
.LBB2_25:
0x197: {  	v6 =	vld [tilespmem:s8+$0x0];
	s6 =	sadd.s32 $0x10, s6;
	s9 =	smov.u32 s7;
	s7 =	sadd.s32 $0x1, s7  }
0x198: {  	v7 =	vld [tilespmem:s6+$0x0];
	p1 =	sne.s32 s1, s7;
	_ =	sdelay $0x3  }
0x199: {  	vm1 =	vmmov vm0;
	p2 =	slt.s32 s9, s5;
	v8 =	vshrl.u32 v6, $0x14  }
0x19a: {  	vm1 =	vmneg @p2 vm1;
	v8 =	vand.u32 $0x3FF, v8  }
0x19b: {  	(xrf1) =	vunique.msk.u32 vm1, v8;
	_ =	sdelay $0x8  }
0x19c: {  	vm2 =	vmmov vm0;
	p2 =	slt.s32 s9, s2;
	v9 =	vshrl.u32 v7, $0x14  }
0x19d: {  	vm2 =	vmneg @p2 vm2;
	v9 =	vand.u32 $0x3FF, v9  }
0x19e: {  	(xrf1) =	vunique.msk.u32 vm2, v9  }
0x19f: {  	v10 =	vld.idx.msk [tilespmem:v8+s13+$0x0], $0xffff;
	_ =	sdelay $0x1  }
0x1a0: {  	_, v11, vm3 =	vpop (xrf1);
	_ =	sdelay $0x3  }
0x1a1: {  	v10 =	vadd.s32 v10, v11  }
0x1a2: {  	v11 =	vadd.s32 v1, v10  }
0x1a3: {  	[tilespmem:v8+s13+$0x0] =	vst.idx.msk vm3, v11  }
0x1a4: {  	v8 =	vld.idx.msk [tilespmem:v9+s14+$0x0], $0xffff;
	_ =	sdelay $0x3  }
0x1a5: {  	_, v11, vm3 =	vpop (xrf1);
	_ =	sdelay $0x1  }
0x1a6: {  	v10 =	vsub.s32 v10, v2;
	v8 =	vadd.s32 v8, v11  }
0x1a7: {  	v11 =	vsub.s32 v8, v2  }
.Ltmp19:
0x1a8: {  	(pc) =	sbr.rel @p1 .LBB2_25-.Ltmp19, $4  }
0x1a9: {  	v8 =	vadd.s32 v1, v8  }
0x1aa: {  	[tilespmem:v9+s14+$0x0] =	vst.idx.msk vm3, v8  }
0x1ab: {  	[tilespmem:v10+s17+$0x0] =	vst.idx.msk vm1, v6  }
0x1ac: {  	s8 =	sadd.s32 $0x10, s8;
	[tilespmem:v11+s18+$0x0] =	vst.idx.msk vm2, v7  }
.LBB2_26:
0x1ad: {  	s2 =	simm.s32 $0x40;
	s1 =	simm.s32 $0x0  }
.LBB2_27:
0x1ae: {  	p1 =	sne.s32 s2, $0xFC0;
	[tilespmem:s1+$0x12000] =	vst v0;
	s5 =	smov.u32 s2;
	s2 =	sadd.s32 $0x40, s2  }
.Ltmp20:
0x1af: {  	[tilespmem:s1+$0x12400] =	vst v0;
	(pc) =	sbr.rel @p1 .LBB2_27-.Ltmp20, $2  }
0x1b0: {  	_ =	sdelay $0x2  }
0x1b1: {  	s1 =	sshra.s32 s5, $0x2  }
0x1b2: {  	p1 =	sgt.s32 s4, s28;
	s5 =	smov.u32 s28  }
0x1b3: {  	s5 =	smov.u32 @p1 s4  }
0x1b4: {  	p1 =	sgt.s32 s5, $0x0  }
.Ltmp21:
0x1b5: {  	_ = 	snop;
	(pc) =	sbr.rel @!p1 .LBB2_29-.Ltmp21, $3  }
0x1b6: {  	_ =	sdelay $0x1  }
0x1b7: {  	[tilespmem:s1+$0x12000] =	vst v0  }
0x1b8: {  	[tilespmem:s1+$0x12400] =	vst v0  }
0x1b9: {  	s2 =	simm.s32 $0x14800  }
0x1ba: {  	s1 =	simm.s32 $0x1A800;
	v6 =	vld [tilespmem:s2+$0x0]  }
0x1bb: {  	v7 =	vld [tilespmem:s1+$0x0];
	_ =	sdelay $0x1  }
0x1bc: {  	p2 =	sgt.s32 s4, $0x0;
	vm1 =	vmmov vm0  }
0x1bd: {  	vm2 =	vmmov vm0;
	vm1 =	vmneg @p2 vm1;
	p2 =	sgt.s32 s28, $0x0  }
0x1be: {  	vm2 =	vmneg @p2 vm2;
	v6 =	vand.u32 $0x3FF, v6  }
0x1bf: {  	p2 =	seq.s32 s5, $0x1;
	v7 =	vand.u32 $0x3FF, v7  }
.Ltmp22:
0x1c0: {  	_ = 	snop;
	(pc) =	sbr.rel @p2 .LBB2_29-.Ltmp22, $3  }
0x1c1: {  	_ =	sdelay $0x1  }
0x1c2: {  	[tilespmem:v6+s13+$0x0] =	vst.idx.add.s32.msk vm1, v3  }
0x1c3: {  	s6 =	simm.s32 $0x14810;
	s2 =	simm.s32 $0x1;
	[tilespmem:v7+s14+$0x0] =	vst.idx.add.s32.msk vm2, v3  }
.LBB2_63:
0x1c4: {  	v6 =	vld [tilespmem:s6+$0x0];
	s1 =	sadd.s32 $0x10, s1;
	s7 =	smov.u32 s2  }
0x1c5: {  	s2 =	sadd.s32 $0x1, s2;
	v7 =	vld [tilespmem:s1+$0x0]  }
0x1c6: {  	p2 =	seq.s32 s5, s2  }
0x1c7: {  	vm1 =	vmmov vm0;
	p3 =	slt.s32 s7, s4  }
0x1c8: {  	vm2 =	vmmov vm0;
	vm1 =	vmneg @p3 vm1;
	p3 =	slt.s32 s7, s28  }
0x1c9: {  	vm2 =	vmneg @p3 vm2;
	v6 =	vand.u32 $0x3FF, v6  }
0x1ca: {  	v7 =	vand.u32 $0x3FF, v7  }
.Ltmp23:
0x1cb: {  	(pc) =	sbr.rel @!p2 .LBB2_63-.Ltmp23, $3  }
0x1cc: {  	_ =	sdelay $0x1  }
0x1cd: {  	[tilespmem:v6+s13+$0x0] =	vst.idx.add.s32.msk vm1, v3  }
0x1ce: {  	s6 =	sadd.s32 $0x10, s6;
	[tilespmem:v7+s14+$0x0] =	vst.idx.add.s32.msk vm2, v3  }
.LBB2_29:
0x1cf: {  	s6 =	simm.s32 $0x0  }
0x1d0: {  	v6 =	vld [tilespmem:s6+$0x12000];
	_ =	sdelay $0x1  }
0x1d1: {  	v7 =	vld [tilespmem:s6+$0x12400];
	_ =	sdelay $0x2  }
0x1d2: {  	(xrf0) =	vadd.scan.msk.s32 $0xffff, v6;
	_ =	sdelay $0x1  }
0x1d3: {  	(xrf0) =	vadd.scan.msk.s32 $0xffff, v7;
	_ =	sdelay $0x3  }
0x1d4: {  	s1 =	simm.s32 $0x0;
	v8, _, _ =	vpop (xrf0)  }
0x1d5: {  	v6 =	vsub.s32 s1, v6;
	(v2sf) =	vpush v8, $0xF  }
0x1d6: {  	v6 =	vadd.s32 v8, v6;
	v8, _, _ =	vpop (xrf0)  }
0x1d7: {  	(v2sf) =	vpush v8, $0xF  }
0x1d8: {  	s2 =	simm.s32 $0x10;
	v7 =	vsub.s32 s1, v7;
	[tilespmem:s6+$0x12000] =	vst v6  }
0x1d9: {  	v7 =	vadd.s32 v8, v7;
	v6 =	vld [tilespmem:s2+$0x12000]  }
0x1da: {  	[tilespmem:s6+$0x12400] =	vst v7  }
0x1db: {  	v7 =	vld [tilespmem:s2+$0x12400];
	_ =	sdelay $0x2  }
0x1dc: {  	(xrf0) =	vadd.scan.msk.s32 $0xffff, v6;
	_ =	sdelay $0x1  }
0x1dd: {  	(xrf0) =	vadd.scan.msk.s32 $0xffff, v7;
	_ =	sdelay $0x3  }
0x1de: {  	s7 =	simm.s32 $0x80;
	s6 =	simm.s32 $0x0;
	v8, _, _ =	vpop (xrf0);
	s8 =	spop (v2sf)  }
.LBB2_30:
0x1df: {  	s1 =	sadd.s32 s1, s8  }
0x1e0: {  	v9, _, _ =	vpop (xrf0);
	(v2sf) =	vpush v8, $0xF;
	s8 =	spop (v2sf);
	s9 =	smov.u32 s7;
	s11 =	sadd.s32 $0x40, s7  }
0x1e1: {  	p2 =	seq.s32 s7, $0xFC0;
	v6 =	vsub.s32 s1, v6;
	(v2sf) =	vpush v9, $0xF;
	s6 =	sadd.s32 s6, s8  }
0x1e2: {  	v6 =	vadd.s32 v8, v6;
	v7 =	vsub.s32 s6, v7  }
0x1e3: {  	s7 =	sshra.s32 s9, $0x2;
	[tilespmem:s2+$0x12000] =	vst v6;
	v7 =	vadd.s32 v9, v7  }
0x1e4: {  	v6 =	vld [tilespmem:s7+$0x12000];
	[tilespmem:s2+$0x12400] =	vst v7;
	s2 =	smov.u32 s7  }
0x1e5: {  	v7 =	vld [tilespmem:s2+$0x12400];
	_ =	sdelay $0x3  }
0x1e6: {  	(xrf0) =	vadd.scan.msk.s32 $0xffff, v6  }
0x1e7: {  	(xrf0) =	vadd.scan.msk.s32 $0xffff, v7  }
.Ltmp24:
0x1e8: {  	(pc) =	sbr.rel @!p2 .LBB2_30-.Ltmp24, $2  }
0x1e9: {  	_ =	sdelay $0x2  }
0x1ea: {  	s7 =	smov.u32 s11;
	v8, _, _ =	vpop (xrf0);
	s8 =	spop (v2sf)  }
0x1eb: {  	v9, _, _ =	vpop (xrf0);
	(v2sf) =	vpush v8, $0xF  }
0x1ec: {  	(v2sf) =	vpush v9, $0xF;
	_ =	sdelay $0xa  }
.Ltmp25:
0x1ed: {  	s1 =	sadd.s32 s1, s8;
	s7 =	spop (v2sf);
	(pc) =	sbr.rel @!p1 .LBB2_35-.Ltmp25, $4  }
0x1ee: {  	v6 =	vsub.s32 s1, v6;
	s11 =	sadd.s32 s6, s7  }
0x1ef: {  	v6 =	vadd.s32 v8, v6;
	v7 =	vsub.s32 s11, v7  }
0x1f0: {  	[tilespmem:s2+$0x12000] =	vst v6;
	v6 =	vadd.s32 v9, v7;
	s29 =	spop (v2sf)  }
0x1f1: {  	[tilespmem:s2+$0x12400] =	vst v6;
	s30 =	spop (v2sf)  }
0x1f2: {  	s1 =	simm.s32 $0x14800  }
0x1f3: {  	v7 =	vld [tilespmem:s1+$0x0];
	_ =	sdelay $0x3  }
0x1f4: {  	p2 =	sgt.s32 s4, $0x0;
	vm2 =	vmmov vm0  }
0x1f5: {  	vm2 =	vmneg @p2 vm2;
	v6 =	vand.u32 $0x3FF, v7  }
0x1f6: {  	(xrf1) =	vunique.msk.u32 vm2, v6;
	_ =	sdelay $0x2  }
0x1f7: {  	s2 =	simm.s32 $0x1A800  }
0x1f8: {  	v8 =	vld [tilespmem:s2+$0x0];
	_ =	sdelay $0x3  }
0x1f9: {  	vm1 =	vmmov vm0;
	p2 =	sgt.s32 s28, $0x0  }
0x1fa: {  	vm1 =	vmneg @p2 vm1;
	v9 =	vand.u32 $0x3FF, v8  }
0x1fb: {  	(xrf1) =	vunique.msk.u32 vm1, v9;
	_ =	sdelay $0x2  }
0x1fc: {  	v10 =	vld.idx.msk [tilespmem:v6+s13+$0x0], $0xffff  }
0x1fd: {  	_, v11, vm3 =	vpop (xrf1);
	_ =	sdelay $0x3  }
0x1fe: {  	v10 =	vadd.s32 v10, v11  }
0x1ff: {  	v11 =	vadd.s32 v1, v10  }
0x200: {  	[tilespmem:v6+s13+$0x0] =	vst.idx.msk vm3, v11  }
0x201: {  	v6 =	vld.idx.msk [tilespmem:v9+s14+$0x0], $0xffff;
	_ =	sdelay $0x2  }
0x202: {  	_, v11, vm3 =	vpop (xrf1);
	_ =	sdelay $0x1  }
0x203: {  	v10 =	vsub.s32 v10, v2;
	v11 =	vadd.s32 v11, v6  }
0x204: {  	v6 =	vsub.s32 v11, v2;
	_ =	sdelay $0x1  }
0x205: {  	v11 =	vadd.s32 v1, v11  }
0x206: {  	[tilespmem:v9+s14+$0x0] =	vst.idx.msk vm3, v11  }
0x207: {  	[tilespmem:v10+s19+$0x0] =	vst.idx.msk vm2, v7  }
0x208: {  	s6 =	simm.s32 $0x16800;
	[tilespmem:v6+s20+$0x0] =	vst.idx.msk vm1, v8  }
0x209: {  	v7 =	vld [tilespmem:s6+$0x0];
	_ =	sdelay $0x3  }
0x20a: {  	p2 =	seq.s32 s5, $0x1  }
.Ltmp26:
0x20b: {  	s7 =	simm.s32 $0x1C800;
	[tilespmem:v10+s21+$0x0] =	vst.idx.msk vm2, v7;
	(pc) =	sbr.rel @p2 .LBB2_34-.Ltmp26, $2  }
0x20c: {  	v7 =	vld [tilespmem:s7+$0x0];
	_ =	sdelay $0x2  }
0x20d: {  	s8 =	simm.s32 $0x1C810;
	s6 =	simm.s32 $0x1;
	s7 =	simm.s32 $0x16810  }
.LBB2_33:
0x20e: {  	s1 =	sadd.s32 $0x10, s1  }
0x20f: {  	[tilespmem:v6+s22+$0x0] =	vst.idx.msk vm1, v7;
	s2 =	sadd.s32 $0x10, s2;
	s9 =	smov.u32 s6;
	s6 =	sadd.s32 $0x1, s6  }
0x210: {  	v7 =	vld [tilespmem:s1+$0x0];
	p2 =	seq.s32 s5, s6;
	_ =	sdelay $0x3  }
0x211: {  	vm2 =	vmmov vm0;
	p3 =	slt.s32 s9, s4  }
0x212: {  	vm2 =	vmneg @p3 vm2;
	v6 =	vand.u32 $0x3FF, v7  }
0x213: {  	(xrf1) =	vunique.msk.u32 vm2, v6;
	_ =	sdelay $0x4  }
0x214: {  	v8 =	vld [tilespmem:s2+$0x0];
	_ =	sdelay $0x3  }
0x215: {  	vm1 =	vmmov vm0;
	p3 =	slt.s32 s9, s28;
	v9 =	vld.idx.msk [tilespmem:v6+s13+$0x0], $0xffff  }
0x216: {  	vm1 =	vmneg @p3 vm1;
	v10 =	vand.u32 $0x3FF, v8  }
0x217: {  	(xrf1) =	vunique.msk.u32 vm1, v10;
	_ =	sdelay $0x2  }
0x218: {  	_, v11, vm3 =	vpop (xrf1)  }
0x219: {  	v9 =	vadd.s32 v9, v11;
	_ =	sdelay $0x3  }
0x21a: {  	v11 =	vadd.s32 v1, v9  }
0x21b: {  	[tilespmem:v6+s13+$0x0] =	vst.idx.msk vm3, v11  }
0x21c: {  	v6 =	vld.idx.msk [tilespmem:v10+s14+$0x0], $0xffff;
	_ =	sdelay $0x3  }
0x21d: {  	_, v11, vm3 =	vpop (xrf1);
	_ =	sdelay $0x1  }
0x21e: {  	v9 =	vsub.s32 v9, v2;
	v6 =	vadd.s32 v11, v6  }
0x21f: {  	v11 =	vadd.s32 v1, v6;
	v6 =	vsub.s32 v6, v2;
	_ =	sdelay $0x2  }
0x220: {  	[tilespmem:v10+s14+$0x0] =	vst.idx.msk vm3, v11  }
0x221: {  	[tilespmem:v9+s19+$0x0] =	vst.idx.msk vm2, v7  }
0x222: {  	[tilespmem:v6+s20+$0x0] =	vst.idx.msk vm1, v8  }
0x223: {  	v7 =	vld [tilespmem:s7+$0x0];
	_ =	sdelay $0x4  }
0x224: {  	[tilespmem:v9+s21+$0x0] =	vst.idx.msk vm2, v7  }
.Ltmp27:
0x225: {  	v7 =	vld [tilespmem:s8+$0x0];
	(pc) =	sbr.rel @!p2 .LBB2_33-.Ltmp27, $2  }
0x226: {  	_ =	sdelay $0x2  }
0x227: {  	s7 =	sadd.s32 $0x10, s7;
	s8 =	sadd.s32 $0x10, s8  }
.LBB2_34:
0x228: {  	_ =	sdelay $0x4  }
0x229: {  	[tilespmem:v6+s22+$0x0] =	vst.idx.msk vm1, v7  }
.LBB2_35:
0x22a: {  	s1 =	simm.s32 $0x40;
	s2 =	simm.s32 $0x0  }
.LBB2_36:
0x22b: {  	p2 =	seq.s32 s1, $0xFC0;
	[tilespmem:s2+$0x12000] =	vst v0;
	s6 =	smov.u32 s1;
	s1 =	sadd.s32 $0x40, s1  }
.Ltmp28:
0x22c: {  	[tilespmem:s2+$0x12400] =	vst v0;
	(pc) =	sbr.rel @!p2 .LBB2_36-.Ltmp28, $2  }
0x22d: {  	_ =	sdelay $0x2  }
0x22e: {  	s2 =	sshra.s32 s6, $0x2  }
.Ltmp29:
0x22f: {  	(pc) =	sbr.rel @!p1 .LBB2_38-.Ltmp29, $3  }
0x230: {  	_ =	sdelay $0x1  }
0x231: {  	[tilespmem:s2+$0x12000] =	vst v0  }
0x232: {  	[tilespmem:s2+$0x12400] =	vst v0  }
0x233: {  	s2 =	simm.s32 $0x15800  }
0x234: {  	s1 =	simm.s32 $0x1B800;
	v6 =	vld [tilespmem:s2+$0x0]  }
0x235: {  	v7 =	vld [tilespmem:s1+$0x0];
	_ =	sdelay $0x2  }
0x236: {  	p2 =	sgt.s32 s4, $0x0;
	vm1 =	vmmov vm0  }
0x237: {  	vm2 =	vmmov vm0;
	vm1 =	vmneg @p2 vm1;
	p2 =	sgt.s32 s28, $0x0;
	v6 =	vshrl.u32 v6, $0xA  }
0x238: {  	vm2 =	vmneg @p2 vm2;
	v7 =	vshrl.u32 v7, $0xA;
	v6 =	vand.u32 $0x3FF, v6  }
0x239: {  	p2 =	seq.s32 s5, $0x1;
	v7 =	vand.u32 $0x3FF, v7  }
.Ltmp30:
0x23a: {  	_ = 	snop;
	(pc) =	sbr.rel @p2 .LBB2_38-.Ltmp30, $3  }
0x23b: {  	_ =	sdelay $0x1  }
0x23c: {  	[tilespmem:v6+s13+$0x0] =	vst.idx.add.s32.msk vm1, v3  }
0x23d: {  	s6 =	simm.s32 $0x15810;
	s2 =	simm.s32 $0x1;
	[tilespmem:v7+s14+$0x0] =	vst.idx.add.s32.msk vm2, v3  }
.LBB2_65:
0x23e: {  	v6 =	vld [tilespmem:s6+$0x0];
	s1 =	sadd.s32 $0x10, s1;
	s7 =	smov.u32 s2  }
0x23f: {  	s2 =	sadd.s32 $0x1, s2;
	v7 =	vld [tilespmem:s1+$0x0]  }
0x240: {  	p2 =	seq.s32 s5, s2;
	_ =	sdelay $0x1  }
0x241: {  	vm1 =	vmmov vm0;
	p3 =	slt.s32 s7, s4  }
0x242: {  	vm2 =	vmmov vm0;
	vm1 =	vmneg @p3 vm1;
	p3 =	slt.s32 s7, s28;
	v6 =	vshrl.u32 v6, $0xA  }
0x243: {  	vm2 =	vmneg @p3 vm2;
	v7 =	vshrl.u32 v7, $0xA;
	v6 =	vand.u32 $0x3FF, v6  }
0x244: {  	v7 =	vand.u32 $0x3FF, v7  }
.Ltmp31:
0x245: {  	(pc) =	sbr.rel @!p2 .LBB2_65-.Ltmp31, $3  }
0x246: {  	_ =	sdelay $0x1  }
0x247: {  	[tilespmem:v6+s13+$0x0] =	vst.idx.add.s32.msk vm1, v3  }
0x248: {  	s6 =	sadd.s32 $0x10, s6;
	[tilespmem:v7+s14+$0x0] =	vst.idx.add.s32.msk vm2, v3  }
.LBB2_38:
0x249: {  	s6 =	simm.s32 $0x0  }
0x24a: {  	v6 =	vld [tilespmem:s6+$0x12000];
	_ =	sdelay $0x1  }
0x24b: {  	v7 =	vld [tilespmem:s6+$0x12400];
	_ =	sdelay $0x2  }
0x24c: {  	(xrf0) =	vadd.scan.msk.s32 $0xffff, v6;
	_ =	sdelay $0x1  }
0x24d: {  	(xrf0) =	vadd.scan.msk.s32 $0xffff, v7;
	_ =	sdelay $0x3  }
0x24e: {  	s1 =	simm.s32 $0x0;
	v8, _, _ =	vpop (xrf0)  }
0x24f: {  	v6 =	vsub.s32 s1, v6;
	(v2sf) =	vpush v8, $0xF  }
0x250: {  	v6 =	vadd.s32 v8, v6;
	v8, _, _ =	vpop (xrf0)  }
0x251: {  	(v2sf) =	vpush v8, $0xF  }
0x252: {  	s2 =	simm.s32 $0x10;
	v7 =	vsub.s32 s1, v7;
	[tilespmem:s6+$0x12000] =	vst v6  }
0x253: {  	v7 =	vadd.s32 v8, v7;
	v6 =	vld [tilespmem:s2+$0x12000]  }
0x254: {  	[tilespmem:s6+$0x12400] =	vst v7  }
0x255: {  	v7 =	vld [tilespmem:s2+$0x12400];
	_ =	sdelay $0x2  }
0x256: {  	(xrf0) =	vadd.scan.msk.s32 $0xffff, v6;
	_ =	sdelay $0x1  }
0x257: {  	(xrf0) =	vadd.scan.msk.s32 $0xffff, v7;
	_ =	sdelay $0x3  }
0x258: {  	s7 =	simm.s32 $0x80;
	s6 =	simm.s32 $0x0;
	v8, _, _ =	vpop (xrf0);
	s8 =	spop (v2sf)  }
.LBB2_39:
0x259: {  	s1 =	sadd.s32 s1, s8  }
0x25a: {  	v9, _, _ =	vpop (xrf0);
	(v2sf) =	vpush v8, $0xF;
	s8 =	spop (v2sf);
	s9 =	smov.u32 s7;
	s11 =	sadd.s32 $0x40, s7  }
0x25b: {  	p2 =	seq.s32 s7, $0xFC0;
	v6 =	vsub.s32 s1, v6;
	(v2sf) =	vpush v9, $0xF;
	s6 =	sadd.s32 s6, s8  }
0x25c: {  	v6 =	vadd.s32 v8, v6;
	v7 =	vsub.s32 s6, v7  }
0x25d: {  	s7 =	sshra.s32 s9, $0x2;
	[tilespmem:s2+$0x12000] =	vst v6;
	v7 =	vadd.s32 v9, v7  }
0x25e: {  	v6 =	vld [tilespmem:s7+$0x12000];
	[tilespmem:s2+$0x12400] =	vst v7;
	s2 =	smov.u32 s7  }
0x25f: {  	v7 =	vld [tilespmem:s2+$0x12400];
	_ =	sdelay $0x3  }
0x260: {  	(xrf0) =	vadd.scan.msk.s32 $0xffff, v6  }
0x261: {  	(xrf0) =	vadd.scan.msk.s32 $0xffff, v7  }
.Ltmp32:
0x262: {  	(pc) =	sbr.rel @!p2 .LBB2_39-.Ltmp32, $2  }
0x263: {  	_ =	sdelay $0x2  }
0x264: {  	s7 =	smov.u32 s11;
	v8, _, _ =	vpop (xrf0);
	s8 =	spop (v2sf)  }
0x265: {  	v9, _, _ =	vpop (xrf0);
	(v2sf) =	vpush v8, $0xF  }
0x266: {  	(v2sf) =	vpush v9, $0xF;
	_ =	sdelay $0xa  }
.Ltmp33:
0x267: {  	s1 =	sadd.s32 s1, s8;
	s7 =	spop (v2sf);
	(pc) =	sbr.rel @!p1 .LBB2_44-.Ltmp33, $4  }
0x268: {  	v6 =	vsub.s32 s1, v6;
	s11 =	sadd.s32 s6, s7  }
0x269: {  	v6 =	vadd.s32 v8, v6;
	v7 =	vsub.s32 s11, v7  }
0x26a: {  	[tilespmem:s2+$0x12000] =	vst v6;
	v6 =	vadd.s32 v9, v7;
	s29 =	spop (v2sf)  }
0x26b: {  	[tilespmem:s2+$0x12400] =	vst v6;
	s30 =	spop (v2sf)  }
0x26c: {  	s1 =	simm.s32 $0x15800  }
0x26d: {  	v7 =	vld [tilespmem:s1+$0x0];
	_ =	sdelay $0x4  }
0x26e: {  	p2 =	sgt.s32 s4, $0x0;
	vm2 =	vmmov vm0;
	v6 =	vshrl.u32 v7, $0xA  }
0x26f: {  	vm2 =	vmneg @p2 vm2;
	v6 =	vand.u32 $0x3FF, v6  }
0x270: {  	(xrf1) =	vunique.msk.u32 vm2, v6;
	_ =	sdelay $0x1  }
0x271: {  	s2 =	simm.s32 $0x1B800  }
0x272: {  	v8 =	vld [tilespmem:s2+$0x0];
	_ =	sdelay $0x4  }
0x273: {  	vm1 =	vmmov vm0;
	p2 =	sgt.s32 s28, $0x0;
	v9 =	vshrl.u32 v8, $0xA  }
0x274: {  	vm1 =	vmneg @p2 vm1;
	v9 =	vand.u32 $0x3FF, v9  }
0x275: {  	(xrf1) =	vunique.msk.u32 vm1, v9;
	_ =	sdelay $0x2  }
0x276: {  	v10 =	vld.idx.msk [tilespmem:v6+s13+$0x0], $0xffff  }
0x277: {  	_, v11, vm3 =	vpop (xrf1);
	_ =	sdelay $0x3  }
0x278: {  	v10 =	vadd.s32 v10, v11  }
0x279: {  	v11 =	vadd.s32 v1, v10  }
0x27a: {  	[tilespmem:v6+s13+$0x0] =	vst.idx.msk vm3, v11  }
0x27b: {  	v6 =	vld.idx.msk [tilespmem:v9+s14+$0x0], $0xffff;
	_ =	sdelay $0x2  }
0x27c: {  	_, v11, vm3 =	vpop (xrf1);
	_ =	sdelay $0x1  }
0x27d: {  	v10 =	vsub.s32 v10, v2;
	v11 =	vadd.s32 v6, v11  }
0x27e: {  	v6 =	vsub.s32 v11, v2;
	_ =	sdelay $0x1  }
0x27f: {  	v11 =	vadd.s32 v1, v11  }
0x280: {  	[tilespmem:v9+s14+$0x0] =	vst.idx.msk vm3, v11  }
0x281: {  	[tilespmem:v10+s23+$0x0] =	vst.idx.msk vm2, v7  }
0x282: {  	s6 =	simm.s32 $0x17800;
	[tilespmem:v6+s24+$0x0] =	vst.idx.msk vm1, v8  }
0x283: {  	v7 =	vld [tilespmem:s6+$0x0];
	_ =	sdelay $0x3  }
0x284: {  	p2 =	seq.s32 s5, $0x1  }
.Ltmp34:
0x285: {  	s7 =	simm.s32 $0x1D800;
	[tilespmem:v10+s25+$0x0] =	vst.idx.msk vm2, v7;
	(pc) =	sbr.rel @p2 .LBB2_43-.Ltmp34, $2  }
0x286: {  	v7 =	vld [tilespmem:s7+$0x0];
	_ =	sdelay $0x2  }
0x287: {  	s8 =	simm.s32 $0x1D810;
	s6 =	simm.s32 $0x1;
	s7 =	simm.s32 $0x17810  }
.LBB2_42:
0x288: {  	s1 =	sadd.s32 $0x10, s1  }
0x289: {  	[tilespmem:v6+s26+$0x0] =	vst.idx.msk vm1, v7;
	s2 =	sadd.s32 $0x10, s2;
	s9 =	smov.u32 s6;
	s6 =	sadd.s32 $0x1, s6  }
0x28a: {  	v7 =	vld [tilespmem:s1+$0x0];
	p2 =	seq.s32 s5, s6;
	_ =	sdelay $0x4  }
0x28b: {  	vm2 =	vmmov vm0;
	p3 =	slt.s32 s9, s4;
	v6 =	vshrl.u32 v7, $0xA  }
0x28c: {  	vm2 =	vmneg @p3 vm2;
	v6 =	vand.u32 $0x3FF, v6  }
0x28d: {  	(xrf1) =	vunique.msk.u32 vm2, v6;
	_ =	sdelay $0x3  }
0x28e: {  	v8 =	vld [tilespmem:s2+$0x0];
	_ =	sdelay $0x4  }
0x28f: {  	vm1 =	vmmov vm0;
	p3 =	slt.s32 s9, s28;
	v9 =	vshrl.u32 v8, $0xA;
	v10 =	vld.idx.msk [tilespmem:v6+s13+$0x0], $0xffff  }
0x290: {  	vm1 =	vmneg @p3 vm1;
	v9 =	vand.u32 $0x3FF, v9  }
0x291: {  	(xrf1) =	vunique.msk.u32 vm1, v9;
	_ =	sdelay $0x2  }
0x292: {  	_, v11, vm3 =	vpop (xrf1)  }
0x293: {  	v10 =	vadd.s32 v10, v11;
	_ =	sdelay $0x3  }
0x294: {  	v11 =	vadd.s32 v1, v10  }
0x295: {  	[tilespmem:v6+s13+$0x0] =	vst.idx.msk vm3, v11  }
0x296: {  	v6 =	vld.idx.msk [tilespmem:v9+s14+$0x0], $0xffff;
	_ =	sdelay $0x3  }
0x297: {  	_, v11, vm3 =	vpop (xrf1);
	_ =	sdelay $0x1  }
0x298: {  	v10 =	vsub.s32 v10, v2;
	v6 =	vadd.s32 v6, v11  }
0x299: {  	v11 =	vadd.s32 v1, v6;
	v6 =	vsub.s32 v6, v2;
	_ =	sdelay $0x2  }
0x29a: {  	[tilespmem:v9+s14+$0x0] =	vst.idx.msk vm3, v11  }
0x29b: {  	[tilespmem:v10+s23+$0x0] =	vst.idx.msk vm2, v7  }
0x29c: {  	[tilespmem:v6+s24+$0x0] =	vst.idx.msk vm1, v8  }
0x29d: {  	v7 =	vld [tilespmem:s7+$0x0];
	_ =	sdelay $0x4  }
0x29e: {  	[tilespmem:v10+s25+$0x0] =	vst.idx.msk vm2, v7  }
.Ltmp35:
0x29f: {  	v7 =	vld [tilespmem:s8+$0x0];
	(pc) =	sbr.rel @!p2 .LBB2_42-.Ltmp35, $2  }
0x2a0: {  	_ =	sdelay $0x2  }
0x2a1: {  	s7 =	sadd.s32 $0x10, s7;
	s8 =	sadd.s32 $0x10, s8  }
.LBB2_43:
0x2a2: {  	_ =	sdelay $0x4  }
0x2a3: {  	[tilespmem:v6+s26+$0x0] =	vst.idx.msk vm1, v7  }
.LBB2_44:
0x2a4: {  	s1 =	simm.s32 $0x40;
	s2 =	simm.s32 $0x0  }
.LBB2_45:
0x2a5: {  	p2 =	seq.s32 s1, $0xFC0;
	[tilespmem:s2+$0x12000] =	vst v0;
	s6 =	smov.u32 s1;
	s1 =	sadd.s32 $0x40, s1  }
.Ltmp36:
0x2a6: {  	[tilespmem:s2+$0x12400] =	vst v0;
	(pc) =	sbr.rel @!p2 .LBB2_45-.Ltmp36, $2  }
0x2a7: {  	_ =	sdelay $0x2  }
0x2a8: {  	s2 =	sshra.s32 s6, $0x2  }
.Ltmp37:
0x2a9: {  	(pc) =	sbr.rel @!p1 .LBB2_47-.Ltmp37, $3  }
0x2aa: {  	_ =	sdelay $0x1  }
0x2ab: {  	[tilespmem:s2+$0x12000] =	vst v0  }
0x2ac: {  	[tilespmem:s2+$0x12400] =	vst v0  }
0x2ad: {  	s2 =	simm.s32 $0x14800  }
0x2ae: {  	s1 =	simm.s32 $0x1A800;
	v6 =	vld [tilespmem:s2+$0x0]  }
0x2af: {  	v7 =	vld [tilespmem:s1+$0x0];
	_ =	sdelay $0x2  }
0x2b0: {  	p1 =	sgt.s32 s4, $0x0;
	vm1 =	vmmov vm0  }
0x2b1: {  	vm2 =	vmmov vm0;
	vm1 =	vmneg @p1 vm1;
	p1 =	sgt.s32 s28, $0x0;
	v6 =	vshrl.u32 v6, $0x14  }
0x2b2: {  	vm2 =	vmneg @p1 vm2;
	v7 =	vshrl.u32 v7, $0x14;
	v6 =	vand.u32 $0x3FF, v6  }
0x2b3: {  	p1 =	seq.s32 s5, $0x1;
	v7 =	vand.u32 $0x3FF, v7  }
.Ltmp38:
0x2b4: {  	_ = 	snop;
	(pc) =	sbr.rel @p1 .LBB2_47-.Ltmp38, $3  }
0x2b5: {  	_ =	sdelay $0x1  }
0x2b6: {  	[tilespmem:v6+s13+$0x0] =	vst.idx.add.s32.msk vm1, v3  }
0x2b7: {  	s6 =	simm.s32 $0x14810;
	s2 =	simm.s32 $0x1;
	[tilespmem:v7+s14+$0x0] =	vst.idx.add.s32.msk vm2, v3  }
.LBB2_67:
0x2b8: {  	v6 =	vld [tilespmem:s6+$0x0];
	s1 =	sadd.s32 $0x10, s1;
	s7 =	smov.u32 s2  }
0x2b9: {  	s2 =	sadd.s32 $0x1, s2;
	v7 =	vld [tilespmem:s1+$0x0]  }
0x2ba: {  	p1 =	seq.s32 s5, s2;
	_ =	sdelay $0x1  }
0x2bb: {  	vm1 =	vmmov vm0;
	p2 =	slt.s32 s7, s4  }
0x2bc: {  	vm2 =	vmmov vm0;
	vm1 =	vmneg @p2 vm1;
	p2 =	slt.s32 s7, s28;
	v6 =	vshrl.u32 v6, $0x14  }
0x2bd: {  	vm2 =	vmneg @p2 vm2;
	v7 =	vshrl.u32 v7, $0x14;
	v6 =	vand.u32 $0x3FF, v6  }
0x2be: {  	v7 =	vand.u32 $0x3FF, v7  }
.Ltmp39:
0x2bf: {  	(pc) =	sbr.rel @!p1 .LBB2_67-.Ltmp39, $3  }
0x2c0: {  	_ =	sdelay $0x1  }
0x2c1: {  	[tilespmem:v6+s13+$0x0] =	vst.idx.add.s32.msk vm1, v3  }
0x2c2: {  	s6 =	sadd.s32 $0x10, s6;
	[tilespmem:v7+s14+$0x0] =	vst.idx.add.s32.msk vm2, v3  }
.LBB2_47:
0x2c3: {  	s6 =	simm.s32 $0x0  }
0x2c4: {  	v6 =	vld [tilespmem:s6+$0x12000];
	_ =	sdelay $0x1  }
0x2c5: {  	v7 =	vld [tilespmem:s6+$0x12400];
	_ =	sdelay $0x2  }
0x2c6: {  	(xrf0) =	vadd.scan.msk.s32 $0xffff, v6;
	_ =	sdelay $0x1  }
0x2c7: {  	(xrf0) =	vadd.scan.msk.s32 $0xffff, v7;
	_ =	sdelay $0x3  }
0x2c8: {  	s1 =	simm.s32 $0x0;
	v8, _, _ =	vpop (xrf0)  }
0x2c9: {  	v6 =	vsub.s32 s1, v6;
	(v2sf) =	vpush v8, $0xF  }
0x2ca: {  	v6 =	vadd.s32 v8, v6;
	v8, _, _ =	vpop (xrf0)  }
0x2cb: {  	(v2sf) =	vpush v8, $0xF  }
0x2cc: {  	s2 =	simm.s32 $0x10;
	v7 =	vsub.s32 s1, v7;
	[tilespmem:s6+$0x12000] =	vst v6  }
0x2cd: {  	v7 =	vadd.s32 v8, v7;
	v6 =	vld [tilespmem:s2+$0x12000]  }
0x2ce: {  	[tilespmem:s6+$0x12400] =	vst v7  }
0x2cf: {  	v7 =	vld [tilespmem:s2+$0x12400];
	_ =	sdelay $0x2  }
0x2d0: {  	(xrf0) =	vadd.scan.msk.s32 $0xffff, v6;
	_ =	sdelay $0x1  }
0x2d1: {  	(xrf0) =	vadd.scan.msk.s32 $0xffff, v7;
	_ =	sdelay $0x3  }
0x2d2: {  	s7 =	simm.s32 $0x80;
	s6 =	simm.s32 $0x0;
	v8, _, _ =	vpop (xrf0);
	s8 =	spop (v2sf)  }
.LBB2_48:
0x2d3: {  	s1 =	sadd.s32 s1, s8  }
0x2d4: {  	v9, _, _ =	vpop (xrf0);
	(v2sf) =	vpush v8, $0xF;
	s8 =	spop (v2sf);
	s9 =	smov.u32 s7;
	s11 =	sadd.s32 $0x40, s7  }
0x2d5: {  	p1 =	seq.s32 s7, $0xFC0;
	v6 =	vsub.s32 s1, v6;
	(v2sf) =	vpush v9, $0xF;
	s6 =	sadd.s32 s6, s8  }
0x2d6: {  	v6 =	vadd.s32 v8, v6;
	v7 =	vsub.s32 s6, v7  }
0x2d7: {  	s7 =	sshra.s32 s9, $0x2;
	[tilespmem:s2+$0x12000] =	vst v6;
	v7 =	vadd.s32 v9, v7  }
0x2d8: {  	v6 =	vld [tilespmem:s7+$0x12000];
	[tilespmem:s2+$0x12400] =	vst v7;
	s2 =	smov.u32 s7  }
0x2d9: {  	v7 =	vld [tilespmem:s2+$0x12400];
	_ =	sdelay $0x3  }
0x2da: {  	(xrf0) =	vadd.scan.msk.s32 $0xffff, v6  }
0x2db: {  	(xrf0) =	vadd.scan.msk.s32 $0xffff, v7  }
.Ltmp40:
0x2dc: {  	(pc) =	sbr.rel @!p1 .LBB2_48-.Ltmp40, $2  }
0x2dd: {  	_ =	sdelay $0x2  }
0x2de: {  	s7 =	smov.u32 s11;
	v8, _, _ =	vpop (xrf0);
	s8 =	spop (v2sf)  }
0x2df: {  	v9, _, _ =	vpop (xrf0);
	(v2sf) =	vpush v8, $0xF  }
0x2e0: {  	(v2sf) =	vpush v9, $0xF;
	_ =	sdelay $0x9  }
0x2e1: {  	p1 =	slt.s32 s5, $0x1  }
.Ltmp41:
0x2e2: {  	s1 =	sadd.s32 s1, s8;
	s7 =	spop (v2sf);
	(pc) =	sbr.rel @p1 .LBB2_53-.Ltmp41, $4  }
0x2e3: {  	v6 =	vsub.s32 s1, v6;
	s11 =	sadd.s32 s6, s7  }
0x2e4: {  	v6 =	vadd.s32 v8, v6;
	v7 =	vsub.s32 s11, v7  }
0x2e5: {  	[tilespmem:s2+$0x12000] =	vst v6;
	v6 =	vadd.s32 v9, v7;
	s29 =	spop (v2sf)  }
0x2e6: {  	s11 =	simm.s32 $0x10000;
	[tilespmem:s2+$0x12400] =	vst v6;
	s30 =	spop (v2sf)  }
0x2e7: {  	s1 =	simm.s32 $0x14800  }
0x2e8: {  	v7 =	vld [tilespmem:s1+$0x0];
	_ =	sdelay $0x4  }
0x2e9: {  	p1 =	sgt.s32 s4, $0x0;
	vm2 =	vmmov vm0;
	v6 =	vshrl.u32 v7, $0x14  }
0x2ea: {  	vm2 =	vmneg @p1 vm2;
	v6 =	vand.u32 $0x3FF, v6  }
0x2eb: {  	(xrf1) =	vunique.msk.u32 vm2, v6;
	_ =	sdelay $0x1  }
0x2ec: {  	s2 =	simm.s32 $0x1A800  }
0x2ed: {  	v8 =	vld [tilespmem:s2+$0x0];
	_ =	sdelay $0x4  }
0x2ee: {  	vm1 =	vmmov vm0;
	p1 =	sgt.s32 s28, $0x0;
	v9 =	vshrl.u32 v8, $0x14  }
0x2ef: {  	vm1 =	vmneg @p1 vm1;
	v9 =	vand.u32 $0x3FF, v9  }
0x2f0: {  	(xrf1) =	vunique.msk.u32 vm1, v9;
	_ =	sdelay $0x2  }
0x2f1: {  	v10 =	vld.idx.msk [tilespmem:v6+s13+$0x0], $0xffff  }
0x2f2: {  	_, v11, vm3 =	vpop (xrf1);
	_ =	sdelay $0x3  }
0x2f3: {  	v10 =	vadd.s32 v10, v11  }
0x2f4: {  	v11 =	vadd.s32 v1, v10  }
0x2f5: {  	[tilespmem:v6+s13+$0x0] =	vst.idx.msk vm3, v11  }
0x2f6: {  	v6 =	vld.idx.msk [tilespmem:v9+s14+$0x0], $0xffff;
	_ =	sdelay $0x2  }
0x2f7: {  	_, v11, vm3 =	vpop (xrf1);
	_ =	sdelay $0x1  }
0x2f8: {  	v10 =	vsub.s32 v10, v2;
	v11 =	vadd.s32 v6, v11  }
0x2f9: {  	v6 =	vsub.s32 v11, v2;
	_ =	sdelay $0x1  }
0x2fa: {  	v11 =	vadd.s32 v1, v11  }
0x2fb: {  	[tilespmem:v9+s14+$0x0] =	vst.idx.msk vm3, v11  }
0x2fc: {  	[tilespmem:v10+s19+$0x0] =	vst.idx.msk vm2, v7  }
0x2fd: {  	s6 =	simm.s32 $0x16800;
	[tilespmem:v6+s20+$0x0] =	vst.idx.msk vm1, v8  }
0x2fe: {  	v7 =	vld [tilespmem:s6+$0x0];
	_ =	sdelay $0x3  }
0x2ff: {  	p1 =	seq.s32 s5, $0x1  }
.Ltmp42:
0x300: {  	s7 =	simm.s32 $0x1C800;
	[tilespmem:v10+s21+$0x0] =	vst.idx.msk vm2, v7;
	(pc) =	sbr.rel @p1 .LBB2_52-.Ltmp42, $2  }
0x301: {  	v7 =	vld [tilespmem:s7+$0x0];
	_ =	sdelay $0x2  }
0x302: {  	s8 =	simm.s32 $0x1C810;
	s6 =	simm.s32 $0x1;
	s7 =	simm.s32 $0x16810  }
.LBB2_51:
0x303: {  	s1 =	sadd.s32 $0x10, s1  }
0x304: {  	[tilespmem:v6+s22+$0x0] =	vst.idx.msk vm1, v7;
	s2 =	sadd.s32 $0x10, s2;
	s9 =	smov.u32 s6;
	s6 =	sadd.s32 $0x1, s6  }
0x305: {  	v7 =	vld [tilespmem:s1+$0x0];
	p1 =	seq.s32 s5, s6;
	_ =	sdelay $0x4  }
0x306: {  	vm2 =	vmmov vm0;
	p2 =	slt.s32 s9, s4;
	v6 =	vshrl.u32 v7, $0x14  }
0x307: {  	vm2 =	vmneg @p2 vm2;
	v6 =	vand.u32 $0x3FF, v6  }
0x308: {  	(xrf1) =	vunique.msk.u32 vm2, v6;
	_ =	sdelay $0x3  }
0x309: {  	v8 =	vld [tilespmem:s2+$0x0];
	_ =	sdelay $0x4  }
0x30a: {  	vm1 =	vmmov vm0;
	p2 =	slt.s32 s9, s28;
	v9 =	vshrl.u32 v8, $0x14;
	v10 =	vld.idx.msk [tilespmem:v6+s13+$0x0], $0xffff  }
0x30b: {  	vm1 =	vmneg @p2 vm1;
	v9 =	vand.u32 $0x3FF, v9  }
0x30c: {  	(xrf1) =	vunique.msk.u32 vm1, v9;
	_ =	sdelay $0x2  }
0x30d: {  	_, v11, vm3 =	vpop (xrf1)  }
0x30e: {  	v10 =	vadd.s32 v10, v11;
	_ =	sdelay $0x3  }
0x30f: {  	v11 =	vadd.s32 v1, v10  }
0x310: {  	[tilespmem:v6+s13+$0x0] =	vst.idx.msk vm3, v11  }
0x311: {  	v6 =	vld.idx.msk [tilespmem:v9+s14+$0x0], $0xffff;
	_ =	sdelay $0x3  }
0x312: {  	_, v11, vm3 =	vpop (xrf1);
	_ =	sdelay $0x1  }
0x313: {  	v10 =	vsub.s32 v10, v2;
	v6 =	vadd.s32 v6, v11  }
0x314: {  	v11 =	vadd.s32 v1, v6;
	v6 =	vsub.s32 v6, v2;
	_ =	sdelay $0x2  }
0x315: {  	[tilespmem:v9+s14+$0x0] =	vst.idx.msk vm3, v11  }
0x316: {  	[tilespmem:v10+s19+$0x0] =	vst.idx.msk vm2, v7  }
0x317: {  	[tilespmem:v6+s20+$0x0] =	vst.idx.msk vm1, v8  }
0x318: {  	v7 =	vld [tilespmem:s7+$0x0];
	_ =	sdelay $0x4  }
0x319: {  	[tilespmem:v10+s21+$0x0] =	vst.idx.msk vm2, v7  }
.Ltmp43:
0x31a: {  	v7 =	vld [tilespmem:s8+$0x0];
	(pc) =	sbr.rel @!p1 .LBB2_51-.Ltmp43, $2  }
0x31b: {  	_ =	sdelay $0x2  }
0x31c: {  	s7 =	sadd.s32 $0x10, s7;
	s8 =	sadd.s32 $0x10, s8  }
.LBB2_52:
0x31d: {  	_ =	sdelay $0x4  }
0x31e: {  	[tilespmem:v6+s22+$0x0] =	vst.idx.msk vm1, v7  }
.LBB2_53:
0x31f: {  	s30 =	simm.s32 $0x0  }
0x320: {  	v8 =	vor.u32 s30, v4  }
0x321: {  	vm1 =	vlt.s32 v8, $0xCCB  }
0x322: {  	s1 =	sadd.s32 $0xFFFFF334, s31;
	v8 =	vnsel vm1, $0xCCB, v8  }
0x323: {  	v7 =	vmov s1;
	v9 =	vsub.s32 $0xCCB, v8  }
0x324: {  	s0 =	sadd.s32 $0xFFFFF334, s0;
	v10 =	vadd.s32 v7, v8  }
0x325: {  	v6 =	vmov s0  }
0x326: {  	v11 =	vadd.s32 v6, v8;
	_ =	sdelay $0x1  }
0x327: {  	v12 =	vld.idx.msk [tilespmem:v9+s17+$0x0], $0xffff  }
0x328: {  	v8 =	vld.idx.msk [tilespmem:v10+s19+$0x0], $0xffff  }
0x329: {  	v15 =	vld.idx.msk [tilespmem:v9+s18+$0x0], $0xffff  }
0x32a: {  	v9 =	vld.idx.msk [tilespmem:v11+s20+$0x0], $0xffff  }
0x32b: {  	v10 =	vld.idx.msk [tilespmem:v10+s21+$0x0], $0xffff  }
0x32c: {  	s31 =	simm.s32 $0x10;
	v11 =	vld.idx.msk [tilespmem:v11+s22+$0x0], $0xffff  }
0x32d: {  	v13 =	vor.u32 s31, v4  }
0x32e: {  	vm1 =	vlt.s32 v13, $0xCCB  }
0x32f: {  	s4 =	simm.s32 $0x80;
	v13 =	vnsel vm1, $0xCCB, v13;
	v14 =	vsub.f32 v8, v12  }
0x330: {  	s6 =	simm.s32 $0x400;
	s7 =	simm.s32 $0x1;
	s0 =	simm.s32 $0x20;
	v12 =	vsub.s32 $0xCCB, v13;
	v15 =	vsub.f32 v9, v15  }
.LBB2_54:
0x331: {  	p1 =	sne.s32 s0, $0xCC0;
	v16 =	vadd.s32 v7, v13;
	v8 =	vsub.f32 v8, v14  }
0x332: {  	v9 =	vsub.f32 v9, v15  }
0x333: {  	v13 =	vadd.s32 v6, v13;
	[tilespmem:v10+s3+$0x0] =	vst.idx.msk $0xffff, v8  }
0x334: {  	[tilespmem:v11+s10+$0x0] =	vst.idx.msk $0xffff, v9  }
0x335: {  	v14 =	vld.idx.msk [tilespmem:v12+s17+$0x0], $0xffff  }
0x336: {  	v8 =	vld.idx.msk [tilespmem:v16+s19+$0x0], $0xffff  }
0x337: {  	v15 =	vld.idx.msk [tilespmem:v12+s18+$0x0], $0xffff  }
0x338: {  	v9 =	vld.idx.msk [tilespmem:v13+s20+$0x0], $0xffff  }
0x339: {  	v10 =	vld.idx.msk [tilespmem:v16+s21+$0x0], $0xffff  }
.Ltmp44:
0x33a: {  	v11 =	vld.idx.msk [tilespmem:v13+s22+$0x0], $0xffff;
	(pc) =	sbr.rel @p1 .LBB2_54-.Ltmp44, $4  }
0x33b: {  	v12 =	vor.u32 s0, v4  }
0x33c: {  	vm1 =	vlt.s32 v12, $0xCCB  }
0x33d: {  	v13 =	vnsel vm1, $0xCCB, v12;
	v14 =	vsub.f32 v8, v14  }
0x33e: {  	s0 =	sadd.s32 $0x10, s0;
	v12 =	vsub.s32 $0xCCB, v13;
	v15 =	vsub.f32 v9, v15  }
0x33f: {  	_ =	sdelay $0x1  }
0x340: {  	v8 =	vsub.f32 v8, v14  }
0x341: {  	v7 =	vadd.s32 v7, v13;
	v9 =	vsub.f32 v9, v15  }
0x342: {  	v6 =	vadd.s32 v6, v13;
	[tilespmem:v10+s3+$0x0] =	vst.idx.msk $0xffff, v8  }
0x343: {  	[tilespmem:v11+s10+$0x0] =	vst.idx.msk $0xffff, v9  }
0x344: {  	v8 =	vld.idx.msk [tilespmem:v12+s17+$0x0], $0xffff  }
0x345: {  	v10 =	vld.idx.msk [tilespmem:v12+s18+$0x0], $0xffff  }
0x346: {  	v9 =	vld.idx.msk [tilespmem:v7+s19+$0x0], $0xffff  }
0x347: {  	v11 =	vld.idx.msk [tilespmem:v6+s20+$0x0], $0xffff  }
0x348: {  	v7 =	vld.idx.msk [tilespmem:v7+s21+$0x0], $0xffff  }
0x349: {  	v6 =	vld.idx.msk [tilespmem:v6+s22+$0x0], $0xffff;
	_ =	sdelay $0x2  }
0x34a: {  	v8 =	vsub.f32 v9, v8  }
0x34b: {  	v10 =	vsub.f32 v11, v10  }
0x34c: {  	v8 =	vsub.f32 v9, v8  }
0x34d: {  	s1 =	rddreg [dreg:$0x1];
	v63 =	vsub.f32 v11, v10  }
0x34e: {  	s0 =	rddreg [dreg:$0x6];
	[tilespmem:v7+s3+$0x0] =	vst.idx.msk $0xffff, v8  }
0x34f: {  	s0 =	sadd.s32 s1, s0;
	[tilespmem:v6+s10+$0x0] =	vst.idx.msk $0xffff, v63  }
0x350: {  	[hbm4b:s0+s4] =	stream.strided.scatter [tilespmem:s3], [sflag:$0x1], $0x8000, s6, s4, $0x38;
	[tilespmem:$0x1E800] =	vst v63  }
0x351: {  	_ =	swait.ge [sflag:s7], $0x8000  }
0x352: {  	[sflag:s7] =	ssyncset.done $0x0;
	s31 =	rddreg [dreg:$0x7]  }
.Ltmp45:
0x353: {  	[sflag:s7] =	ssyncadd.s32 $0xFFFF8000;
	s0 =	sadd.s32 s1, s31;
	(pc) =	sbr.rel @p0 .LBB2_2-.Ltmp45, $4  }
0x354: {  	[hbm4b:s0+s4] =	stream.strided.scatter [tilespmem:s10], [sflag:$0x1], $0x8000, s6, s4, $0x38;
	[tilespmem:$0x1E800] =	vst v63  }
0x355: {  	_ =	swait.ge [sflag:s7], $0x8000  }
0x356: {  	[sflag:s7] =	ssyncset.done $0x0  }
0x357: {  	p1 =	por $0x0, $0x0;
	s0 =	simm.s32 $0x20;
	[sflag:s7] =	ssyncadd.s32 $0xFFFF8000  }
0x358: {  	s1 =	rddreg [dreg:$0x5]  }
0x359: {  	s0 =	rddreg [dreg:$0x3];
	s1 =	sadd.s32 $0x1, s1  }
0x35a: {  	p0 =	sne.s32 s1, s0  }
.Ltmp46:
0x35b: {  	_ = 	snop;
	(pc) =	sbr.rel @p0 .LBB2_1-.Ltmp46, $1  }
0x35c: {  	_ =	sdelay $0x3  }
0x35d: {  	_ =	sfence.sel $0x180000  }
0x35e: {  	[bflag:$0x0] =	sbarrier.arrive $0xFFFF  }
0x35f: {  	_ =	strace $0x90000047  }
0x360: {  	s0 =	stileid.u32;
	[bflag:$0x2] =	sbarrier.arrive $0xFFFF  }
0x361: {  	p0 =	sne.s32 s0, $0x0;
	s0 =	rddreg [dreg:$0x2]  }
0x362: {  	s0 =	sadd.s32 @!p0 $0x100000, s0  }
0x363: {  	[sflag:s0] =	ssyncadd.tile.s32 @!p0 $0x1;
	_ =	shalt  }
.Lfunc_end2:
_tile_overlayer_lowered:
.L_overlay_start_2:
0x364: {  	(tag) =	ssettag $0x2  }
0x365: {  	s0 =	rddreg [dreg:$0x0];
	s2 =	stileid.u32  }
0x366: {  	s1 =	rddreg [dreg:$0x1];
	p0 =	sne.s32 s2, $0x0  }
0x367: {  	s3 =	rddreg [dreg:$0x2];
	[bflag:$0x3] =	sbarrier.arrive $0xFFFF;
	s2 =	simm.s32 @!p0 $0x1C01  }
0x368: {  	[timem:s3], [sflag:s2] =	dma.local @!p0 [hbm:s0], s1  }
0x369: {  	s0 =	simm.s32 @!p0 $0x1  }
0x36a: {  	_ =	swait.ge @!p0 [sflag:s0], s1  }
0x36b: {  	s1 =	ssub.s32 @!p0 $0x0, s1;
	[sflag:s0] =	ssyncset.done @!p0 $0x0  }
0x36c: {  	[sflag:s0] =	ssyncadd.s32 @!p0 s1  }
0x36d: {  	[bflag:$0x3] =	sbarrier.arrive $0xFFFF  }
0x36e: {  	_ =	shalt  }

</sc_bundles>
